<compile_context>
chip_gen: v7x
topology: tpu7x:2x2x1
jax: 0.10.2.dev20260603
libtpu: 0.0.44.dev20260713+nightly
codegen_flags: <defaults>
</compile_context>

<pallas_src>
import functools

import jax
import jax.numpy as jnp
from jax import lax
from jax.experimental import pallas as pl
from jax.experimental.pallas import tpu as pltpu
from jax.experimental.pallas import tpu_sc as plsc

B = 8
N = 1024
K = 20
EPS = 1e-5
BNK = float(B * N * K)
NW = 32
P = (B * N) // NW
CP = 128
F32 = jnp.float32
HI = jax.lax.Precision.HIGHEST


def _lrelu(v):
    return jnp.where(v >= 0, v, 0.2 * v)


def _bn_apply(v, mean, var, g, b):
    return (v - mean) / jnp.sqrt(var + EPS) * g + b


def _moments(hs_ref, hq_ref, cnt):
    s = jnp.sum(hs_ref[...], axis=0)
    q = jnp.sum(hq_ref[...], axis=0)
    mean = s / cnt
    var = q / cnt - mean * mean
    return mean, var


def _pad_cols(v, w):
    if v.shape[1] == w:
        return v
    return jnp.concatenate(
        [v, jnp.zeros((v.shape[0], w - v.shape[1]), F32)], axis=1)


def _topk_store(pair_ref, idx_ref, bofs):
    iota_n = lax.broadcasted_iota(jnp.int32, (N, N), 1)
    iota_k = lax.broadcasted_iota(jnp.int32, (N, K), 1)
    neg = jnp.float32(-jnp.inf)
    big = jnp.int32(1 << 30)

    m0 = jnp.max(pair_ref[...], axis=1, keepdims=True)

    def body(k, carry):
        m, idxacc = carry
        p = pair_ref[...]
        a = jnp.min(jnp.where(p == m, iota_n, big), axis=1,
                    keepdims=True)
        idxacc = jnp.where(iota_k == k, a + bofs, idxacc)
        pnew = jnp.where(iota_n == a, neg, p)
        pair_ref[...] = pnew
        mnew = jnp.max(pnew, axis=1, keepdims=True)
        return mnew, idxacc

    _, idxacc = lax.fori_loop(0, K, body, (m0, jnp.zeros((N, K), jnp.int32)))
    idx_ref[...] = idxacc


def _graph_common(xb, C, pair_ref, idx_ref, xpad_ref, b):
    dt = (((1,), (1,)), ((), ()))
    g = lax.dot_general(xb, xb, dt, preferred_element_type=F32)
    dd = lax.dot_general(jnp.ones((1, C), F32), xb * xb, dt, precision=HI,
                         preferred_element_type=F32)
    pair_ref[...] = 2.0 * g - dd
    xpad_ref[...] = _pad_cols(xb, CP)
    _topk_store(pair_ref, idx_ref, b * N)


def _ka1_body(x_ref, idx_ref, xpad_ref, pair_ref):
    _graph_common(x_ref[...], 3, pair_ref, idx_ref, xpad_ref,
                  pl.program_id(0))


def _ka_body(hmax_ref, hs_ref, hq_ref, g_ref, b_ref,
             idx_ref, xpad_ref, x_ref, pair_ref, C):
    b = pl.program_id(0)
    mean, var = _moments(hs_ref, hq_ref, BNK)
    xb = _lrelu(_bn_apply(hmax_ref[...], mean, var, g_ref[...], b_ref[...]))
    x_ref[...] = xb
    _graph_common(xb, C, pair_ref, idx_ref, xpad_ref, b)


def _make_ka1():
    return pl.pallas_call(
        _ka1_body,
        grid=(B,),
        in_specs=[pl.BlockSpec((N, 3), lambda b: (b, 0))],
        out_specs=[
            pl.BlockSpec((N, K), lambda b: (b, 0)),
            pl.BlockSpec((N, CP), lambda b: (b, 0)),
        ],
        out_shape=[
            jax.ShapeDtypeStruct((B * N, K), jnp.int32),
            jax.ShapeDtypeStruct((B * N, CP), F32),
        ],
        scratch_shapes=[pltpu.VMEM((N, N), F32)],
    )


def _make_ka(C):
    return pl.pallas_call(
        functools.partial(_ka_body, C=C),
        grid=(B,),
        in_specs=[
            pl.BlockSpec((N, C), lambda b: (b, 0)),
            pl.BlockSpec((B, 1, C), lambda b: (0, 0, 0)),
            pl.BlockSpec((B, 1, C), lambda b: (0, 0, 0)),
            pl.BlockSpec((1, C), lambda b: (0, 0)),
            pl.BlockSpec((1, C), lambda b: (0, 0)),
        ],
        out_specs=[
            pl.BlockSpec((N, K), lambda b: (b, 0)),
            pl.BlockSpec((N, CP), lambda b: (b, 0)),
            pl.BlockSpec((N, C), lambda b: (b, 0)),
        ],
        out_shape=[
            jax.ShapeDtypeStruct((B * N, K), jnp.int32),
            jax.ShapeDtypeStruct((B * N, CP), F32),
            jax.ShapeDtypeStruct((B * N, C), F32),
        ],
        scratch_shapes=[pltpu.VMEM((N, N), F32)],
    )


@functools.cache
def _make_sc_gather():
    PG = 4
    NG = P // PG
    mesh = plsc.VectorSubcoreMesh(core_axis_name="c", subcore_axis_name="s")

    NB = 4
    scratch = [pltpu.VMEM((P * K,), jnp.int32)]
    scratch += [pltpu.VMEM((PG * K, CP), F32) for _ in range(NB)]
    scratch += [pltpu.SemaphoreType.DMA for _ in range(2 * NB)]

    @functools.partial(
        pl.kernel,
        mesh=mesh,
        out_type=jax.ShapeDtypeStruct((B * N * K, CP), F32),
        scratch_types=scratch,
    )
    def sc_fn(idx_hbm, xpad_hbm, feat_hbm, idx_v, *bufsem):
        bufs = bufsem[:NB]
        sgs = bufsem[NB:2 * NB]
        sws = bufsem[2 * NB:]
        wid = lax.axis_index("s") * 2 + lax.axis_index("c")
        base = wid * P
        pltpu.sync_copy(idx_hbm.at[pl.ds(base * K, P * K)], idx_v)

        def gstart(gi, b):
            pltpu.async_copy(
                xpad_hbm.at[idx_v.at[pl.ds(gi * PG * K, PG * K)]],
                bufs[b], sgs[b])

        for b in range(NB):
            gstart(b, b)

        def outer(go, _):
            for b in range(NB):
                gi = go * NB + b
                pltpu.make_async_copy(
                    xpad_hbm.at[idx_v.at[pl.ds(gi * PG * K, PG * K)]],
                    bufs[b], sgs[b]).wait()
                pltpu.async_copy(
                    bufs[b],
                    feat_hbm.at[pl.ds((base + gi * PG) * K, PG * K)],
                    sws[b])

                @pl.when(gi + NB < NG)
                def _():
                    pltpu.make_async_copy(
                        bufs[b],
                        feat_hbm.at[pl.ds((base + gi * PG) * K, PG * K)],
                        sws[b]).wait()
                    gstart(gi + NB, b)
            return 0
        lax.fori_loop(0, NG // NB, outer, 0)
        for b in range(NB):
            gi = NG - NB + b
            pltpu.make_async_copy(
                bufs[b],
                feat_hbm.at[pl.ds((base + gi * PG) * K, PG * K)],
                sws[b]).wait()

    return sc_fn


def _kb_body(diff_ref, x_ref, wt_ref, hmax_ref, hs_ref, hq_ref, C, O, T):
    NT = N // T
    acc = (jnp.zeros((1, O), F32), jnp.zeros((1, O), F32))

    def sub(t, carry):
        acc_s, acc_q = carry
        fblk = diff_ref[pl.ds(t * NT * K, NT * K), :C]
        xb = x_ref[pl.ds(t * NT, NT), :]
        ctr = jnp.broadcast_to(xb[:, None, :], (NT, K, C)).reshape(NT * K, C)
        f2 = jnp.concatenate([fblk - ctr, ctr], axis=1)
        h = jnp.dot(f2, wt_ref[...], preferred_element_type=F32)
        hmax_ref[pl.ds(t * NT, NT), :] = jnp.max(
            h.reshape(NT, K, O), axis=1)
        return (acc_s + jnp.sum(h, axis=0, keepdims=True),
                acc_q + jnp.sum(h * h, axis=0, keepdims=True))

    acc_s, acc_q = lax.fori_loop(0, T, sub, acc)
    hs_ref[...] = acc_s[None]
    hq_ref[...] = acc_q[None]


def _make_kb(C, O, T=4):
    return pl.pallas_call(
        functools.partial(_kb_body, C=C, O=O, T=T),
        grid=(B,),
        in_specs=[
            pl.BlockSpec((N * K, CP), lambda b: (b, 0)),
            pl.BlockSpec((N, C), lambda b: (b, 0)),
            pl.BlockSpec((2 * C, O), lambda b: (0, 0)),
        ],
        out_specs=[
            pl.BlockSpec((N, O), lambda b: (b, 0)),
            pl.BlockSpec((1, 1, O), lambda b: (b, 0, 0)),
            pl.BlockSpec((1, 1, O), lambda b: (b, 0, 0)),
        ],
        out_shape=[
            jax.ShapeDtypeStruct((B * N, O), F32),
            jax.ShapeDtypeStruct((B, 1, O), F32),
            jax.ShapeDtypeStruct((B, 1, O), F32),
        ],
    )


def _final_body(x1_ref, x2_ref, x3_ref, hmax_ref, hs_ref, hq_ref,
                g4_ref, b4_ref, w5_ref, g5_ref, b5_ref,
                l1o_ref, g6o_ref, b6o_ref, l2o_ref, l2ob_ref, g7o_ref,
                b7o_ref, l3o_ref, l3ob_ref,
                l1n_ref, g6n_ref, b6n_ref, l2n_ref, l2nb_ref, g7n_ref,
                b7n_ref, l3n_ref, l3nb_ref,
                old_ref, new_ref, feat_s):
    mean4, var4 = _moments(hs_ref, hq_ref, BNK)

    def h5_of(b):
        rows = pl.ds(b * N, N)
        x4b = _lrelu(_bn_apply(hmax_ref[rows, :], mean4, var4,
                               g4_ref[...], b4_ref[...]))
        xcb = jnp.concatenate(
            [x1_ref[rows, :], x2_ref[rows, :], x3_ref[rows, :], x4b], axis=1)
        return jnp.dot(xcb, w5_ref[...], preferred_element_type=F32)

    def pass1(b, carry):
        acc_s, acc_q = carry
        h5b = h5_of(b)
        return (acc_s + jnp.sum(h5b, axis=0, keepdims=True),
                acc_q + jnp.sum(h5b * h5b, axis=0, keepdims=True))

    acc_s, acc_q = lax.fori_loop(
        0, B, pass1,
        (jnp.zeros((1, 1024), F32), jnp.zeros((1, 1024), F32)))
    cnt = float(B * N)
    mean5 = acc_s / cnt
    var5 = acc_q / cnt - mean5 * mean5

    def pass2(b, _):
        hb = _lrelu(_bn_apply(h5_of(b), mean5, var5,
                              g5_ref[...], b5_ref[...]))
        fmax = jnp.max(hb, axis=0, keepdims=True)
        fmean = jnp.sum(hb, axis=0, keepdims=True) * (1.0 / N)
        feat_s[pl.ds(b, 1), :] = jnp.concatenate([fmax, fmean], axis=1)
        return 0
    lax.fori_loop(0, B, pass2, 0)

    feat = feat_s[...]

    def head(l1, g6, b6, l2, l2b, g7, b7, l3, l3b):
        h = jnp.dot(feat, l1[...], preferred_element_type=F32)
        m = jnp.sum(h, axis=0, keepdims=True) / B
        v = jnp.sum(h * h, axis=0, keepdims=True) / B - m * m
        h = _lrelu(_bn_apply(h, m, v, g6[...], b6[...]))
        h = jnp.dot(h, l2[...], preferred_element_type=F32) + l2b[...]
        m = jnp.sum(h, axis=0, keepdims=True) / B
        v = jnp.sum(h * h, axis=0, keepdims=True) / B - m * m
        h = _lrelu(_bn_apply(h, m, v, g7[...], b7[...]))
        return jnp.dot(h, l3[...], preferred_element_type=F32) + l3b[...]

    old_ref[...] = head(l1o_ref, g6o_ref, b6o_ref, l2o_ref, l2ob_ref,
                        g7o_ref, b7o_ref, l3o_ref, l3ob_ref)
    new_ref[...] = head(l1n_ref, g6n_ref, b6n_ref, l2n_ref, l2nb_ref,
                        g7n_ref, b7n_ref, l3n_ref, l3nb_ref)


_final_call = pl.pallas_call(
    _final_body,
    out_shape=[
        jax.ShapeDtypeStruct((B, 10), F32),
        jax.ShapeDtypeStruct((B, 10), F32),
    ],
    scratch_shapes=[
        pltpu.VMEM((B, 2048), F32),
    ],
)

_ka1_call = _make_ka1()
_ka2_call = _make_ka(64)
_ka3_call = _make_ka(64)
_ka4_call = _make_ka(128)
_kb1_call = _make_kb(3, 64)
_kb2_call = _make_kb(64, 64)
_kb3_call = _make_kb(64, 128)
_kb4_call = _make_kb(128, 256)


def kernel(x, W1, g1, b1, W2, g2, b2, W3, g3, b3, W4, g4, b4, W5, g5, b5,
           L1o, g6o, b6o, L2ow, L2ob, g7o, b7o, L3ow, L3ob,
           L1n, g6n, b6n, L2nw, L2nb, g7n, b7n, L3nw, L3nb):
    r = lambda a: a.reshape(1, -1)
    xt0 = x.transpose(0, 2, 1).reshape(B * N, 3)

    idx, xpad = _ka1_call(xt0)
    diff = _make_sc_gather()(idx.reshape(-1), xpad)
    hm1, hs1, hq1 = _kb1_call(diff, xt0, W1.T)

    idx, xpad, x1 = _ka2_call(hm1, hs1, hq1, r(g1), r(b1))
    diff = _make_sc_gather()(idx.reshape(-1), xpad)
    hm2, hs2, hq2 = _kb2_call(diff, x1, W2.T)

    idx, xpad, x2 = _ka3_call(hm2, hs2, hq2, r(g2), r(b2))
    diff = _make_sc_gather()(idx.reshape(-1), xpad)
    hm3, hs3, hq3 = _kb3_call(diff, x2, W3.T)

    idx, xpad, x3 = _ka4_call(hm3, hs3, hq3, r(g3), r(b3))
    diff = _make_sc_gather()(idx.reshape(-1), xpad)
    hm4, hs4, hq4 = _kb4_call(diff, x3, W4.T)

    old, new = _final_call(
        x1, x2, x3, hm4, hs4, hq4, r(g4), r(b4),
        W5.T, r(g5), r(b5),
        L1o.T, r(g6o), r(b6o), L2ow.T, r(L2ob), r(g7o), r(b7o),
        L3ow.T, r(L3ob),
        L1n.T, r(g6n), r(b6n), L2nw.T, r(L2nb), r(g7n), r(b7n),
        L3nw.T, r(L3nb))
    return (old, new)

# --- scband reference (transcript-rebuilt; emitter-appended) ---
"""Pipeline reference for scband-dgcnnlwf3-dv1-2-46703474377490 (READ-ONLY COPY).

The authoritative reference and input builder live on the scoring server;
editing this copy changes nothing except your own understanding.
"""

import jax, jax.numpy as jnp
import numpy as np

K = 20
EPS = 1e-5

def lrelu(x):
    return jax.nn.leaky_relu(x, 0.2)

def bn(x, g, b, axes):
    m = jnp.mean(x, axis=axes, keepdims=True)
    v = jnp.var(x, axis=axes, keepdims=True)
    sh = [1] * x.ndim
    caxis = [i for i in range(x.ndim) if i not in axes][0]
    sh[caxis] = x.shape[caxis]
    return (x - m) / jnp.sqrt(v + EPS) * g.reshape(sh) + b.reshape(sh)

def get_graph_feature(x, k):
    inner = -2.0 * jnp.einsum('bcn,bcm->bnm', x, x)
    xx = jnp.sum(x * x, axis=1, keepdims=True)
    pair = -xx - inner - jnp.transpose(xx, (0, 2, 1))
    idx = jax.lax.top_k(pair, k)[1]
    xt = jnp.transpose(x, (0, 2, 1))
    feat = jax.vmap(lambda p, i: p[i])(xt, idx)
    ctr = jnp.broadcast_to(xt[:, :, None, :], feat.shape)
    out = jnp.concatenate([feat - ctr, ctr], axis=-1)
    return jnp.transpose(out, (0, 3, 1, 2))

def setup_inputs(seed: int = 0):
    key = jax.random.key(seed)
    ks = jax.random.split(key, 40)
    def w(i, shape, scale=0.05):
        return jax.random.normal(ks[i], shape, jnp.float32) * scale
    d = {}
    d['x'] = jax.random.normal(ks[0], (8, 3, 1024), jnp.float32)
    d['W1'] = w(1, (64, 6)); d['g1'] = jnp.ones(64); d['b1'] = jnp.zeros(64)
    d['W2'] = w(2, (64, 128)); d['g2'] = jnp.ones(64); d['b2'] = jnp.zeros(64)
    d['W3'] = w(3, (128, 128)); d['g3'] = jnp.ones(128); d['b3'] = jnp.zeros(128)
    d['W4'] = w(4, (256, 256)); d['g4'] = jnp.ones(256); d['b4'] = jnp.zeros(256)
    d['W5'] = w(5, (1024, 512)); d['g5'] = jnp.ones(1024); d['b5'] = jnp.zeros(1024)
    d['L1o'] = w(6, (512, 2048)); d['g6o'] = jnp.ones(512); d['b6o'] = jnp.zeros(512)
    d['L2ow'] = w(7, (256, 512)); d['L2ob'] = jnp.zeros(256); d['g7o'] = jnp.ones(256); d['b7o'] = jnp.zeros(256)
    d['L3ow'] = w(8, (10, 256)); d['L3ob'] = jnp.zeros(10)
    d['L1n'] = w(9, (512, 2048)); d['g6n'] = jnp.ones(512); d['b6n'] = jnp.zeros(512)
    d['L2nw'] = w(10, (256, 512)); d['L2nb'] = jnp.zeros(256); d['g7n'] = jnp.ones(256); d['b7n'] = jnp.zeros(256)
    d['L3nw'] = w(11, (10, 256)); d['L3nb'] = jnp.zeros(10)
    return d

def reference(x, W1, g1, b1, W2, g2, b2, W3, g3, b3, W4, g4, b4, W5, g5, b5, L1o, g6o, b6o, L2ow, L2ob, g7o, b7o, L3ow, L3ob, L1n, g6n, b6n, L2nw, L2nb, g7n, b7n, L3nw, L3nb):
    f = get_graph_feature(x, K)
    h = lrelu(bn(jnp.einsum('oc,bcnk->bonk', W1, f), g1, b1, (0, 2, 3)))
    x1 = jnp.max(h, axis=-1)
    f = get_graph_feature(x1, K)
    h = lrelu(bn(jnp.einsum('oc,bcnk->bonk', W2, f), g2, b2, (0, 2, 3)))
    x2 = jnp.max(h, axis=-1)
    f = get_graph_feature(x2, K)
    h = lrelu(bn(jnp.einsum('oc,bcnk->bonk', W3, f), g3, b3, (0, 2, 3)))
    x3 = jnp.max(h, axis=-1)
    f = get_graph_feature(x3, K)
    h = lrelu(bn(jnp.einsum('oc,bcnk->bonk', W4, f), g4, b4, (0, 2, 3)))
    x4 = jnp.max(h, axis=-1)
    xc = jnp.concatenate([x1, x2, x3, x4], axis=1)
    h5 = lrelu(bn(jnp.einsum('oc,bcn->bon', W5, xc), g5, b5, (0, 2)))
    feat = jnp.concatenate([jnp.max(h5, axis=-1), jnp.mean(h5, axis=-1)], axis=1)
    def head(L1, g6, b6, L2w, L2b, g7, b7, L3w, L3b):
        h = lrelu(bn(feat @ L1.T, g6, b6, (0,)))
        h = lrelu(bn(h @ L2w.T + L2b, g7, b7, (0,)))
        return h @ L3w.T + L3b
    old = head(L1o, g6o, b6o, L2ow, L2ob, g7o, b7o, L3ow, L3ob)
    new = head(L1n, g6n, b6n, L2nw, L2nb, g7n, b7n, L3nw, L3nb)
    return (old, new)

if __name__ == "__main__":
    import jax
    _d = setup_inputs()
    print(jax.jit(kernel)(*tuple(_d.values())))

</pallas_src>

<mosaic_0001>
#map = affine_map<(d0, d1) -> (0)>
#map1 = affine_map<(d0, d1) -> (0, 0)>
module attributes {stable_mosaic.version = 14 : i64} {
  func.func @sc_fn(%arg0: i32, %arg1: i32, %arg2: memref<163840xi32, #tpu.memory_space<hbm>>, %arg3: memref<8192x128xf32, #tpu.memory_space<hbm>>, %arg4: memref<163840x128xf32, #tpu.memory_space<hbm>>, %arg5: memref<5120xi32, #tpu.memory_space<vmem>>, %arg6: memref<80x128xf32, #tpu.memory_space<vmem>>, %arg7: memref<80x128xf32, #tpu.memory_space<vmem>>, %arg8: memref<80x128xf32, #tpu.memory_space<vmem>>, %arg9: memref<80x128xf32, #tpu.memory_space<vmem>>, %arg10: memref<!tpu.dma_semaphore, #tpu.memory_space<semaphore_mem>>, %arg11: memref<!tpu.dma_semaphore, #tpu.memory_space<semaphore_mem>>, %arg12: memref<!tpu.dma_semaphore, #tpu.memory_space<semaphore_mem>>, %arg13: memref<!tpu.dma_semaphore, #tpu.memory_space<semaphore_mem>>, %arg14: memref<!tpu.dma_semaphore, #tpu.memory_space<semaphore_mem>>, %arg15: memref<!tpu.dma_semaphore, #tpu.memory_space<semaphore_mem>>, %arg16: memref<!tpu.dma_semaphore, #tpu.memory_space<semaphore_mem>>, %arg17: memref<!tpu.dma_semaphore, #tpu.memory_space<semaphore_mem>>) attributes {dimension_semantics = [#tpu.dimension_semantics<core_parallel>, #tpu.dimension_semantics<subcore_parallel>], iteration_bounds = array<i64: 2, 16>, scalar_prefetch = 0 : i64, scratch_operands = 13 : i64, tpu.core_type = #tpu.core_type<sc_vector_subcore>, window_params = [{transform_indices = #map}, {transform_indices = #map1}, {transform_indices = #map1}]} {
    %mul3A = arith.constant 2 : i32
    %mul3A_0 = arith.muli %arg1, %mul3A : i32
    %add3A = arith.addi %mul3A_0, %arg0 : i32
    %mul3A_1 = arith.constant 256 : i32
    %mul3A_2 = arith.muli %add3A, %mul3A_1 : i32
    %mul3A_3 = arith.constant 20 : i32
    %mul3A_4 = arith.muli %mul3A_2, %mul3A_3 : i32
    "tpu.region"() ({
      %run_scoped3A = tpu.sem_alloc : memref<!tpu.dma_semaphore, #tpu.memory_space<semaphore_mem>>
      %dma_start3A_61 = tpu.memref_slice %arg2[%mul3A_4] : memref<163840xi32, #tpu.memory_space<hbm>> -> memref<5120xi32, #tpu.memory_space<hbm>>
      %dma_start3A_62 = tpu.memref_slice %arg2[%mul3A_4] : memref<163840xi32, #tpu.memory_space<hbm>> -> memref<5120xi32, #tpu.memory_space<hbm>>
      tpu.enqueue_dma source(%dma_start3A_62 : memref<5120xi32, #tpu.memory_space<hbm>>) target(%arg5 : memref<5120xi32, #tpu.memory_space<vmem>>) target_semaphore(%run_scoped3A : memref<!tpu.dma_semaphore, #tpu.memory_space<semaphore_mem>>)
      %dma_wait3A_63 = tpu.memref_slice %arg2[%mul3A_4] : memref<163840xi32, #tpu.memory_space<hbm>> -> memref<5120xi32, #tpu.memory_space<hbm>>
      %dma_wait3A_64 = tpu.memref_slice %arg2[%mul3A_4] : memref<163840xi32, #tpu.memory_space<hbm>> -> memref<5120xi32, #tpu.memory_space<hbm>>
      tpu.wait_dma2 semaphore(%run_scoped3A : memref<!tpu.dma_semaphore, #tpu.memory_space<semaphore_mem>>) src(%dma_wait3A_64 : memref<5120xi32, #tpu.memory_space<hbm>>) dst(%arg5 : memref<5120xi32, #tpu.memory_space<vmem>>)
      tpu.yield
    }) : () -> ()
    %dma_start3A = arith.constant 0 : i32
    %dma_start3A_5 = tpu.memref_slice %arg5[%dma_start3A] : memref<5120xi32, #tpu.memory_space<vmem>> -> memref<80xi32, #tpu.memory_space<vmem>>
    %dma_start3A_6 = arith.constant 0 : i32
    %dma_start3A_7 = arith.constant 0 : i32
    %dma_start3A_8 = tpu.memref_slice %arg3[%dma_start3A_6, %dma_start3A_7] : memref<8192x128xf32, #tpu.memory_space<hbm>> -> memref<8192x128xf32, #tpu.memory_space<hbm>>
    tpu.enqueue_indirect_dma source(%dma_start3A_8 : memref<8192x128xf32, #tpu.memory_space<hbm>>) target(%arg6 : memref<80x128xf32, #tpu.memory_space<vmem>>) offsets(%dma_start3A_5 : memref<80xi32, #tpu.memory_space<vmem>>) semaphore(%arg10 : memref<!tpu.dma_semaphore, #tpu.memory_space<semaphore_mem>>)
    %dma_start3A_9 = arith.constant 80 : i32
    %dma_start3A_10 = tpu.memref_slice %arg5[%dma_start3A_9] : memref<5120xi32, #tpu.memory_space<vmem>> -> memref<80xi32, #tpu.memory_space<vmem>>
    %dma_start3A_11 = arith.constant 0 : i32
    %dma_start3A_12 = arith.constant 0 : i32
    %dma_start3A_13 = tpu.memref_slice %arg3[%dma_start3A_11, %dma_start3A_12] : memref<8192x128xf32, #tpu.memory_space<hbm>> -> memref<8192x128xf32, #tpu.memory_space<hbm>>
    tpu.enqueue_indirect_dma source(%dma_start3A_13 : memref<8192x128xf32, #tpu.memory_space<hbm>>) target(%arg7 : memref<80x128xf32, #tpu.memory_space<vmem>>) offsets(%dma_start3A_10 : memref<80xi32, #tpu.memory_space<vmem>>) semaphore(%arg11 : memref<!tpu.dma_semaphore, #tpu.memory_space<semaphore_mem>>)
    %dma_start3A_14 = arith.constant 160 : i32
    %dma_start3A_15 = tpu.memref_slice %arg5[%dma_start3A_14] : memref<5120xi32, #tpu.memory_space<vmem>> -> memref<80xi32, #tpu.memory_space<vmem>>
    %dma_start3A_16 = arith.constant 0 : i32
    %dma_start3A_17 = arith.constant 0 : i32
    %dma_start3A_18 = tpu.memref_slice %arg3[%dma_start3A_16, %dma_start3A_17] : memref<8192x128xf32, #tpu.memory_space<hbm>> -> memref<8192x128xf32, #tpu.memory_space<hbm>>
    tpu.enqueue_indirect_dma source(%dma_start3A_18 : memref<8192x128xf32, #tpu.memory_space<hbm>>) target(%arg8 : memref<80x128xf32, #tpu.memory_space<vmem>>) offsets(%dma_start3A_15 : memref<80xi32, #tpu.memory_space<vmem>>) semaphore(%arg12 : memref<!tpu.dma_semaphore, #tpu.memory_space<semaphore_mem>>)
    %dma_start3A_19 = arith.constant 240 : i32
    %dma_start3A_20 = tpu.memref_slice %arg5[%dma_start3A_19] : memref<5120xi32, #tpu.memory_space<vmem>> -> memref<80xi32, #tpu.memory_space<vmem>>
    %dma_start3A_21 = arith.constant 0 : i32
    %dma_start3A_22 = arith.constant 0 : i32
    %dma_start3A_23 = tpu.memref_slice %arg3[%dma_start3A_21, %dma_start3A_22] : memref<8192x128xf32, #tpu.memory_space<hbm>> -> memref<8192x128xf32, #tpu.memory_space<hbm>>
    tpu.enqueue_indirect_dma source(%dma_start3A_23 : memref<8192x128xf32, #tpu.memory_space<hbm>>) target(%arg9 : memref<80x128xf32, #tpu.memory_space<vmem>>) offsets(%dma_start3A_20 : memref<80xi32, #tpu.memory_space<vmem>>) semaphore(%arg13 : memref<!tpu.dma_semaphore, #tpu.memory_space<semaphore_mem>>)
    %scan3A = arith.constant 0 : i32
    %scan3A_24 = arith.constant 0 : i32
    %scan3A_25 = arith.constant 16 : i32
    %scan3A_26 = arith.addi %scan3A_24, %scan3A_25 : i32
    %scan3A_27 = arith.constant 1 : i32
    %scan3A_28 = scf.for %scan3A_61 = %scan3A_24 to %scan3A_26 step %scan3A_27 iter_args(%scan3A_62 = %scan3A) -> (i32)  : i32 {
      %mul3A_63 = arith.constant 4 : i32
      %mul3A_64 = arith.muli %scan3A_61, %mul3A_63 : i32
      %add3A_65 = arith.constant 0 : i32
      %add3A_66 = arith.addi %mul3A_64, %add3A_65 : i32
      %mul3A_67 = arith.constant 4 : i32
      %mul3A_68 = arith.muli %add3A_66, %mul3A_67 : i32
      %mul3A_69 = arith.constant 20 : i32
      %mul3A_70 = arith.muli %mul3A_68, %mul3A_69 : i32
      %dma_wait3A_71 = tpu.memref_slice %arg5[%mul3A_70] : memref<5120xi32, #tpu.memory_space<vmem>> -> memref<80xi32, #tpu.memory_space<vmem>>
      %dma_wait3A_72 = arith.constant 0 : i32
      %dma_wait3A_73 = arith.constant 0 : i32
      %dma_wait3A_74 = tpu.memref_slice %arg3[%dma_wait3A_72, %dma_wait3A_73] : memref<8192x128xf32, #tpu.memory_space<hbm>> -> memref<8192x128xf32, #tpu.memory_space<hbm>>
      tpu.wait_indirect_dma semaphore(%arg10 : memref<!tpu.dma_semaphore, #tpu.memory_space<semaphore_mem>>) src(%dma_wait3A_74 : memref<8192x128xf32, #tpu.memory_space<hbm>>) dst(%arg6 : memref<80x128xf32, #tpu.memory_space<vmem>>)
      %mul3A_75 = arith.constant 4 : i32
      %mul3A_76 = arith.muli %add3A_66, %mul3A_75 : i32
      %add3A_77 = arith.addi %mul3A_2, %mul3A_76 : i32
      %mul3A_78 = arith.constant 20 : i32
      %mul3A_79 = arith.muli %add3A_77, %mul3A_78 : i32
      %dma_start3A_80 = arith.constant 0 : i32
      %dma_start3A_81 = tpu.memref_slice %arg4[%mul3A_79, %dma_start3A_80] : memref<163840x128xf32, #tpu.memory_space<hbm>> -> memref<80x128xf32, #tpu.memory_space<hbm>>
      %dma_start3A_82 = arith.constant 0 : i32
      %dma_start3A_83 = tpu.memref_slice %arg4[%mul3A_79, %dma_start3A_82] : memref<163840x128xf32, #tpu.memory_space<hbm>> -> memref<80x128xf32, #tpu.memory_space<hbm>>
      tpu.enqueue_dma source(%arg6 : memref<80x128xf32, #tpu.memory_space<vmem>>) target(%dma_start3A_83 : memref<80x128xf32, #tpu.memory_space<hbm>>) target_semaphore(%arg14 : memref<!tpu.dma_semaphore, #tpu.memory_space<semaphore_mem>>)
      %add3A_84 = arith.constant 4 : i32
      %add3A_85 = arith.addi %add3A_66, %add3A_84 : i32
      %lt3A = arith.constant 64 : i32
      %lt3A_86 = arith.cmpi slt, %add3A_85, %lt3A : i32
      %convert_element_type3A = arith.extui %lt3A_86 : i1 to i32
      %cond3A = arith.constant 0 : i32
      %cond3A_87 = arith.cmpi ne, %convert_element_type3A, %cond3A : i32
      scf.if %cond3A_87 {
        %mul3A_173 = arith.constant 4 : i32
        %mul3A_174 = arith.muli %add3A_66, %mul3A_173 : i32
        %add3A_175 = arith.addi %mul3A_2, %mul3A_174 : i32
        %mul3A_176 = arith.constant 20 : i32
        %mul3A_177 = arith.muli %add3A_175, %mul3A_176 : i32
        %dma_wait3A_178 = arith.constant 0 : i32
        %dma_wait3A_179 = tpu.memref_slice %arg4[%mul3A_177, %dma_wait3A_178] : memref<163840x128xf32, #tpu.memory_space<hbm>> -> memref<80x128xf32, #tpu.memory_space<hbm>>
        %dma_wait3A_180 = arith.constant 0 : i32
        %dma_wait3A_181 = tpu.memref_slice %arg4[%mul3A_177, %dma_wait3A_180] : memref<163840x128xf32, #tpu.memory_space<hbm>> -> memref<80x128xf32, #tpu.memory_space<hbm>>
        tpu.wait_dma2 semaphore(%arg14 : memref<!tpu.dma_semaphore, #tpu.memory_space<semaphore_mem>>) src(%arg6 : memref<80x128xf32, #tpu.memory_space<vmem>>) dst(%dma_wait3A_181 : memref<80x128xf32, #tpu.memory_space<hbm>>)
        %add3A_182 = arith.constant 4 : i32
        %add3A_183 = arith.addi %add3A_66, %add3A_182 : i32
        %mul3A_184 = arith.constant 4 : i32
        %mul3A_185 = arith.muli %add3A_183, %mul3A_184 : i32
        %mul3A_186 = arith.constant 20 : i32
        %mul3A_187 = arith.muli %mul3A_185, %mul3A_186 : i32
        %dma_start3A_188 = tpu.memref_slice %arg5[%mul3A_187] : memref<5120xi32, #tpu.memory_space<vmem>> -> memref<80xi32, #tpu.memory_space<vmem>>
        %dma_start3A_189 = arith.constant 0 : i32
        %dma_start3A_190 = arith.constant 0 : i32
        %dma_start3A_191 = tpu.memref_slice %arg3[%dma_start3A_189, %dma_start3A_190] : memref<8192x128xf32, #tpu.memory_space<hbm>> -> memref<8192x128xf32, #tpu.memory_space<hbm>>
        tpu.enqueue_indirect_dma source(%dma_start3A_191 : memref<8192x128xf32, #tpu.memory_space<hbm>>) target(%arg6 : memref<80x128xf32, #tpu.memory_space<vmem>>) offsets(%dma_start3A_188 : memref<80xi32, #tpu.memory_space<vmem>>) semaphore(%arg10 : memref<!tpu.dma_semaphore, #tpu.memory_space<semaphore_mem>>)
      } else {
      }
      %mul3A_88 = arith.constant 4 : i32
      %mul3A_89 = arith.muli %scan3A_61, %mul3A_88 : i32
      %add3A_90 = arith.constant 1 : i32
      %add3A_91 = arith.addi %mul3A_89, %add3A_90 : i32
      %mul3A_92 = arith.constant 4 : i32
      %mul3A_93 = arith.muli %add3A_91, %mul3A_92 : i32
      %mul3A_94 = arith.constant 20 : i32
      %mul3A_95 = arith.muli %mul3A_93, %mul3A_94 : i32
      %dma_wait3A_96 = tpu.memref_slice %arg5[%mul3A_95] : memref<5120xi32, #tpu.memory_space<vmem>> -> memref<80xi32, #tpu.memory_space<vmem>>
      %dma_wait3A_97 = arith.constant 0 : i32
      %dma_wait3A_98 = arith.constant 0 : i32
      %dma_wait3A_99 = tpu.memref_slice %arg3[%dma_wait3A_97, %dma_wait3A_98] : memref<8192x128xf32, #tpu.memory_space<hbm>> -> memref<8192x128xf32, #tpu.memory_space<hbm>>
      tpu.wait_indirect_dma semaphore(%arg11 : memref<!tpu.dma_semaphore, #tpu.memory_space<semaphore_mem>>) src(%dma_wait3A_99 : memref<8192x128xf32, #tpu.memory_space<hbm>>) dst(%arg7 : memref<80x128xf32, #tpu.memory_space<vmem>>)
      %mul3A_100 = arith.constant 4 : i32
      %mul3A_101 = arith.muli %add3A_91, %mul3A_100 : i32
      %add3A_102 = arith.addi %mul3A_2, %mul3A_101 : i32
      %mul3A_103 = arith.constant 20 : i32
      %mul3A_104 = arith.muli %add3A_102, %mul3A_103 : i32
      %dma_start3A_105 = arith.constant 0 : i32
      %dma_start3A_106 = tpu.memref_slice %arg4[%mul3A_104, %dma_start3A_105] : memref<163840x128xf32, #tpu.memory_space<hbm>> -> memref<80x128xf32, #tpu.memory_space<hbm>>
      %dma_start3A_107 = arith.constant 0 : i32
      %dma_start3A_108 = tpu.memref_slice %arg4[%mul3A_104, %dma_start3A_107] : memref<163840x128xf32, #tpu.memory_space<hbm>> -> memref<80x128xf32, #tpu.memory_space<hbm>>
      tpu.enqueue_dma source(%arg7 : memref<80x128xf32, #tpu.memory_space<vmem>>) target(%dma_start3A_108 : memref<80x128xf32, #tpu.memory_space<hbm>>) target_semaphore(%arg15 : memref<!tpu.dma_semaphore, #tpu.memory_space<semaphore_mem>>)
      %add3A_109 = arith.constant 4 : i32
      %add3A_110 = arith.addi %add3A_91, %add3A_109 : i32
      %lt3A_111 = arith.constant 64 : i32
      %lt3A_112 = arith.cmpi slt, %add3A_110, %lt3A_111 : i32
      %convert_element_type3A_113 = arith.extui %lt3A_112 : i1 to i32
      %cond3A_114 = arith.constant 0 : i32
      %cond3A_115 = arith.cmpi ne, %convert_element_type3A_113, %cond3A_114 : i32
      scf.if %cond3A_115 {
        %mul3A_173 = arith.constant 4 : i32
        %mul3A_174 = arith.muli %add3A_91, %mul3A_173 : i32
        %add3A_175 = arith.addi %mul3A_2, %mul3A_174 : i32
        %mul3A_176 = arith.constant 20 : i32
        %mul3A_177 = arith.muli %add3A_175, %mul3A_176 : i32
        %dma_wait3A_178 = arith.constant 0 : i32
        %dma_wait3A_179 = tpu.memref_slice %arg4[%mul3A_177, %dma_wait3A_178] : memref<163840x128xf32, #tpu.memory_space<hbm>> -> memref<80x128xf32, #tpu.memory_space<hbm>>
        %dma_wait3A_180 = arith.constant 0 : i32
        %dma_wait3A_181 = tpu.memref_slice %arg4[%mul3A_177, %dma_wait3A_180] : memref<163840x128xf32, #tpu.memory_space<hbm>> -> memref<80x128xf32, #tpu.memory_space<hbm>>
        tpu.wait_dma2 semaphore(%arg15 : memref<!tpu.dma_semaphore, #tpu.memory_space<semaphore_mem>>) src(%arg7 : memref<80x128xf32, #tpu.memory_space<vmem>>) dst(%dma_wait3A_181 : memref<80x128xf32, #tpu.memory_space<hbm>>)
        %add3A_182 = arith.constant 4 : i32
        %add3A_183 = arith.addi %add3A_91, %add3A_182 : i32
        %mul3A_184 = arith.constant 4 : i32
        %mul3A_185 = arith.muli %add3A_183, %mul3A_184 : i32
        %mul3A_186 = arith.constant 20 : i32
        %mul3A_187 = arith.muli %mul3A_185, %mul3A_186 : i32
        %dma_start3A_188 = tpu.memref_slice %arg5[%mul3A_187] : memref<5120xi32, #tpu.memory_space<vmem>> -> memref<80xi32, #tpu.memory_space<vmem>>
        %dma_start3A_189 = arith.constant 0 : i32
        %dma_start3A_190 = arith.constant 0 : i32
        %dma_start3A_191 = tpu.memref_slice %arg3[%dma_start3A_189, %dma_start3A_190] : memref<8192x128xf32, #tpu.memory_space<hbm>> -> memref<8192x128xf32, #tpu.memory_space<hbm>>
        tpu.enqueue_indirect_dma source(%dma_start3A_191 : memref<8192x128xf32, #tpu.memory_space<hbm>>) target(%arg7 : memref<80x128xf32, #tpu.memory_space<vmem>>) offsets(%dma_start3A_188 : memref<80xi32, #tpu.memory_space<vmem>>) semaphore(%arg11 : memref<!tpu.dma_semaphore, #tpu.memory_space<semaphore_mem>>)
      } else {
      }
      %mul3A_116 = arith.constant 4 : i32
      %mul3A_117 = arith.muli %scan3A_61, %mul3A_116 : i32
      %add3A_118 = arith.constant 2 : i32
      %add3A_119 = arith.addi %mul3A_117, %add3A_118 : i32
      %mul3A_120 = arith.constant 4 : i32
      %mul3A_121 = arith.muli %add3A_119, %mul3A_120 : i32
      %mul3A_122 = arith.constant 20 : i32
      %mul3A_123 = arith.muli %mul3A_121, %mul3A_122 : i32
      %dma_wait3A_124 = tpu.memref_slice %arg5[%mul3A_123] : memref<5120xi32, #tpu.memory_space<vmem>> -> memref<80xi32, #tpu.memory_space<vmem>>
      %dma_wait3A_125 = arith.constant 0 : i32
      %dma_wait3A_126 = arith.constant 0 : i32
      %dma_wait3A_127 = tpu.memref_slice %arg3[%dma_wait3A_125, %dma_wait3A_126] : memref<8192x128xf32, #tpu.memory_space<hbm>> -> memref<8192x128xf32, #tpu.memory_space<hbm>>
      tpu.wait_indirect_dma semaphore(%arg12 : memref<!tpu.dma_semaphore, #tpu.memory_space<semaphore_mem>>) src(%dma_wait3A_127 : memref<8192x128xf32, #tpu.memory_space<hbm>>) dst(%arg8 : memref<80x128xf32, #tpu.memory_space<vmem>>)
      %mul3A_128 = arith.constant 4 : i32
      %mul3A_129 = arith.muli %add3A_119, %mul3A_128 : i32
      %add3A_130 = arith.addi %mul3A_2, %mul3A_129 : i32
      %mul3A_131 = arith.constant 20 : i32
      %mul3A_132 = arith.muli %add3A_130, %mul3A_131 : i32
      %dma_start3A_133 = arith.constant 0 : i32
      %dma_start3A_134 = tpu.memref_slice %arg4[%mul3A_132, %dma_start3A_133] : memref<163840x128xf32, #tpu.memory_space<hbm>> -> memref<80x128xf32, #tpu.memory_space<hbm>>
      %dma_start3A_135 = arith.constant 0 : i32
      %dma_start3A_136 = tpu.memref_slice %arg4[%mul3A_132, %dma_start3A_135] : memref<163840x128xf32, #tpu.memory_space<hbm>> -> memref<80x128xf32, #tpu.memory_space<hbm>>
      tpu.enqueue_dma source(%arg8 : memref<80x128xf32, #tpu.memory_space<vmem>>) target(%dma_start3A_136 : memref<80x128xf32, #tpu.memory_space<hbm>>) target_semaphore(%arg16 : memref<!tpu.dma_semaphore, #tpu.memory_space<semaphore_mem>>)
      %add3A_137 = arith.constant 4 : i32
      %add3A_138 = arith.addi %add3A_119, %add3A_137 : i32
      %lt3A_139 = arith.constant 64 : i32
      %lt3A_140 = arith.cmpi slt, %add3A_138, %lt3A_139 : i32
      %convert_element_type3A_141 = arith.extui %lt3A_140 : i1 to i32
      %cond3A_142 = arith.constant 0 : i32
      %cond3A_143 = arith.cmpi ne, %convert_element_type3A_141, %cond3A_142 : i32
      scf.if %cond3A_143 {
        %mul3A_173 = arith.constant 4 : i32
        %mul3A_174 = arith.muli %add3A_119, %mul3A_173 : i32
        %add3A_175 = arith.addi %mul3A_2, %mul3A_174 : i32
        %mul3A_176 = arith.constant 20 : i32
        %mul3A_177 = arith.muli %add3A_175, %mul3A_176 : i32
        %dma_wait3A_178 = arith.constant 0 : i32
        %dma_wait3A_179 = tpu.memref_slice %arg4[%mul3A_177, %dma_wait3A_178] : memref<163840x128xf32, #tpu.memory_space<hbm>> -> memref<80x128xf32, #tpu.memory_space<hbm>>
        %dma_wait3A_180 = arith.constant 0 : i32
        %dma_wait3A_181 = tpu.memref_slice %arg4[%mul3A_177, %dma_wait3A_180] : memref<163840x128xf32, #tpu.memory_space<hbm>> -> memref<80x128xf32, #tpu.memory_space<hbm>>
        tpu.wait_dma2 semaphore(%arg16 : memref<!tpu.dma_semaphore, #tpu.memory_space<semaphore_mem>>) src(%arg8 : memref<80x128xf32, #tpu.memory_space<vmem>>) dst(%dma_wait3A_181 : memref<80x128xf32, #tpu.memory_space<hbm>>)
        %add3A_182 = arith.constant 4 : i32
        %add3A_183 = arith.addi %add3A_119, %add3A_182 : i32
        %mul3A_184 = arith.constant 4 : i32
        %mul3A_185 = arith.muli %add3A_183, %mul3A_184 : i32
        %mul3A_186 = arith.constant 20 : i32
        %mul3A_187 = arith.muli %mul3A_185, %mul3A_186 : i32
        %dma_start3A_188 = tpu.memref_slice %arg5[%mul3A_187] : memref<5120xi32, #tpu.memory_space<vmem>> -> memref<80xi32, #tpu.memory_space<vmem>>
        %dma_start3A_189 = arith.constant 0 : i32
        %dma_start3A_190 = arith.constant 0 : i32
        %dma_start3A_191 = tpu.memref_slice %arg3[%dma_start3A_189, %dma_start3A_190] : memref<8192x128xf32, #tpu.memory_space<hbm>> -> memref<8192x128xf32, #tpu.memory_space<hbm>>
        tpu.enqueue_indirect_dma source(%dma_start3A_191 : memref<8192x128xf32, #tpu.memory_space<hbm>>) target(%arg8 : memref<80x128xf32, #tpu.memory_space<vmem>>) offsets(%dma_start3A_188 : memref<80xi32, #tpu.memory_space<vmem>>) semaphore(%arg12 : memref<!tpu.dma_semaphore, #tpu.memory_space<semaphore_mem>>)
      } else {
      }
      %mul3A_144 = arith.constant 4 : i32
      %mul3A_145 = arith.muli %scan3A_61, %mul3A_144 : i32
      %add3A_146 = arith.constant 3 : i32
      %add3A_147 = arith.addi %mul3A_145, %add3A_146 : i32
      %mul3A_148 = arith.constant 4 : i32
      %mul3A_149 = arith.muli %add3A_147, %mul3A_148 : i32
      %mul3A_150 = arith.constant 20 : i32
      %mul3A_151 = arith.muli %mul3A_149, %mul3A_150 : i32
      %dma_wait3A_152 = tpu.memref_slice %arg5[%mul3A_151] : memref<5120xi32, #tpu.memory_space<vmem>> -> memref<80xi32, #tpu.memory_space<vmem>>
      %dma_wait3A_153 = arith.constant 0 : i32
      %dma_wait3A_154 = arith.constant 0 : i32
      %dma_wait3A_155 = tpu.memref_slice %arg3[%dma_wait3A_153, %dma_wait3A_154] : memref<8192x128xf32, #tpu.memory_space<hbm>> -> memref<8192x128xf32, #tpu.memory_space<hbm>>
      tpu.wait_indirect_dma semaphore(%arg13 : memref<!tpu.dma_semaphore, #tpu.memory_space<semaphore_mem>>) src(%dma_wait3A_155 : memref<8192x128xf32, #tpu.memory_space<hbm>>) dst(%arg9 : memref<80x128xf32, #tpu.memory_space<vmem>>)
      %mul3A_156 = arith.constant 4 : i32
      %mul3A_157 = arith.muli %add3A_147, %mul3A_156 : i32
      %add3A_158 = arith.addi %mul3A_2, %mul3A_157 : i32
      %mul3A_159 = arith.constant 20 : i32
      %mul3A_160 = arith.muli %add3A_158, %mul3A_159 : i32
      %dma_start3A_161 = arith.constant 0 : i32
      %dma_start3A_162 = tpu.memref_slice %arg4[%mul3A_160, %dma_start3A_161] : memref<163840x128xf32, #tpu.memory_space<hbm>> -> memref<80x128xf32, #tpu.memory_space<hbm>>
      %dma_start3A_163 = arith.constant 0 : i32
      %dma_start3A_164 = tpu.memref_slice %arg4[%mul3A_160, %dma_start3A_163] : memref<163840x128xf32, #tpu.memory_space<hbm>> -> memref<80x128xf32, #tpu.memory_space<hbm>>
      tpu.enqueue_dma source(%arg9 : memref<80x128xf32, #tpu.memory_space<vmem>>) target(%dma_start3A_164 : memref<80x128xf32, #tpu.memory_space<hbm>>) target_semaphore(%arg17 : memref<!tpu.dma_semaphore, #tpu.memory_space<semaphore_mem>>)
      %add3A_165 = arith.constant 4 : i32
      %add3A_166 = arith.addi %add3A_147, %add3A_165 : i32
      %lt3A_167 = arith.constant 64 : i32
      %lt3A_168 = arith.cmpi slt, %add3A_166, %lt3A_167 : i32
      %convert_element_type3A_169 = arith.extui %lt3A_168 : i1 to i32
      %cond3A_170 = arith.constant 0 : i32
      %cond3A_171 = arith.cmpi ne, %convert_element_type3A_169, %cond3A_170 : i32
      scf.if %cond3A_171 {
        %mul3A_173 = arith.constant 4 : i32
        %mul3A_174 = arith.muli %add3A_147, %mul3A_173 : i32
        %add3A_175 = arith.addi %mul3A_2, %mul3A_174 : i32
        %mul3A_176 = arith.constant 20 : i32
        %mul3A_177 = arith.muli %add3A_175, %mul3A_176 : i32
        %dma_wait3A_178 = arith.constant 0 : i32
        %dma_wait3A_179 = tpu.memref_slice %arg4[%mul3A_177, %dma_wait3A_178] : memref<163840x128xf32, #tpu.memory_space<hbm>> -> memref<80x128xf32, #tpu.memory_space<hbm>>
        %dma_wait3A_180 = arith.constant 0 : i32
        %dma_wait3A_181 = tpu.memref_slice %arg4[%mul3A_177, %dma_wait3A_180] : memref<163840x128xf32, #tpu.memory_space<hbm>> -> memref<80x128xf32, #tpu.memory_space<hbm>>
        tpu.wait_dma2 semaphore(%arg17 : memref<!tpu.dma_semaphore, #tpu.memory_space<semaphore_mem>>) src(%arg9 : memref<80x128xf32, #tpu.memory_space<vmem>>) dst(%dma_wait3A_181 : memref<80x128xf32, #tpu.memory_space<hbm>>)
        %add3A_182 = arith.constant 4 : i32
        %add3A_183 = arith.addi %add3A_147, %add3A_182 : i32
        %mul3A_184 = arith.constant 4 : i32
        %mul3A_185 = arith.muli %add3A_183, %mul3A_184 : i32
        %mul3A_186 = arith.constant 20 : i32
        %mul3A_187 = arith.muli %mul3A_185, %mul3A_186 : i32
        %dma_start3A_188 = tpu.memref_slice %arg5[%mul3A_187] : memref<5120xi32, #tpu.memory_space<vmem>> -> memref<80xi32, #tpu.memory_space<vmem>>
        %dma_start3A_189 = arith.constant 0 : i32
        %dma_start3A_190 = arith.constant 0 : i32
        %dma_start3A_191 = tpu.memref_slice %arg3[%dma_start3A_189, %dma_start3A_190] : memref<8192x128xf32, #tpu.memory_space<hbm>> -> memref<8192x128xf32, #tpu.memory_space<hbm>>
        tpu.enqueue_indirect_dma source(%dma_start3A_191 : memref<8192x128xf32, #tpu.memory_space<hbm>>) target(%arg9 : memref<80x128xf32, #tpu.memory_space<vmem>>) offsets(%dma_start3A_188 : memref<80xi32, #tpu.memory_space<vmem>>) semaphore(%arg13 : memref<!tpu.dma_semaphore, #tpu.memory_space<semaphore_mem>>)
      } else {
      }
      %scan3A_172 = arith.constant 0 : i32
      scf.yield %scan3A_172 : i32
    }
    %scan3A_29 = arith.constant 16 : i32
    %add3A_30 = arith.constant 240 : i32
    %add3A_31 = arith.addi %mul3A_2, %add3A_30 : i32
    %mul3A_32 = arith.constant 20 : i32
    %mul3A_33 = arith.muli %add3A_31, %mul3A_32 : i32
    %dma_wait3A = arith.constant 0 : i32
    %dma_wait3A_34 = tpu.memref_slice %arg4[%mul3A_33, %dma_wait3A] : memref<163840x128xf32, #tpu.memory_space<hbm>> -> memref<80x128xf32, #tpu.memory_space<hbm>>
    %dma_wait3A_35 = arith.constant 0 : i32
    %dma_wait3A_36 = tpu.memref_slice %arg4[%mul3A_33, %dma_wait3A_35] : memref<163840x128xf32, #tpu.memory_space<hbm>> -> memref<80x128xf32, #tpu.memory_space<hbm>>
    tpu.wait_dma2 semaphore(%arg14 : memref<!tpu.dma_semaphore, #tpu.memory_space<semaphore_mem>>) src(%arg6 : memref<80x128xf32, #tpu.memory_space<vmem>>) dst(%dma_wait3A_36 : memref<80x128xf32, #tpu.memory_space<hbm>>)
    %add3A_37 = arith.constant 244 : i32
    %add3A_38 = arith.addi %mul3A_2, %add3A_37 : i32
    %mul3A_39 = arith.constant 20 : i32
    %mul3A_40 = arith.muli %add3A_38, %mul3A_39 : i32
    %dma_wait3A_41 = arith.constant 0 : i32
    %dma_wait3A_42 = tpu.memref_slice %arg4[%mul3A_40, %dma_wait3A_41] : memref<163840x128xf32, #tpu.memory_space<hbm>> -> memref<80x128xf32, #tpu.memory_space<hbm>>
    %dma_wait3A_43 = arith.constant 0 : i32
    %dma_wait3A_44 = tpu.memref_slice %arg4[%mul3A_40, %dma_wait3A_43] : memref<163840x128xf32, #tpu.memory_space<hbm>> -> memref<80x128xf32, #tpu.memory_space<hbm>>
    tpu.wait_dma2 semaphore(%arg15 : memref<!tpu.dma_semaphore, #tpu.memory_space<semaphore_mem>>) src(%arg7 : memref<80x128xf32, #tpu.memory_space<vmem>>) dst(%dma_wait3A_44 : memref<80x128xf32, #tpu.memory_space<hbm>>)
    %add3A_45 = arith.constant 248 : i32
    %add3A_46 = arith.addi %mul3A_2, %add3A_45 : i32
    %mul3A_47 = arith.constant 20 : i32
    %mul3A_48 = arith.muli %add3A_46, %mul3A_47 : i32
    %dma_wait3A_49 = arith.constant 0 : i32
    %dma_wait3A_50 = tpu.memref_slice %arg4[%mul3A_48, %dma_wait3A_49] : memref<163840x128xf32, #tpu.memory_space<hbm>> -> memref<80x128xf32, #tpu.memory_space<hbm>>
    %dma_wait3A_51 = arith.constant 0 : i32
    %dma_wait3A_52 = tpu.memref_slice %arg4[%mul3A_48, %dma_wait3A_51] : memref<163840x128xf32, #tpu.memory_space<hbm>> -> memref<80x128xf32, #tpu.memory_space<hbm>>
    tpu.wait_dma2 semaphore(%arg16 : memref<!tpu.dma_semaphore, #tpu.memory_space<semaphore_mem>>) src(%arg8 : memref<80x128xf32, #tpu.memory_space<vmem>>) dst(%dma_wait3A_52 : memref<80x128xf32, #tpu.memory_space<hbm>>)
    %add3A_53 = arith.constant 252 : i32
    %add3A_54 = arith.addi %mul3A_2, %add3A_53 : i32
    %mul3A_55 = arith.constant 20 : i32
    %mul3A_56 = arith.muli %add3A_54, %mul3A_55 : i32
    %dma_wait3A_57 = arith.constant 0 : i32
    %dma_wait3A_58 = tpu.memref_slice %arg4[%mul3A_56, %dma_wait3A_57] : memref<163840x128xf32, #tpu.memory_space<hbm>> -> memref<80x128xf32, #tpu.memory_space<hbm>>
    %dma_wait3A_59 = arith.constant 0 : i32
    %dma_wait3A_60 = tpu.memref_slice %arg4[%mul3A_56, %dma_wait3A_59] : memref<163840x128xf32, #tpu.memory_space<hbm>> -> memref<80x128xf32, #tpu.memory_space<hbm>>
    tpu.wait_dma2 semaphore(%arg17 : memref<!tpu.dma_semaphore, #tpu.memory_space<semaphore_mem>>) src(%arg9 : memref<80x128xf32, #tpu.memory_space<vmem>>) dst(%dma_wait3A_60 : memref<80x128xf32, #tpu.memory_space<hbm>>)
    return
  }
}

#map = affine_map<(d0, d1) -> (0)>
#map1 = affine_map<(d0, d1) -> (0, 0)>
module attributes {stable_mosaic.version = 14 : i64} {
  func.func @sc_fn(%arg0: i32, %arg1: i32, %arg2: memref<163840xi32, #tpu.memory_space<hbm>>, %arg3: memref<8192x128xf32, #tpu.memory_space<hbm>>, %arg4: memref<163840x128xf32, #tpu.memory_space<hbm>>, %arg5: memref<5120xi32, #tpu.memory_space<vmem>>, %arg6: memref<80x128xf32, #tpu.memory_space<vmem>>, %arg7: memref<80x128xf32, #tpu.memory_space<vmem>>, %arg8: memref<80x128xf32, #tpu.memory_space<vmem>>, %arg9: memref<80x128xf32, #tpu.memory_space<vmem>>, %arg10: memref<!tpu.dma_semaphore, #tpu.memory_space<semaphore_mem>>, %arg11: memref<!tpu.dma_semaphore, #tpu.memory_space<semaphore_mem>>, %arg12: memref<!tpu.dma_semaphore, #tpu.memory_space<semaphore_mem>>, %arg13: memref<!tpu.dma_semaphore, #tpu.memory_space<semaphore_mem>>, %arg14: memref<!tpu.dma_semaphore, #tpu.memory_space<semaphore_mem>>, %arg15: memref<!tpu.dma_semaphore, #tpu.memory_space<semaphore_mem>>, %arg16: memref<!tpu.dma_semaphore, #tpu.memory_space<semaphore_mem>>, %arg17: memref<!tpu.dma_semaphore, #tpu.memory_space<semaphore_mem>>) attributes {dimension_semantics = [#tpu.dimension_semantics<core_parallel>, #tpu.dimension_semantics<subcore_parallel>], iteration_bounds = array<i64: 2, 16>, scalar_prefetch = 0 : i64, scratch_operands = 13 : i64, tpu.core_type = #tpu.core_type<sc_vector_subcore>, window_params = [{transform_indices = #map}, {transform_indices = #map1}, {transform_indices = #map1}]} {
    %mul3A = arith.constant 2 : i32
    %mul3A_0 = arith.muli %arg1, %mul3A : i32
    %add3A = arith.addi %mul3A_0, %arg0 : i32
    %mul3A_1 = arith.constant 256 : i32
    %mul3A_2 = arith.muli %add3A, %mul3A_1 : i32
    %mul3A_3 = arith.constant 20 : i32
    %mul3A_4 = arith.muli %mul3A_2, %mul3A_3 : i32
    "tpu.region"() ({
      %run_scoped3A = tpu.sem_alloc : memref<!tpu.dma_semaphore, #tpu.memory_space<semaphore_mem>>
      %dma_start3A_61 = tpu.memref_slice %arg2[%mul3A_4] : memref<163840xi32, #tpu.memory_space<hbm>> -> memref<5120xi32, #tpu.memory_space<hbm>>
      %dma_start3A_62 = tpu.memref_slice %arg2[%mul3A_4] : memref<163840xi32, #tpu.memory_space<hbm>> -> memref<5120xi32, #tpu.memory_space<hbm>>
      tpu.enqueue_dma source(%dma_start3A_62 : memref<5120xi32, #tpu.memory_space<hbm>>) target(%arg5 : memref<5120xi32, #tpu.memory_space<vmem>>) target_semaphore(%run_scoped3A : memref<!tpu.dma_semaphore, #tpu.memory_space<semaphore_mem>>)
      %dma_wait3A_63 = tpu.memref_slice %arg2[%mul3A_4] : memref<163840xi32, #tpu.memory_space<hbm>> -> memref<5120xi32, #tpu.memory_space<hbm>>
      %dma_wait3A_64 = tpu.memref_slice %arg2[%mul3A_4] : memref<163840xi32, #tpu.memory_space<hbm>> -> memref<5120xi32, #tpu.memory_space<hbm>>
      tpu.wait_dma2 semaphore(%run_scoped3A : memref<!tpu.dma_semaphore, #tpu.memory_space<semaphore_mem>>) src(%dma_wait3A_64 : memref<5120xi32, #tpu.memory_space<hbm>>) dst(%arg5 : memref<5120xi32, #tpu.memory_space<vmem>>)
      tpu.yield
    }) : () -> ()
    %dma_start3A = arith.constant 0 : i32
    %dma_start3A_5 = tpu.memref_slice %arg5[%dma_start3A] : memref<5120xi32, #tpu.memory_space<vmem>> -> memref<80xi32, #tpu.memory_space<vmem>>
    %dma_start3A_6 = arith.constant 0 : i32
    %dma_start3A_7 = arith.constant 0 : i32
    %dma_start3A_8 = tpu.memref_slice %arg3[%dma_start3A_6, %dma_start3A_7] : memref<8192x128xf32, #tpu.memory_space<hbm>> -> memref<8192x128xf32, #tpu.memory_space<hbm>>
    tpu.enqueue_indirect_dma source(%dma_start3A_8 : memref<8192x128xf32, #tpu.memory_space<hbm>>) target(%arg6 : memref<80x128xf32, #tpu.memory_space<vmem>>) offsets(%dma_start3A_5 : memref<80xi32, #tpu.memory_space<vmem>>) semaphore(%arg10 : memref<!tpu.dma_semaphore, #tpu.memory_space<semaphore_mem>>)
    %dma_start3A_9 = arith.constant 80 : i32
    %dma_start3A_10 = tpu.memref_slice %arg5[%dma_start3A_9] : memref<5120xi32, #tpu.memory_space<vmem>> -> memref<80xi32, #tpu.memory_space<vmem>>
    %dma_start3A_11 = arith.constant 0 : i32
    %dma_start3A_12 = arith.constant 0 : i32
    %dma_start3A_13 = tpu.memref_slice %arg3[%dma_start3A_11, %dma_start3A_12] : memref<8192x128xf32, #tpu.memory_space<hbm>> -> memref<8192x128xf32, #tpu.memory_space<hbm>>
    tpu.enqueue_indirect_dma source(%dma_start3A_13 : memref<8192x128xf32, #tpu.memory_space<hbm>>) target(%arg7 : memref<80x128xf32, #tpu.memory_space<vmem>>) offsets(%dma_start3A_10 : memref<80xi32, #tpu.memory_space<vmem>>) semaphore(%arg11 : memref<!tpu.dma_semaphore, #tpu.memory_space<semaphore_mem>>)
    %dma_start3A_14 = arith.constant 160 : i32
    %dma_start3A_15 = tpu.memref_slice %arg5[%dma_start3A_14] : memref<5120xi32, #tpu.memory_space<vmem>> -> memref<80xi32, #tpu.memory_space<vmem>>
    %dma_start3A_16 = arith.constant 0 : i32
    %dma_start3A_17 = arith.constant 0 : i32
    %dma_start3A_18 = tpu.memref_slice %arg3[%dma_start3A_16, %dma_start3A_17] : memref<8192x128xf32, #tpu.memory_space<hbm>> -> memref<8192x128xf32, #tpu.memory_space<hbm>>
    tpu.enqueue_indirect_dma source(%dma_start3A_18 : memref<8192x128xf32, #tpu.memory_space<hbm>>) target(%arg8 : memref<80x128xf32, #tpu.memory_space<vmem>>) offsets(%dma_start3A_15 : memref<80xi32, #tpu.memory_space<vmem>>) semaphore(%arg12 : memref<!tpu.dma_semaphore, #tpu.memory_space<semaphore_mem>>)
    %dma_start3A_19 = arith.constant 240 : i32
    %dma_start3A_20 = tpu.memref_slice %arg5[%dma_start3A_19] : memref<5120xi32, #tpu.memory_space<vmem>> -> memref<80xi32, #tpu.memory_space<vmem>>
    %dma_start3A_21 = arith.constant 0 : i32
    %dma_start3A_22 = arith.constant 0 : i32
    %dma_start3A_23 = tpu.memref_slice %arg3[%dma_start3A_21, %dma_start3A_22] : memref<8192x128xf32, #tpu.memory_space<hbm>> -> memref<8192x128xf32, #tpu.memory_space<hbm>>
    tpu.enqueue_indirect_dma source(%dma_start3A_23 : memref<8192x128xf32, #tpu.memory_space<hbm>>) target(%arg9 : memref<80x128xf32, #tpu.memory_space<vmem>>) offsets(%dma_start3A_20 : memref<80xi32, #tpu.memory_space<vmem>>) semaphore(%arg13 : memref<!tpu.dma_semaphore, #tpu.memory_space<semaphore_mem>>)
    %scan3A = arith.constant 0 : i32
    %scan3A_24 = arith.constant 0 : i32
    %scan3A_25 = arith.constant 16 : i32
    %scan3A_26 = arith.addi %scan3A_24, %scan3A_25 : i32
    %scan3A_27 = arith.constant 1 : i32
    %scan3A_28 = scf.for %scan3A_61 = %scan3A_24 to %scan3A_26 step %scan3A_27 iter_args(%scan3A_62 = %scan3A) -> (i32)  : i32 {
      %mul3A_63 = arith.constant 4 : i32
      %mul3A_64 = arith.muli %scan3A_61, %mul3A_63 : i32
      %add3A_65 = arith.constant 0 : i32
      %add3A_66 = arith.addi %mul3A_64, %add3A_65 : i32
      %mul3A_67 = arith.constant 4 : i32
      %mul3A_68 = arith.muli %add3A_66, %mul3A_67 : i32
      %mul3A_69 = arith.constant 20 : i32
      %mul3A_70 = arith.muli %mul3A_68, %mul3A_69 : i32
      %dma_wait3A_71 = tpu.memref_slice %arg5[%mul3A_70] : memref<5120xi32, #tpu.memory_space<vmem>> -> memref<80xi32, #tpu.memory_space<vmem>>
      %dma_wait3A_72 = arith.constant 0 : i32
      %dma_wait3A_73 = arith.constant 0 : i32
      %dma_wait3A_74 = tpu.memref_slice %arg3[%dma_wait3A_72, %dma_wait3A_73] : memref<8192x128xf32, #tpu.memory_space<hbm>> -> memref<8192x128xf32, #tpu.memory_space<hbm>>
      tpu.wait_indirect_dma semaphore(%arg10 : memref<!tpu.dma_semaphore, #tpu.memory_space<semaphore_mem>>) src(%dma_wait3A_74 : memref<8192x128xf32, #tpu.memory_space<hbm>>) dst(%arg6 : memref<80x128xf32, #tpu.memory_space<vmem>>)
      %mul3A_75 = arith.constant 4 : i32
      %mul3A_76 = arith.muli %add3A_66, %mul3A_75 : i32
      %add3A_77 = arith.addi %mul3A_2, %mul3A_76 : i32
      %mul3A_78 = arith.constant 20 : i32
      %mul3A_79 = arith.muli %add3A_77, %mul3A_78 : i32
      %dma_start3A_80 = arith.constant 0 : i32
      %dma_start3A_81 = tpu.memref_slice %arg4[%mul3A_79, %dma_start3A_80] : memref<163840x128xf32, #tpu.memory_space<hbm>> -> memref<80x128xf32, #tpu.memory_space<hbm>>
      %dma_start3A_82 = arith.constant 0 : i32
      %dma_start3A_83 = tpu.memref_slice %arg4[%mul3A_79, %dma_start3A_82] : memref<163840x128xf32, #tpu.memory_space<hbm>> -> memref<80x128xf32, #tpu.memory_space<hbm>>
      tpu.enqueue_dma source(%arg6 : memref<80x128xf32, #tpu.memory_space<vmem>>) target(%dma_start3A_83 : memref<80x128xf32, #tpu.memory_space<hbm>>) target_semaphore(%arg14 : memref<!tpu.dma_semaphore, #tpu.memory_space<semaphore_mem>>)
      %add3A_84 = arith.constant 4 : i32
      %add3A_85 = arith.addi %add3A_66, %add3A_84 : i32
      %lt3A = arith.constant 64 : i32
      %lt3A_86 = arith.cmpi slt, %add3A_85, %lt3A : i32
      %convert_element_type3A = arith.extui %lt3A_86 : i1 to i32
      %cond3A = arith.constant 0 : i32
      %cond3A_87 = arith.cmpi ne, %convert_element_type3A, %cond3A : i32
      scf.if %cond3A_87 {
        %mul3A_173 = arith.constant 4 : i32
        %mul3A_174 = arith.muli %add3A_66, %mul3A_173 : i32
        %add3A_175 = arith.addi %mul3A_2, %mul3A_174 : i32
        %mul3A_176 = arith.constant 20 : i32
        %mul3A_177 = arith.muli %add3A_175, %mul3A_176 : i32
        %dma_wait3A_178 = arith.constant 0 : i32
        %dma_wait3A_179 = tpu.memref_slice %arg4[%mul3A_177, %dma_wait3A_178] : memref<163840x128xf32, #tpu.memory_space<hbm>> -> memref<80x128xf32, #tpu.memory_space<hbm>>
        %dma_wait3A_180 = arith.constant 0 : i32
        %dma_wait3A_181 = tpu.memref_slice %arg4[%mul3A_177, %dma_wait3A_180] : memref<163840x128xf32, #tpu.memory_space<hbm>> -> memref<80x128xf32, #tpu.memory_space<hbm>>
        tpu.wait_dma2 semaphore(%arg14 : memref<!tpu.dma_semaphore, #tpu.memory_space<semaphore_mem>>) src(%arg6 : memref<80x128xf32, #tpu.memory_space<vmem>>) dst(%dma_wait3A_181 : memref<80x128xf32, #tpu.memory_space<hbm>>)
        %add3A_182 = arith.constant 4 : i32
        %add3A_183 = arith.addi %add3A_66, %add3A_182 : i32
        %mul3A_184 = arith.constant 4 : i32
        %mul3A_185 = arith.muli %add3A_183, %mul3A_184 : i32
        %mul3A_186 = arith.constant 20 : i32
        %mul3A_187 = arith.muli %mul3A_185, %mul3A_186 : i32
        %dma_start3A_188 = tpu.memref_slice %arg5[%mul3A_187] : memref<5120xi32, #tpu.memory_space<vmem>> -> memref<80xi32, #tpu.memory_space<vmem>>
        %dma_start3A_189 = arith.constant 0 : i32
        %dma_start3A_190 = arith.constant 0 : i32
        %dma_start3A_191 = tpu.memref_slice %arg3[%dma_start3A_189, %dma_start3A_190] : memref<8192x128xf32, #tpu.memory_space<hbm>> -> memref<8192x128xf32, #tpu.memory_space<hbm>>
        tpu.enqueue_indirect_dma source(%dma_start3A_191 : memref<8192x128xf32, #tpu.memory_space<hbm>>) target(%arg6 : memref<80x128xf32, #tpu.memory_space<vmem>>) offsets(%dma_start3A_188 : memref<80xi32, #tpu.memory_space<vmem>>) semaphore(%arg10 : memref<!tpu.dma_semaphore, #tpu.memory_space<semaphore_mem>>)
      } else {
      }
      %mul3A_88 = arith.constant 4 : i32
      %mul3A_89 = arith.muli %scan3A_61, %mul3A_88 : i32
      %add3A_90 = arith.constant 1 : i32
      %add3A_91 = arith.addi %mul3A_89, %add3A_90 : i32
      %mul3A_92 = arith.constant 4 : i32
      %mul3A_93 = arith.muli %add3A_91, %mul3A_92 : i32
      %mul3A_94 = arith.constant 20 : i32
      %mul3A_95 = arith.muli %mul3A_93, %mul3A_94 : i32
      %dma_wait3A_96 = tpu.memref_slice %arg5[%mul3A_95] : memref<5120xi32, #tpu.memory_space<vmem>> -> memref<80xi32, #tpu.memory_space<vmem>>
      %dma_wait3A_97 = arith.constant 0 : i32
      %dma_wait3A_98 = arith.constant 0 : i32
      %dma_wait3A_99 = tpu.memref_slice %arg3[%dma_wait3A_97, %dma_wait3A_98] : memref<8192x128xf32, #tpu.memory_space<hbm>> -> memref<8192x128xf32, #tpu.memory_space<hbm>>
      tpu.wait_indirect_dma semaphore(%arg11 : memref<!tpu.dma_semaphore, #tpu.memory_space<semaphore_mem>>) src(%dma_wait3A_99 : memref<8192x128xf32, #tpu.memory_space<hbm>>) dst(%arg7 : memref<80x128xf32, #tpu.memory_space<vmem>>)
      %mul3A_100 = arith.constant 4 : i32
      %mul3A_101 = arith.muli %add3A_91, %mul3A_100 : i32
      %add3A_102 = arith.addi %mul3A_2, %mul3A_101 : i32
      %mul3A_103 = arith.constant 20 : i32
      %mul3A_104 = arith.muli %add3A_102, %mul3A_103 : i32
      %dma_start3A_105 = arith.constant 0 : i32
      %dma_start3A_106 = tpu.memref_slice %arg4[%mul3A_104, %dma_start3A_105] : memref<163840x128xf32, #tpu.memory_space<hbm>> -> memref<80x128xf32, #tpu.memory_space<hbm>>
      %dma_start3A_107 = arith.constant 0 : i32
      %dma_start3A_108 = tpu.memref_slice %arg4[%mul3A_104, %dma_start3A_107] : memref<163840x128xf32, #tpu.memory_space<hbm>> -> memref<80x128xf32, #tpu.memory_space<hbm>>
      tpu.enqueue_dma source(%arg7 : memref<80x128xf32, #tpu.memory_space<vmem>>) target(%dma_start3A_108 : memref<80x128xf32, #tpu.memory_space<hbm>>) target_semaphore(%arg15 : memref<!tpu.dma_semaphore, #tpu.memory_space<semaphore_mem>>)
      %add3A_109 = arith.constant 4 : i32
      %add3A_110 = arith.addi %add3A_91, %add3A_109 : i32
      %lt3A_111 = arith.constant 64 : i32
      %lt3A_112 = arith.cmpi slt, %add3A_110, %lt3A_111 : i32
      %convert_element_type3A_113 = arith.extui %lt3A_112 : i1 to i32
      %cond3A_114 = arith.constant 0 : i32
      %cond3A_115 = arith.cmpi ne, %convert_element_type3A_113, %cond3A_114 : i32
      scf.if %cond3A_115 {
        %mul3A_173 = arith.constant 4 : i32
        %mul3A_174 = arith.muli %add3A_91, %mul3A_173 : i32
        %add3A_175 = arith.addi %mul3A_2, %mul3A_174 : i32
        %mul3A_176 = arith.constant 20 : i32
        %mul3A_177 = arith.muli %add3A_175, %mul3A_176 : i32
        %dma_wait3A_178 = arith.constant 0 : i32
        %dma_wait3A_179 = tpu.memref_slice %arg4[%mul3A_177, %dma_wait3A_178] : memref<163840x128xf32, #tpu.memory_space<hbm>> -> memref<80x128xf32, #tpu.memory_space<hbm>>
        %dma_wait3A_180 = arith.constant 0 : i32
        %dma_wait3A_181 = tpu.memref_slice %arg4[%mul3A_177, %dma_wait3A_180] : memref<163840x128xf32, #tpu.memory_space<hbm>> -> memref<80x128xf32, #tpu.memory_space<hbm>>
        tpu.wait_dma2 semaphore(%arg15 : memref<!tpu.dma_semaphore, #tpu.memory_space<semaphore_mem>>) src(%arg7 : memref<80x128xf32, #tpu.memory_space<vmem>>) dst(%dma_wait3A_181 : memref<80x128xf32, #tpu.memory_space<hbm>>)
        %add3A_182 = arith.constant 4 : i32
        %add3A_183 = arith.addi %add3A_91, %add3A_182 : i32
        %mul3A_184 = arith.constant 4 : i32
        %mul3A_185 = arith.muli %add3A_183, %mul3A_184 : i32
        %mul3A_186 = arith.constant 20 : i32
        %mul3A_187 = arith.muli %mul3A_185, %mul3A_186 : i32
        %dma_start3A_188 = tpu.memref_slice %arg5[%mul3A_187] : memref<5120xi32, #tpu.memory_space<vmem>> -> memref<80xi32, #tpu.memory_space<vmem>>
        %dma_start3A_189 = arith.constant 0 : i32
        %dma_start3A_190 = arith.constant 0 : i32
        %dma_start3A_191 = tpu.memref_slice %arg3[%dma_start3A_189, %dma_start3A_190] : memref<8192x128xf32, #tpu.memory_space<hbm>> -> memref<8192x128xf32, #tpu.memory_space<hbm>>
        tpu.enqueue_indirect_dma source(%dma_start3A_191 : memref<8192x128xf32, #tpu.memory_space<hbm>>) target(%arg7 : memref<80x128xf32, #tpu.memory_space<vmem>>) offsets(%dma_start3A_188 : memref<80xi32, #tpu.memory_space<vmem>>) semaphore(%arg11 : memref<!tpu.dma_semaphore, #tpu.memory_space<semaphore_mem>>)
      } else {
      }
      %mul3A_116 = arith.constant 4 : i32
      %mul3A_117 = arith.muli %scan3A_61, %mul3A_116 : i32
      %add3A_118 = arith.constant 2 : i32
      %add3A_119 = arith.addi %mul3A_117, %add3A_118 : i32
      %mul3A_120 = arith.constant 4 : i32
      %mul3A_121 = arith.muli %add3A_119, %mul3A_120 : i32
      %mul3A_122 = arith.constant 20 : i32
      %mul3A_123 = arith.muli %mul3A_121, %mul3A_122 : i32
      %dma_wait3A_124 = tpu.memref_slice %arg5[%mul3A_123] : memref<5120xi32, #tpu.memory_space<vmem>> -> memref<80xi32, #tpu.memory_space<vmem>>
      %dma_wait3A_125 = arith.constant 0 : i32
      %dma_wait3A_126 = arith.constant 0 : i32
      %dma_wait3A_127 = tpu.memref_slice %arg3[%dma_wait3A_125, %dma_wait3A_126] : memref<8192x128xf32, #tpu.memory_space<hbm>> -> memref<8192x128xf32, #tpu.memory_space<hbm>>
      tpu.wait_indirect_dma semaphore(%arg12 : memref<!tpu.dma_semaphore, #tpu.memory_space<semaphore_mem>>) src(%dma_wait3A_127 : memref<8192x128xf32, #tpu.memory_space<hbm>>) dst(%arg8 : memref<80x128xf32, #tpu.memory_space<vmem>>)
      %mul3A_128 = arith.constant 4 : i32
      %mul3A_129 = arith.muli %add3A_119, %mul3A_128 : i32
      %add3A_130 = arith.addi %mul3A_2, %mul3A_129 : i32
      %mul3A_131 = arith.constant 20 : i32
      %mul3A_132 = arith.muli %add3A_130, %mul3A_131 : i32
      %dma_start3A_133 = arith.constant 0 : i32
      %dma_start3A_134 = tpu.memref_slice %arg4[%mul3A_132, %dma_start3A_133] : memref<163840x128xf32, #tpu.memory_space<hbm>> -> memref<80x128xf32, #tpu.memory_space<hbm>>
      %dma_start3A_135 = arith.constant 0 : i32
      %dma_start3A_136 = tpu.memref_slice %arg4[%mul3A_132, %dma_start3A_135] : memref<163840x128xf32, #tpu.memory_space<hbm>> -> memref<80x128xf32, #tpu.memory_space<hbm>>
      tpu.enqueue_dma source(%arg8 : memref<80x128xf32, #tpu.memory_space<vmem>>) target(%dma_start3A_136 : memref<80x128xf32, #tpu.memory_space<hbm>>) target_semaphore(%arg16 : memref<!tpu.dma_semaphore, #tpu.memory_space<semaphore_mem>>)
      %add3A_137 = arith.constant 4 : i32
      %add3A_138 = arith.addi %add3A_119, %add3A_137 : i32
      %lt3A_139 = arith.constant 64 : i32
      %lt3A_140 = arith.cmpi slt, %add3A_138, %lt3A_139 : i32
      %convert_element_type3A_141 = arith.extui %lt3A_140 : i1 to i32
      %cond3A_142 = arith.constant 0 : i32
      %cond3A_143 = arith.cmpi ne, %convert_element_type3A_141, %cond3A_142 : i32
      scf.if %cond3A_143 {
        %mul3A_173 = arith.constant 4 : i32
        %mul3A_174 = arith.muli %add3A_119, %mul3A_173 : i32
        %add3A_175 = arith.addi %mul3A_2, %mul3A_174 : i32
        %mul3A_176 = arith.constant 20 : i32
        %mul3A_177 = arith.muli %add3A_175, %mul3A_176 : i32
        %dma_wait3A_178 = arith.constant 0 : i32
        %dma_wait3A_179 = tpu.memref_slice %arg4[%mul3A_177, %dma_wait3A_178] : memref<163840x128xf32, #tpu.memory_space<hbm>> -> memref<80x128xf32, #tpu.memory_space<hbm>>
        %dma_wait3A_180 = arith.constant 0 : i32
        %dma_wait3A_181 = tpu.memref_slice %arg4[%mul3A_177, %dma_wait3A_180] : memref<163840x128xf32, #tpu.memory_space<hbm>> -> memref<80x128xf32, #tpu.memory_space<hbm>>
        tpu.wait_dma2 semaphore(%arg16 : memref<!tpu.dma_semaphore, #tpu.memory_space<semaphore_mem>>) src(%arg8 : memref<80x128xf32, #tpu.memory_space<vmem>>) dst(%dma_wait3A_181 : memref<80x128xf32, #tpu.memory_space<hbm>>)
        %add3A_182 = arith.constant 4 : i32
        %add3A_183 = arith.addi %add3A_119, %add3A_182 : i32
        %mul3A_184 = arith.constant 4 : i32
        %mul3A_185 = arith.muli %add3A_183, %mul3A_184 : i32
        %mul3A_186 = arith.constant 20 : i32
        %mul3A_187 = arith.muli %mul3A_185, %mul3A_186 : i32
        %dma_start3A_188 = tpu.memref_slice %arg5[%mul3A_187] : memref<5120xi32, #tpu.memory_space<vmem>> -> memref<80xi32, #tpu.memory_space<vmem>>
        %dma_start3A_189 = arith.constant 0 : i32
        %dma_start3A_190 = arith.constant 0 : i32
        %dma_start3A_191 = tpu.memref_slice %arg3[%dma_start3A_189, %dma_start3A_190] : memref<8192x128xf32, #tpu.memory_space<hbm>> -> memref<8192x128xf32, #tpu.memory_space<hbm>>
        tpu.enqueue_indirect_dma source(%dma_start3A_191 : memref<8192x128xf32, #tpu.memory_space<hbm>>) target(%arg8 : memref<80x128xf32, #tpu.memory_space<vmem>>) offsets(%dma_start3A_188 : memref<80xi32, #tpu.memory_space<vmem>>) semaphore(%arg12 : memref<!tpu.dma_semaphore, #tpu.memory_space<semaphore_mem>>)
      } else {
      }
      %mul3A_144 = arith.constant 4 : i32
      %mul3A_145 = arith.muli %scan3A_61, %mul3A_144 : i32
      %add3A_146 = arith.constant 3 : i32
      %add3A_147 = arith.addi %mul3A_145, %add3A_146 : i32
      %mul3A_148 = arith.constant 4 : i32
      %mul3A_149 = arith.muli %add3A_147, %mul3A_148 : i32
      %mul3A_150 = arith.constant 20 : i32
      %mul3A_151 = arith.muli %mul3A_149, %mul3A_150 : i32
      %dma_wait3A_152 = tpu.memref_slice %arg5[%mul3A_151] : memref<5120xi32, #tpu.memory_space<vmem>> -> memref<80xi32, #tpu.memory_space<vmem>>
      %dma_wait3A_153 = arith.constant 0 : i32
      %dma_wait3A_154 = arith.constant 0 : i32
      %dma_wait3A_155 = tpu.memref_slice %arg3[%dma_wait3A_153, %dma_wait3A_154] : memref<8192x128xf32, #tpu.memory_space<hbm>> -> memref<8192x128xf32, #tpu.memory_space<hbm>>
      tpu.wait_indirect_dma semaphore(%arg13 : memref<!tpu.dma_semaphore, #tpu.memory_space<semaphore_mem>>) src(%dma_wait3A_155 : memref<8192x128xf32, #tpu.memory_space<hbm>>) dst(%arg9 : memref<80x128xf32, #tpu.memory_space<vmem>>)
      %mul3A_156 = arith.constant 4 : i32
      %mul3A_157 = arith.muli %add3A_147, %mul3A_156 : i32
      %add3A_158 = arith.addi %mul3A_2, %mul3A_157 : i32
      %mul3A_159 = arith.constant 20 : i32
      %mul3A_160 = arith.muli %add3A_158, %mul3A_159 : i32
      %dma_start3A_161 = arith.constant 0 : i32
      %dma_start3A_162 = tpu.memref_slice %arg4[%mul3A_160, %dma_start3A_161] : memref<163840x128xf32, #tpu.memory_space<hbm>> -> memref<80x128xf32, #tpu.memory_space<hbm>>
      %dma_start3A_163 = arith.constant 0 : i32
      %dma_start3A_164 = tpu.memref_slice %arg4[%mul3A_160, %dma_start3A_163] : memref<163840x128xf32, #tpu.memory_space<hbm>> -> memref<80x128xf32, #tpu.memory_space<hbm>>
      tpu.enqueue_dma source(%arg9 : memref<80x128xf32, #tpu.memory_space<vmem>>) target(%dma_start3A_164 : memref<80x128xf32, #tpu.memory_space<hbm>>) target_semaphore(%arg17 : memref<!tpu.dma_semaphore, #tpu.memory_space<semaphore_mem>>)
      %add3A_165 = arith.constant 4 : i32
      %add3A_166 = arith.addi %add3A_147, %add3A_165 : i32
      %lt3A_167 = arith.constant 64 : i32
      %lt3A_168 = arith.cmpi slt, %add3A_166, %lt3A_167 : i32
      %convert_element_type3A_169 = arith.extui %lt3A_168 : i1 to i32
      %cond3A_170 = arith.constant 0 : i32
      %cond3A_171 = arith.cmpi ne, %convert_element_type3A_169, %cond3A_170 : i32
      scf.if %cond3A_171 {
        %mul3A_173 = arith.constant 4 : i32
        %mul3A_174 = arith.muli %add3A_147, %mul3A_173 : i32
        %add3A_175 = arith.addi %mul3A_2, %mul3A_174 : i32
        %mul3A_176 = arith.constant 20 : i32
        %mul3A_177 = arith.muli %add3A_175, %mul3A_176 : i32
        %dma_wait3A_178 = arith.constant 0 : i32
        %dma_wait3A_179 = tpu.memref_slice %arg4[%mul3A_177, %dma_wait3A_178] : memref<163840x128xf32, #tpu.memory_space<hbm>> -> memref<80x128xf32, #tpu.memory_space<hbm>>
        %dma_wait3A_180 = arith.constant 0 : i32
        %dma_wait3A_181 = tpu.memref_slice %arg4[%mul3A_177, %dma_wait3A_180] : memref<163840x128xf32, #tpu.memory_space<hbm>> -> memref<80x128xf32, #tpu.memory_space<hbm>>
        tpu.wait_dma2 semaphore(%arg17 : memref<!tpu.dma_semaphore, #tpu.memory_space<semaphore_mem>>) src(%arg9 : memref<80x128xf32, #tpu.memory_space<vmem>>) dst(%dma_wait3A_181 : memref<80x128xf32, #tpu.memory_space<hbm>>)
        %add3A_182 = arith.constant 4 : i32
        %add3A_183 = arith.addi %add3A_147, %add3A_182 : i32
        %mul3A_184 = arith.constant 4 : i32
        %mul3A_185 = arith.muli %add3A_183, %mul3A_184 : i32
        %mul3A_186 = arith.constant 20 : i32
        %mul3A_187 = arith.muli %mul3A_185, %mul3A_186 : i32
        %dma_start3A_188 = tpu.memref_slice %arg5[%mul3A_187] : memref<5120xi32, #tpu.memory_space<vmem>> -> memref<80xi32, #tpu.memory_space<vmem>>
        %dma_start3A_189 = arith.constant 0 : i32
        %dma_start3A_190 = arith.constant 0 : i32
        %dma_start3A_191 = tpu.memref_slice %arg3[%dma_start3A_189, %dma_start3A_190] : memref<8192x128xf32, #tpu.memory_space<hbm>> -> memref<8192x128xf32, #tpu.memory_space<hbm>>
        tpu.enqueue_indirect_dma source(%dma_start3A_191 : memref<8192x128xf32, #tpu.memory_space<hbm>>) target(%arg9 : memref<80x128xf32, #tpu.memory_space<vmem>>) offsets(%dma_start3A_188 : memref<80xi32, #tpu.memory_space<vmem>>) semaphore(%arg13 : memref<!tpu.dma_semaphore, #tpu.memory_space<semaphore_mem>>)
      } else {
      }
      %scan3A_172 = arith.constant 0 : i32
      scf.yield %scan3A_172 : i32
    }
    %scan3A_29 = arith.constant 16 : i32
    %add3A_30 = arith.constant 240 : i32
    %add3A_31 = arith.addi %mul3A_2, %add3A_30 : i32
    %mul3A_32 = arith.constant 20 : i32
    %mul3A_33 = arith.muli %add3A_31, %mul3A_32 : i32
    %dma_wait3A = arith.constant 0 : i32
    %dma_wait3A_34 = tpu.memref_slice %arg4[%mul3A_33, %dma_wait3A] : memref<163840x128xf32, #tpu.memory_space<hbm>> -> memref<80x128xf32, #tpu.memory_space<hbm>>
    %dma_wait3A_35 = arith.constant 0 : i32
    %dma_wait3A_36 = tpu.memref_slice %arg4[%mul3A_33, %dma_wait3A_35] : memref<163840x128xf32, #tpu.memory_space<hbm>> -> memref<80x128xf32, #tpu.memory_space<hbm>>
    tpu.wait_dma2 semaphore(%arg14 : memref<!tpu.dma_semaphore, #tpu.memory_space<semaphore_mem>>) src(%arg6 : memref<80x128xf32, #tpu.memory_space<vmem>>) dst(%dma_wait3A_36 : memref<80x128xf32, #tpu.memory_space<hbm>>)
    %add3A_37 = arith.constant 244 : i32
    %add3A_38 = arith.addi %mul3A_2, %add3A_37 : i32
    %mul3A_39 = arith.constant 20 : i32
    %mul3A_40 = arith.muli %add3A_38, %mul3A_39 : i32
    %dma_wait3A_41 = arith.constant 0 : i32
    %dma_wait3A_42 = tpu.memref_slice %arg4[%mul3A_40, %dma_wait3A_41] : memref<163840x128xf32, #tpu.memory_space<hbm>> -> memref<80x128xf32, #tpu.memory_space<hbm>>
    %dma_wait3A_43 = arith.constant 0 : i32
    %dma_wait3A_44 = tpu.memref_slice %arg4[%mul3A_40, %dma_wait3A_43] : memref<163840x128xf32, #tpu.memory_space<hbm>> -> memref<80x128xf32, #tpu.memory_space<hbm>>
    tpu.wait_dma2 semaphore(%arg15 : memref<!tpu.dma_semaphore, #tpu.memory_space<semaphore_mem>>) src(%arg7 : memref<80x128xf32, #tpu.memory_space<vmem>>) dst(%dma_wait3A_44 : memref<80x128xf32, #tpu.memory_space<hbm>>)
    %add3A_45 = arith.constant 248 : i32
    %add3A_46 = arith.addi %mul3A_2, %add3A_45 : i32
    %mul3A_47 = arith.constant 20 : i32
    %mul3A_48 = arith.muli %add3A_46, %mul3A_47 : i32
    %dma_wait3A_49 = arith.constant 0 : i32
    %dma_wait3A_50 = tpu.memref_slice %arg4[%mul3A_48, %dma_wait3A_49] : memref<163840x128xf32, #tpu.memory_space<hbm>> -> memref<80x128xf32, #tpu.memory_space<hbm>>
    %dma_wait3A_51 = arith.constant 0 : i32
    %dma_wait3A_52 = tpu.memref_slice %arg4[%mul3A_48, %dma_wait3A_51] : memref<163840x128xf32, #tpu.memory_space<hbm>> -> memref<80x128xf32, #tpu.memory_space<hbm>>
    tpu.wait_dma2 semaphore(%arg16 : memref<!tpu.dma_semaphore, #tpu.memory_space<semaphore_mem>>) src(%arg8 : memref<80x128xf32, #tpu.memory_space<vmem>>) dst(%dma_wait3A_52 : memref<80x128xf32, #tpu.memory_space<hbm>>)
    %add3A_53 = arith.constant 252 : i32
    %add3A_54 = arith.addi %mul3A_2, %add3A_53 : i32
    %mul3A_55 = arith.constant 20 : i32
    %mul3A_56 = arith.muli %add3A_54, %mul3A_55 : i32
    %dma_wait3A_57 = arith.constant 0 : i32
    %dma_wait3A_58 = tpu.memref_slice %arg4[%mul3A_56, %dma_wait3A_57] : memref<163840x128xf32, #tpu.memory_space<hbm>> -> memref<80x128xf32, #tpu.memory_space<hbm>>
    %dma_wait3A_59 = arith.constant 0 : i32
    %dma_wait3A_60 = tpu.memref_slice %arg4[%mul3A_56, %dma_wait3A_59] : memref<163840x128xf32, #tpu.memory_space<hbm>> -> memref<80x128xf32, #tpu.memory_space<hbm>>
    tpu.wait_dma2 semaphore(%arg17 : memref<!tpu.dma_semaphore, #tpu.memory_space<semaphore_mem>>) src(%arg9 : memref<80x128xf32, #tpu.memory_space<vmem>>) dst(%dma_wait3A_60 : memref<80x128xf32, #tpu.memory_space<hbm>>)
    return
  }
}

#map = affine_map<(d0, d1) -> (0)>
#map1 = affine_map<(d0, d1) -> (0, 0)>
module attributes {stable_mosaic.version = 14 : i64} {
  func.func @sc_fn(%arg0: i32, %arg1: i32, %arg2: memref<163840xi32, #tpu.memory_space<hbm>>, %arg3: memref<8192x128xf32, #tpu.memory_space<hbm>>, %arg4: memref<163840x128xf32, #tpu.memory_space<hbm>>, %arg5: memref<5120xi32, #tpu.memory_space<vmem>>, %arg6: memref<80x128xf32, #tpu.memory_space<vmem>>, %arg7: memref<80x128xf32, #tpu.memory_space<vmem>>, %arg8: memref<80x128xf32, #tpu.memory_space<vmem>>, %arg9: memref<80x128xf32, #tpu.memory_space<vmem>>, %arg10: memref<!tpu.dma_semaphore, #tpu.memory_space<semaphore_mem>>, %arg11: memref<!tpu.dma_semaphore, #tpu.memory_space<semaphore_mem>>, %arg12: memref<!tpu.dma_semaphore, #tpu.memory_space<semaphore_mem>>, %arg13: memref<!tpu.dma_semaphore, #tpu.memory_space<semaphore_mem>>, %arg14: memref<!tpu.dma_semaphore, #tpu.memory_space<semaphore_mem>>, %arg15: memref<!tpu.dma_semaphore, #tpu.memory_space<semaphore_mem>>, %arg16: memref<!tpu.dma_semaphore, #tpu.memory_space<semaphore_mem>>, %arg17: memref<!tpu.dma_semaphore, #tpu.memory_space<semaphore_mem>>) attributes {dimension_semantics = [#tpu.dimension_semantics<core_parallel>, #tpu.dimension_semantics<subcore_parallel>], iteration_bounds = array<i64: 2, 16>, scalar_prefetch = 0 : i64, scratch_operands = 13 : i64, tpu.core_type = #tpu.core_type<sc_vector_subcore>, window_params = [{transform_indices = #map}, {transform_indices = #map1}, {transform_indices = #map1}]} {
    %mul3A = arith.constant 2 : i32
    %mul3A_0 = arith.muli %arg1, %mul3A : i32
    %add3A = arith.addi %mul3A_0, %arg0 : i32
    %mul3A_1 = arith.constant 256 : i32
    %mul3A_2 = arith.muli %add3A, %mul3A_1 : i32
    %mul3A_3 = arith.constant 20 : i32
    %mul3A_4 = arith.muli %mul3A_2, %mul3A_3 : i32
    "tpu.region"() ({
      %run_scoped3A = tpu.sem_alloc : memref<!tpu.dma_semaphore, #tpu.memory_space<semaphore_mem>>
      %dma_start3A_61 = tpu.memref_slice %arg2[%mul3A_4] : memref<163840xi32, #tpu.memory_space<hbm>> -> memref<5120xi32, #tpu.memory_space<hbm>>
      %dma_start3A_62 = tpu.memref_slice %arg2[%mul3A_4] : memref<163840xi32, #tpu.memory_space<hbm>> -> memref<5120xi32, #tpu.memory_space<hbm>>
      tpu.enqueue_dma source(%dma_start3A_62 : memref<5120xi32, #tpu.memory_space<hbm>>) target(%arg5 : memref<5120xi32, #tpu.memory_space<vmem>>) target_semaphore(%run_scoped3A : memref<!tpu.dma_semaphore, #tpu.memory_space<semaphore_mem>>)
      %dma_wait3A_63 = tpu.memref_slice %arg2[%mul3A_4] : memref<163840xi32, #tpu.memory_space<hbm>> -> memref<5120xi32, #tpu.memory_space<hbm>>
      %dma_wait3A_64 = tpu.memref_slice %arg2[%mul3A_4] : memref<163840xi32, #tpu.memory_space<hbm>> -> memref<5120xi32, #tpu.memory_space<hbm>>
      tpu.wait_dma2 semaphore(%run_scoped3A : memref<!tpu.dma_semaphore, #tpu.memory_space<semaphore_mem>>) src(%dma_wait3A_64 : memref<5120xi32, #tpu.memory_space<hbm>>) dst(%arg5 : memref<5120xi32, #tpu.memory_space<vmem>>)
      tpu.yield
    }) : () -> ()
    %dma_start3A = arith.constant 0 : i32
    %dma_start3A_5 = tpu.memref_slice %arg5[%dma_start3A] : memref<5120xi32, #tpu.memory_space<vmem>> -> memref<80xi32, #tpu.memory_space<vmem>>
    %dma_start3A_6 = arith.constant 0 : i32
    %dma_start3A_7 = arith.constant 0 : i32
    %dma_start3A_8 = tpu.memref_slice %arg3[%dma_start3A_6, %dma_start3A_7] : memref<8192x128xf32, #tpu.memory_space<hbm>> -> memref<8192x128xf32, #tpu.memory_space<hbm>>
    tpu.enqueue_indirect_dma source(%dma_start3A_8 : memref<8192x128xf32, #tpu.memory_space<hbm>>) target(%arg6 : memref<80x128xf32, #tpu.memory_space<vmem>>) offsets(%dma_start3A_5 : memref<80xi32, #tpu.memory_space<vmem>>) semaphore(%arg10 : memref<!tpu.dma_semaphore, #tpu.memory_space<semaphore_mem>>)
    %dma_start3A_9 = arith.constant 80 : i32
    %dma_start3A_10 = tpu.memref_slice %arg5[%dma_start3A_9] : memref<5120xi32, #tpu.memory_space<vmem>> -> memref<80xi32, #tpu.memory_space<vmem>>
    %dma_start3A_11 = arith.constant 0 : i32
    %dma_start3A_12 = arith.constant 0 : i32
    %dma_start3A_13 = tpu.memref_slice %arg3[%dma_start3A_11, %dma_start3A_12] : memref<8192x128xf32, #tpu.memory_space<hbm>> -> memref<8192x128xf32, #tpu.memory_space<hbm>>
    tpu.enqueue_indirect_dma source(%dma_start3A_13 : memref<8192x128xf32, #tpu.memory_space<hbm>>) target(%arg7 : memref<80x128xf32, #tpu.memory_space<vmem>>) offsets(%dma_start3A_10 : memref<80xi32, #tpu.memory_space<vmem>>) semaphore(%arg11 : memref<!tpu.dma_semaphore, #tpu.memory_space<semaphore_mem>>)
    %dma_start3A_14 = arith.constant 160 : i32
    %dma_start3A_15 = tpu.memref_slice %arg5[%dma_start3A_14] : memref<5120xi32, #tpu.memory_space<vmem>> -> memref<80xi32, #tpu.memory_space<vmem>>
    %dma_start3A_16 = arith.constant 0 : i32
    %dma_start3A_17 = arith.constant 0 : i32
    %dma_start3A_18 = tpu.memref_slice %arg3[%dma_start3A_16, %dma_start3A_17] : memref<8192x128xf32, #tpu.memory_space<hbm>> -> memref<8192x128xf32, #tpu.memory_space<hbm>>
    tpu.enqueue_indirect_dma source(%dma_start3A_18 : memref<8192x128xf32, #tpu.memory_space<hbm>>) target(%arg8 : memref<80x128xf32, #tpu.memory_space<vmem>>) offsets(%dma_start3A_15 : memref<80xi32, #tpu.memory_space<vmem>>) semaphore(%arg12 : memref<!tpu.dma_semaphore, #tpu.memory_space<semaphore_mem>>)
    %dma_start3A_19 = arith.constant 240 : i32
    %dma_start3A_20 = tpu.memref_slice %arg5[%dma_start3A_19] : memref<5120xi32, #tpu.memory_space<vmem>> -> memref<80xi32, #tpu.memory_space<vmem>>
    %dma_start3A_21 = arith.constant 0 : i32
    %dma_start3A_22 = arith.constant 0 : i32
    %dma_start3A_23 = tpu.memref_slice %arg3[%dma_start3A_21, %dma_start3A_22] : memref<8192x128xf32, #tpu.memory_space<hbm>> -> memref<8192x128xf32, #tpu.memory_space<hbm>>
    tpu.enqueue_indirect_dma source(%dma_start3A_23 : memref<8192x128xf32, #tpu.memory_space<hbm>>) target(%arg9 : memref<80x128xf32, #tpu.memory_space<vmem>>) offsets(%dma_start3A_20 : memref<80xi32, #tpu.memory_space<vmem>>) semaphore(%arg13 : memref<!tpu.dma_semaphore, #tpu.memory_space<semaphore_mem>>)
    %scan3A = arith.constant 0 : i32
    %scan3A_24 = arith.constant 0 : i32
    %scan3A_25 = arith.constant 16 : i32
    %scan3A_26 = arith.addi %scan3A_24, %scan3A_25 : i32
    %scan3A_27 = arith.constant 1 : i32
    %scan3A_28 = scf.for %scan3A_61 = %scan3A_24 to %scan3A_26 step %scan3A_27 iter_args(%scan3A_62 = %scan3A) -> (i32)  : i32 {
      %mul3A_63 = arith.constant 4 : i32
      %mul3A_64 = arith.muli %scan3A_61, %mul3A_63 : i32
      %add3A_65 = arith.constant 0 : i32
      %add3A_66 = arith.addi %mul3A_64, %add3A_65 : i32
      %mul3A_67 = arith.constant 4 : i32
      %mul3A_68 = arith.muli %add3A_66, %mul3A_67 : i32
      %mul3A_69 = arith.constant 20 : i32
      %mul3A_70 = arith.muli %mul3A_68, %mul3A_69 : i32
      %dma_wait3A_71 = tpu.memref_slice %arg5[%mul3A_70] : memref<5120xi32, #tpu.memory_space<vmem>> -> memref<80xi32, #tpu.memory_space<vmem>>
      %dma_wait3A_72 = arith.constant 0 : i32
      %dma_wait3A_73 = arith.constant 0 : i32
      %dma_wait3A_74 = tpu.memref_slice %arg3[%dma_wait3A_72, %dma_wait3A_73] : memref<8192x128xf32, #tpu.memory_space<hbm>> -> memref<8192x128xf32, #tpu.memory_space<hbm>>
      tpu.wait_indirect_dma semaphore(%arg10 : memref<!tpu.dma_semaphore, #tpu.memory_space<semaphore_mem>>) src(%dma_wait3A_74 : memref<8192x128xf32, #tpu.memory_space<hbm>>) dst(%arg6 : memref<80x128xf32, #tpu.memory_space<vmem>>)
      %mul3A_75 = arith.constant 4 : i32
      %mul3A_76 = arith.muli %add3A_66, %mul3A_75 : i32
      %add3A_77 = arith.addi %mul3A_2, %mul3A_76 : i32
      %mul3A_78 = arith.constant 20 : i32
      %mul3A_79 = arith.muli %add3A_77, %mul3A_78 : i32
      %dma_start3A_80 = arith.constant 0 : i32
      %dma_start3A_81 = tpu.memref_slice %arg4[%mul3A_79, %dma_start3A_80] : memref<163840x128xf32, #tpu.memory_space<hbm>> -> memref<80x128xf32, #tpu.memory_space<hbm>>
      %dma_start3A_82 = arith.constant 0 : i32
      %dma_start3A_83 = tpu.memref_slice %arg4[%mul3A_79, %dma_start3A_82] : memref<163840x128xf32, #tpu.memory_space<hbm>> -> memref<80x128xf32, #tpu.memory_space<hbm>>
      tpu.enqueue_dma source(%arg6 : memref<80x128xf32, #tpu.memory_space<vmem>>) target(%dma_start3A_83 : memref<80x128xf32, #tpu.memory_space<hbm>>) target_semaphore(%arg14 : memref<!tpu.dma_semaphore, #tpu.memory_space<semaphore_mem>>)
      %add3A_84 = arith.constant 4 : i32
      %add3A_85 = arith.addi %add3A_66, %add3A_84 : i32
      %lt3A = arith.constant 64 : i32
      %lt3A_86 = arith.cmpi slt, %add3A_85, %lt3A : i32
      %convert_element_type3A = arith.extui %lt3A_86 : i1 to i32
      %cond3A = arith.constant 0 : i32
      %cond3A_87 = arith.cmpi ne, %convert_element_type3A, %cond3A : i32
      scf.if %cond3A_87 {
        %mul3A_173 = arith.constant 4 : i32
        %mul3A_174 = arith.muli %add3A_66, %mul3A_173 : i32
        %add3A_175 = arith.addi %mul3A_2, %mul3A_174 : i32
        %mul3A_176 = arith.constant 20 : i32
        %mul3A_177 = arith.muli %add3A_175, %mul3A_176 : i32
        %dma_wait3A_178 = arith.constant 0 : i32
        %dma_wait3A_179 = tpu.memref_slice %arg4[%mul3A_177, %dma_wait3A_178] : memref<163840x128xf32, #tpu.memory_space<hbm>> -> memref<80x128xf32, #tpu.memory_space<hbm>>
        %dma_wait3A_180 = arith.constant 0 : i32
        %dma_wait3A_181 = tpu.memref_slice %arg4[%mul3A_177, %dma_wait3A_180] : memref<163840x128xf32, #tpu.memory_space<hbm>> -> memref<80x128xf32, #tpu.memory_space<hbm>>
        tpu.wait_dma2 semaphore(%arg14 : memref<!tpu.dma_semaphore, #tpu.memory_space<semaphore_mem>>) src(%arg6 : memref<80x128xf32, #tpu.memory_space<vmem>>) dst(%dma_wait3A_181 : memref<80x128xf32, #tpu.memory_space<hbm>>)
        %add3A_182 = arith.constant 4 : i32
        %add3A_183 = arith.addi %add3A_66, %add3A_182 : i32
        %mul3A_184 = arith.constant 4 : i32
        %mul3A_185 = arith.muli %add3A_183, %mul3A_184 : i32
        %mul3A_186 = arith.constant 20 : i32
        %mul3A_187 = arith.muli %mul3A_185, %mul3A_186 : i32
        %dma_start3A_188 = tpu.memref_slice %arg5[%mul3A_187] : memref<5120xi32, #tpu.memory_space<vmem>> -> memref<80xi32, #tpu.memory_space<vmem>>
        %dma_start3A_189 = arith.constant 0 : i32
        %dma_start3A_190 = arith.constant 0 : i32
        %dma_start3A_191 = tpu.memref_slice %arg3[%dma_start3A_189, %dma_start3A_190] : memref<8192x128xf32, #tpu.memory_space<hbm>> -> memref<8192x128xf32, #tpu.memory_space<hbm>>
        tpu.enqueue_indirect_dma source(%dma_start3A_191 : memref<8192x128xf32, #tpu.memory_space<hbm>>) target(%arg6 : memref<80x128xf32, #tpu.memory_space<vmem>>) offsets(%dma_start3A_188 : memref<80xi32, #tpu.memory_space<vmem>>) semaphore(%arg10 : memref<!tpu.dma_semaphore, #tpu.memory_space<semaphore_mem>>)
      } else {
      }
      %mul3A_88 = arith.constant 4 : i32
      %mul3A_89 = arith.muli %scan3A_61, %mul3A_88 : i32
      %add3A_90 = arith.constant 1 : i32
      %add3A_91 = arith.addi %mul3A_89, %add3A_90 : i32
      %mul3A_92 = arith.constant 4 : i32
      %mul3A_93 = arith.muli %add3A_91, %mul3A_92 : i32
      %mul3A_94 = arith.constant 20 : i32
      %mul3A_95 = arith.muli %mul3A_93, %mul3A_94 : i32
      %dma_wait3A_96 = tpu.memref_slice %arg5[%mul3A_95] : memref<5120xi32, #tpu.memory_space<vmem>> -> memref<80xi32, #tpu.memory_space<vmem>>
      %dma_wait3A_97 = arith.constant 0 : i32
      %dma_wait3A_98 = arith.constant 0 : i32
      %dma_wait3A_99 = tpu.memref_slice %arg3[%dma_wait3A_97, %dma_wait3A_98] : memref<8192x128xf32, #tpu.memory_space<hbm>> -> memref<8192x128xf32, #tpu.memory_space<hbm>>
      tpu.wait_indirect_dma semaphore(%arg11 : memref<!tpu.dma_semaphore, #tpu.memory_space<semaphore_mem>>) src(%dma_wait3A_99 : memref<8192x128xf32, #tpu.memory_space<hbm>>) dst(%arg7 : memref<80x128xf32, #tpu.memory_space<vmem>>)
      %mul3A_100 = arith.constant 4 : i32
      %mul3A_101 = arith.muli %add3A_91, %mul3A_100 : i32
      %add3A_102 = arith.addi %mul3A_2, %mul3A_101 : i32
      %mul3A_103 = arith.constant 20 : i32
      %mul3A_104 = arith.muli %add3A_102, %mul3A_103 : i32
      %dma_start3A_105 = arith.constant 0 : i32
      %dma_start3A_106 = tpu.memref_slice %arg4[%mul3A_104, %dma_start3A_105] : memref<163840x128xf32, #tpu.memory_space<hbm>> -> memref<80x128xf32, #tpu.memory_space<hbm>>
      %dma_start3A_107 = arith.constant 0 : i32
      %dma_start3A_108 = tpu.memref_slice %arg4[%mul3A_104, %dma_start3A_107] : memref<163840x128xf32, #tpu.memory_space<hbm>> -> memref<80x128xf32, #tpu.memory_space<hbm>>
      tpu.enqueue_dma source(%arg7 : memref<80x128xf32, #tpu.memory_space<vmem>>) target(%dma_start3A_108 : memref<80x128xf32, #tpu.memory_space<hbm>>) target_semaphore(%arg15 : memref<!tpu.dma_semaphore, #tpu.memory_space<semaphore_mem>>)
      %add3A_109 = arith.constant 4 : i32
      %add3A_110 = arith.addi %add3A_91, %add3A_109 : i32
      %lt3A_111 = arith.constant 64 : i32
      %lt3A_112 = arith.cmpi slt, %add3A_110, %lt3A_111 : i32
      %convert_element_type3A_113 = arith.extui %lt3A_112 : i1 to i32
      %cond3A_114 = arith.constant 0 : i32
      %cond3A_115 = arith.cmpi ne, %convert_element_type3A_113, %cond3A_114 : i32
      scf.if %cond3A_115 {
        %mul3A_173 = arith.constant 4 : i32
        %mul3A_174 = arith.muli %add3A_91, %mul3A_173 : i32
        %add3A_175 = arith.addi %mul3A_2, %mul3A_174 : i32
        %mul3A_176 = arith.constant 20 : i32
        %mul3A_177 = arith.muli %add3A_175, %mul3A_176 : i32
        %dma_wait3A_178 = arith.constant 0 : i32
        %dma_wait3A_179 = tpu.memref_slice %arg4[%mul3A_177, %dma_wait3A_178] : memref<163840x128xf32, #tpu.memory_space<hbm>> -> memref<80x128xf32, #tpu.memory_space<hbm>>
        %dma_wait3A_180 = arith.constant 0 : i32
        %dma_wait3A_181 = tpu.memref_slice %arg4[%mul3A_177, %dma_wait3A_180] : memref<163840x128xf32, #tpu.memory_space<hbm>> -> memref<80x128xf32, #tpu.memory_space<hbm>>
        tpu.wait_dma2 semaphore(%arg15 : memref<!tpu.dma_semaphore, #tpu.memory_space<semaphore_mem>>) src(%arg7 : memref<80x128xf32, #tpu.memory_space<vmem>>) dst(%dma_wait3A_181 : memref<80x128xf32, #tpu.memory_space<hbm>>)
        %add3A_182 = arith.constant 4 : i32
        %add3A_183 = arith.addi %add3A_91, %add3A_182 : i32
        %mul3A_184 = arith.constant 4 : i32
        %mul3A_185 = arith.muli %add3A_183, %mul3A_184 : i32
        %mul3A_186 = arith.constant 20 : i32
        %mul3A_187 = arith.muli %mul3A_185, %mul3A_186 : i32
        %dma_start3A_188 = tpu.memref_slice %arg5[%mul3A_187] : memref<5120xi32, #tpu.memory_space<vmem>> -> memref<80xi32, #tpu.memory_space<vmem>>
        %dma_start3A_189 = arith.constant 0 : i32
        %dma_start3A_190 = arith.constant 0 : i32
        %dma_start3A_191 = tpu.memref_slice %arg3[%dma_start3A_189, %dma_start3A_190] : memref<8192x128xf32, #tpu.memory_space<hbm>> -> memref<8192x128xf32, #tpu.memory_space<hbm>>
        tpu.enqueue_indirect_dma source(%dma_start3A_191 : memref<8192x128xf32, #tpu.memory_space<hbm>>) target(%arg7 : memref<80x128xf32, #tpu.memory_space<vmem>>) offsets(%dma_start3A_188 : memref<80xi32, #tpu.memory_space<vmem>>) semaphore(%arg11 : memref<!tpu.dma_semaphore, #tpu.memory_space<semaphore_mem>>)
      } else {
      }
      %mul3A_116 = arith.constant 4 : i32
      %mul3A_117 = arith.muli %scan3A_61, %mul3A_116 : i32
      %add3A_118 = arith.constant 2 : i32
      %add3A_119 = arith.addi %mul3A_117, %add3A_118 : i32
      %mul3A_120 = arith.constant 4 : i32
      %mul3A_121 = arith.muli %add3A_119, %mul3A_120 : i32
      %mul3A_122 = arith.constant 20 : i32
      %mul3A_123 = arith.muli %mul3A_121, %mul3A_122 : i32
      %dma_wait3A_124 = tpu.memref_slice %arg5[%mul3A_123] : memref<5120xi32, #tpu.memory_space<vmem>> -> memref<80xi32, #tpu.memory_space<vmem>>
      %dma_wait3A_125 = arith.constant 0 : i32
      %dma_wait3A_126 = arith.constant 0 : i32
      %dma_wait3A_127 = tpu.memref_slice %arg3[%dma_wait3A_125, %dma_wait3A_126] : memref<8192x128xf32, #tpu.memory_space<hbm>> -> memref<8192x128xf32, #tpu.memory_space<hbm>>
      tpu.wait_indirect_dma semaphore(%arg12 : memref<!tpu.dma_semaphore, #tpu.memory_space<semaphore_mem>>) src(%dma_wait3A_127 : memref<8192x128xf32, #tpu.memory_space<hbm>>) dst(%arg8 : memref<80x128xf32, #tpu.memory_space<vmem>>)
      %mul3A_128 = arith.constant 4 : i32
      %mul3A_129 = arith.muli %add3A_119, %mul3A_128 : i32
      %add3A_130 = arith.addi %mul3A_2, %mul3A_129 : i32
      %mul3A_131 = arith.constant 20 : i32
      %mul3A_132 = arith.muli %add3A_130, %mul3A_131 : i32
      %dma_start3A_133 = arith.constant 0 : i32
      %dma_start3A_134 = tpu.memref_slice %arg4[%mul3A_132, %dma_start3A_133] : memref<163840x128xf32, #tpu.memory_space<hbm>> -> memref<80x128xf32, #tpu.memory_space<hbm>>
      %dma_start3A_135 = arith.constant 0 : i32
      %dma_start3A_136 = tpu.memref_slice %arg4[%mul3A_132, %dma_start3A_135] : memref<163840x128xf32, #tpu.memory_space<hbm>> -> memref<80x128xf32, #tpu.memory_space<hbm>>
      tpu.enqueue_dma source(%arg8 : memref<80x128xf32, #tpu.memory_space<vmem>>) target(%dma_start3A_136 : memref<80x128xf32, #tpu.memory_space<hbm>>) target_semaphore(%arg16 : memref<!tpu.dma_semaphore, #tpu.memory_space<semaphore_mem>>)
      %add3A_137 = arith.constant 4 : i32
      %add3A_138 = arith.addi %add3A_119, %add3A_137 : i32
      %lt3A_139 = arith.constant 64 : i32
      %lt3A_140 = arith.cmpi slt, %add3A_138, %lt3A_139 : i32
      %convert_element_type3A_141 = arith.extui %lt3A_140 : i1 to i32
      %cond3A_142 = arith.constant 0 : i32
      %cond3A_143 = arith.cmpi ne, %convert_element_type3A_141, %cond3A_142 : i32
      scf.if %cond3A_143 {
        %mul3A_173 = arith.constant 4 : i32
        %mul3A_174 = arith.muli %add3A_119, %mul3A_173 : i32
        %add3A_175 = arith.addi %mul3A_2, %mul3A_174 : i32
        %mul3A_176 = arith.constant 20 : i32
        %mul3A_177 = arith.muli %add3A_175, %mul3A_176 : i32
        %dma_wait3A_178 = arith.constant 0 : i32
        %dma_wait3A_179 = tpu.memref_slice %arg4[%mul3A_177, %dma_wait3A_178] : memref<163840x128xf32, #tpu.memory_space<hbm>> -> memref<80x128xf32, #tpu.memory_space<hbm>>
        %dma_wait3A_180 = arith.constant 0 : i32
        %dma_wait3A_181 = tpu.memref_slice %arg4[%mul3A_177, %dma_wait3A_180] : memref<163840x128xf32, #tpu.memory_space<hbm>> -> memref<80x128xf32, #tpu.memory_space<hbm>>
        tpu.wait_dma2 semaphore(%arg16 : memref<!tpu.dma_semaphore, #tpu.memory_space<semaphore_mem>>) src(%arg8 : memref<80x128xf32, #tpu.memory_space<vmem>>) dst(%dma_wait3A_181 : memref<80x128xf32, #tpu.memory_space<hbm>>)
        %add3A_182 = arith.constant 4 : i32
        %add3A_183 = arith.addi %add3A_119, %add3A_182 : i32
        %mul3A_184 = arith.constant 4 : i32
        %mul3A_185 = arith.muli %add3A_183, %mul3A_184 : i32
        %mul3A_186 = arith.constant 20 : i32
        %mul3A_187 = arith.muli %mul3A_185, %mul3A_186 : i32
        %dma_start3A_188 = tpu.memref_slice %arg5[%mul3A_187] : memref<5120xi32, #tpu.memory_space<vmem>> -> memref<80xi32, #tpu.memory_space<vmem>>
        %dma_start3A_189 = arith.constant 0 : i32
        %dma_start3A_190 = arith.constant 0 : i32
        %dma_start3A_191 = tpu.memref_slice %arg3[%dma_start3A_189, %dma_start3A_190] : memref<8192x128xf32, #tpu.memory_space<hbm>> -> memref<8192x128xf32, #tpu.memory_space<hbm>>
        tpu.enqueue_indirect_dma source(%dma_start3A_191 : memref<8192x128xf32, #tpu.memory_space<hbm>>) target(%arg8 : memref<80x128xf32, #tpu.memory_space<vmem>>) offsets(%dma_start3A_188 : memref<80xi32, #tpu.memory_space<vmem>>) semaphore(%arg12 : memref<!tpu.dma_semaphore, #tpu.memory_space<semaphore_mem>>)
      } else {
      }
      %mul3A_144 = arith.constant 4 : i32
      %mul3A_145 = arith.muli %scan3A_61, %mul3A_144 : i32
      %add3A_146 = arith.constant 3 : i32
      %add3A_147 = arith.addi %mul3A_145, %add3A_146 : i32
      %mul3A_148 = arith.constant 4 : i32
      %mul3A_149 = arith.muli %add3A_147, %mul3A_148 : i32
      %mul3A_150 = arith.constant 20 : i32
      %mul3A_151 = arith.muli %mul3A_149, %mul3A_150 : i32
      %dma_wait3A_152 = tpu.memref_slice %arg5[%mul3A_151] : memref<5120xi32, #tpu.memory_space<vmem>> -> memref<80xi32, #tpu.memory_space<vmem>>
      %dma_wait3A_153 = arith.constant 0 : i32
      %dma_wait3A_154 = arith.constant 0 : i32
      %dma_wait3A_155 = tpu.memref_slice %arg3[%dma_wait3A_153, %dma_wait3A_154] : memref<8192x128xf32, #tpu.memory_space<hbm>> -> memref<8192x128xf32, #tpu.memory_space<hbm>>
      tpu.wait_indirect_dma semaphore(%arg13 : memref<!tpu.dma_semaphore, #tpu.memory_space<semaphore_mem>>) src(%dma_wait3A_155 : memref<8192x128xf32, #tpu.memory_space<hbm>>) dst(%arg9 : memref<80x128xf32, #tpu.memory_space<vmem>>)
      %mul3A_156 = arith.constant 4 : i32
      %mul3A_157 = arith.muli %add3A_147, %mul3A_156 : i32
      %add3A_158 = arith.addi %mul3A_2, %mul3A_157 : i32
      %mul3A_159 = arith.constant 20 : i32
      %mul3A_160 = arith.muli %add3A_158, %mul3A_159 : i32
      %dma_start3A_161 = arith.constant 0 : i32
      %dma_start3A_162 = tpu.memref_slice %arg4[%mul3A_160, %dma_start3A_161] : memref<163840x128xf32, #tpu.memory_space<hbm>> -> memref<80x128xf32, #tpu.memory_space<hbm>>
      %dma_start3A_163 = arith.constant 0 : i32
      %dma_start3A_164 = tpu.memref_slice %arg4[%mul3A_160, %dma_start3A_163] : memref<163840x128xf32, #tpu.memory_space<hbm>> -> memref<80x128xf32, #tpu.memory_space<hbm>>
      tpu.enqueue_dma source(%arg9 : memref<80x128xf32, #tpu.memory_space<vmem>>) target(%dma_start3A_164 : memref<80x128xf32, #tpu.memory_space<hbm>>) target_semaphore(%arg17 : memref<!tpu.dma_semaphore, #tpu.memory_space<semaphore_mem>>)
      %add3A_165 = arith.constant 4 : i32
      %add3A_166 = arith.addi %add3A_147, %add3A_165 : i32
      %lt3A_167 = arith.constant 64 : i32
      %lt3A_168 = arith.cmpi slt, %add3A_166, %lt3A_167 : i32
      %convert_element_type3A_169 = arith.extui %lt3A_168 : i1 to i32
      %cond3A_170 = arith.constant 0 : i32
      %cond3A_171 = arith.cmpi ne, %convert_element_type3A_169, %cond3A_170 : i32
      scf.if %cond3A_171 {
        %mul3A_173 = arith.constant 4 : i32
        %mul3A_174 = arith.muli %add3A_147, %mul3A_173 : i32
        %add3A_175 = arith.addi %mul3A_2, %mul3A_174 : i32
        %mul3A_176 = arith.constant 20 : i32
        %mul3A_177 = arith.muli %add3A_175, %mul3A_176 : i32
        %dma_wait3A_178 = arith.constant 0 : i32
        %dma_wait3A_179 = tpu.memref_slice %arg4[%mul3A_177, %dma_wait3A_178] : memref<163840x128xf32, #tpu.memory_space<hbm>> -> memref<80x128xf32, #tpu.memory_space<hbm>>
        %dma_wait3A_180 = arith.constant 0 : i32
        %dma_wait3A_181 = tpu.memref_slice %arg4[%mul3A_177, %dma_wait3A_180] : memref<163840x128xf32, #tpu.memory_space<hbm>> -> memref<80x128xf32, #tpu.memory_space<hbm>>
        tpu.wait_dma2 semaphore(%arg17 : memref<!tpu.dma_semaphore, #tpu.memory_space<semaphore_mem>>) src(%arg9 : memref<80x128xf32, #tpu.memory_space<vmem>>) dst(%dma_wait3A_181 : memref<80x128xf32, #tpu.memory_space<hbm>>)
        %add3A_182 = arith.constant 4 : i32
        %add3A_183 = arith.addi %add3A_147, %add3A_182 : i32
        %mul3A_184 = arith.constant 4 : i32
        %mul3A_185 = arith.muli %add3A_183, %mul3A_184 : i32
        %mul3A_186 = arith.constant 20 : i32
        %mul3A_187 = arith.muli %mul3A_185, %mul3A_186 : i32
        %dma_start3A_188 = tpu.memref_slice %arg5[%mul3A_187] : memref<5120xi32, #tpu.memory_space<vmem>> -> memref<80xi32, #tpu.memory_space<vmem>>
        %dma_start3A_189 = arith.constant 0 : i32
        %dma_start3A_190 = arith.constant 0 : i32
        %dma_start3A_191 = tpu.memref_slice %arg3[%dma_start3A_189, %dma_start3A_190] : memref<8192x128xf32, #tpu.memory_space<hbm>> -> memref<8192x128xf32, #tpu.memory_space<hbm>>
        tpu.enqueue_indirect_dma source(%dma_start3A_191 : memref<8192x128xf32, #tpu.memory_space<hbm>>) target(%arg9 : memref<80x128xf32, #tpu.memory_space<vmem>>) offsets(%dma_start3A_188 : memref<80xi32, #tpu.memory_space<vmem>>) semaphore(%arg13 : memref<!tpu.dma_semaphore, #tpu.memory_space<semaphore_mem>>)
      } else {
      }
      %scan3A_172 = arith.constant 0 : i32
      scf.yield %scan3A_172 : i32
    }
    %scan3A_29 = arith.constant 16 : i32
    %add3A_30 = arith.constant 240 : i32
    %add3A_31 = arith.addi %mul3A_2, %add3A_30 : i32
    %mul3A_32 = arith.constant 20 : i32
    %mul3A_33 = arith.muli %add3A_31, %mul3A_32 : i32
    %dma_wait3A = arith.constant 0 : i32
    %dma_wait3A_34 = tpu.memref_slice %arg4[%mul3A_33, %dma_wait3A] : memref<163840x128xf32, #tpu.memory_space<hbm>> -> memref<80x128xf32, #tpu.memory_space<hbm>>
    %dma_wait3A_35 = arith.constant 0 : i32
    %dma_wait3A_36 = tpu.memref_slice %arg4[%mul3A_33, %dma_wait3A_35] : memref<163840x128xf32, #tpu.memory_space<hbm>> -> memref<80x128xf32, #tpu.memory_space<hbm>>
    tpu.wait_dma2 semaphore(%arg14 : memref<!tpu.dma_semaphore, #tpu.memory_space<semaphore_mem>>) src(%arg6 : memref<80x128xf32, #tpu.memory_space<vmem>>) dst(%dma_wait3A_36 : memref<80x128xf32, #tpu.memory_space<hbm>>)
    %add3A_37 = arith.constant 244 : i32
    %add3A_38 = arith.addi %mul3A_2, %add3A_37 : i32
    %mul3A_39 = arith.constant 20 : i32
    %mul3A_40 = arith.muli %add3A_38, %mul3A_39 : i32
    %dma_wait3A_41 = arith.constant 0 : i32
    %dma_wait3A_42 = tpu.memref_slice %arg4[%mul3A_40, %dma_wait3A_41] : memref<163840x128xf32, #tpu.memory_space<hbm>> -> memref<80x128xf32, #tpu.memory_space<hbm>>
    %dma_wait3A_43 = arith.constant 0 : i32
    %dma_wait3A_44 = tpu.memref_slice %arg4[%mul3A_40, %dma_wait3A_43] : memref<163840x128xf32, #tpu.memory_space<hbm>> -> memref<80x128xf32, #tpu.memory_space<hbm>>
    tpu.wait_dma2 semaphore(%arg15 : memref<!tpu.dma_semaphore, #tpu.memory_space<semaphore_mem>>) src(%arg7 : memref<80x128xf32, #tpu.memory_space<vmem>>) dst(%dma_wait3A_44 : memref<80x128xf32, #tpu.memory_space<hbm>>)
    %add3A_45 = arith.constant 248 : i32
    %add3A_46 = arith.addi %mul3A_2, %add3A_45 : i32
    %mul3A_47 = arith.constant 20 : i32
    %mul3A_48 = arith.muli %add3A_46, %mul3A_47 : i32
    %dma_wait3A_49 = arith.constant 0 : i32
    %dma_wait3A_50 = tpu.memref_slice %arg4[%mul3A_48, %dma_wait3A_49] : memref<163840x128xf32, #tpu.memory_space<hbm>> -> memref<80x128xf32, #tpu.memory_space<hbm>>
    %dma_wait3A_51 = arith.constant 0 : i32
    %dma_wait3A_52 = tpu.memref_slice %arg4[%mul3A_48, %dma_wait3A_51] : memref<163840x128xf32, #tpu.memory_space<hbm>> -> memref<80x128xf32, #tpu.memory_space<hbm>>
    tpu.wait_dma2 semaphore(%arg16 : memref<!tpu.dma_semaphore, #tpu.memory_space<semaphore_mem>>) src(%arg8 : memref<80x128xf32, #tpu.memory_space<vmem>>) dst(%dma_wait3A_52 : memref<80x128xf32, #tpu.memory_space<hbm>>)
    %add3A_53 = arith.constant 252 : i32
    %add3A_54 = arith.addi %mul3A_2, %add3A_53 : i32
    %mul3A_55 = arith.constant 20 : i32
    %mul3A_56 = arith.muli %add3A_54, %mul3A_55 : i32
    %dma_wait3A_57 = arith.constant 0 : i32
    %dma_wait3A_58 = tpu.memref_slice %arg4[%mul3A_56, %dma_wait3A_57] : memref<163840x128xf32, #tpu.memory_space<hbm>> -> memref<80x128xf32, #tpu.memory_space<hbm>>
    %dma_wait3A_59 = arith.constant 0 : i32
    %dma_wait3A_60 = tpu.memref_slice %arg4[%mul3A_56, %dma_wait3A_59] : memref<163840x128xf32, #tpu.memory_space<hbm>> -> memref<80x128xf32, #tpu.memory_space<hbm>>
    tpu.wait_dma2 semaphore(%arg17 : memref<!tpu.dma_semaphore, #tpu.memory_space<semaphore_mem>>) src(%arg9 : memref<80x128xf32, #tpu.memory_space<vmem>>) dst(%dma_wait3A_60 : memref<80x128xf32, #tpu.memory_space<hbm>>)
    return
  }
}

#map = affine_map<(d0, d1) -> (0)>
#map1 = affine_map<(d0, d1) -> (0, 0)>
module attributes {stable_mosaic.version = 14 : i64} {
  func.func @sc_fn(%arg0: i32, %arg1: i32, %arg2: memref<163840xi32, #tpu.memory_space<hbm>>, %arg3: memref<8192x128xf32, #tpu.memory_space<hbm>>, %arg4: memref<163840x128xf32, #tpu.memory_space<hbm>>, %arg5: memref<5120xi32, #tpu.memory_space<vmem>>, %arg6: memref<80x128xf32, #tpu.memory_space<vmem>>, %arg7: memref<80x128xf32, #tpu.memory_space<vmem>>, %arg8: memref<80x128xf32, #tpu.memory_space<vmem>>, %arg9: memref<80x128xf32, #tpu.memory_space<vmem>>, %arg10: memref<!tpu.dma_semaphore, #tpu.memory_space<semaphore_mem>>, %arg11: memref<!tpu.dma_semaphore, #tpu.memory_space<semaphore_mem>>, %arg12: memref<!tpu.dma_semaphore, #tpu.memory_space<semaphore_mem>>, %arg13: memref<!tpu.dma_semaphore, #tpu.memory_space<semaphore_mem>>, %arg14: memref<!tpu.dma_semaphore, #tpu.memory_space<semaphore_mem>>, %arg15: memref<!tpu.dma_semaphore, #tpu.memory_space<semaphore_mem>>, %arg16: memref<!tpu.dma_semaphore, #tpu.memory_space<semaphore_mem>>, %arg17: memref<!tpu.dma_semaphore, #tpu.memory_space<semaphore_mem>>) attributes {dimension_semantics = [#tpu.dimension_semantics<core_parallel>, #tpu.dimension_semantics<subcore_parallel>], iteration_bounds = array<i64: 2, 16>, scalar_prefetch = 0 : i64, scratch_operands = 13 : i64, tpu.core_type = #tpu.core_type<sc_vector_subcore>, window_params = [{transform_indices = #map}, {transform_indices = #map1}, {transform_indices = #map1}]} {
    %mul3A = arith.constant 2 : i32
    %mul3A_0 = arith.muli %arg1, %mul3A : i32
    %add3A = arith.addi %mul3A_0, %arg0 : i32
    %mul3A_1 = arith.constant 256 : i32
    %mul3A_2 = arith.muli %add3A, %mul3A_1 : i32
    %mul3A_3 = arith.constant 20 : i32
    %mul3A_4 = arith.muli %mul3A_2, %mul3A_3 : i32
    "tpu.region"() ({
      %run_scoped3A = tpu.sem_alloc : memref<!tpu.dma_semaphore, #tpu.memory_space<semaphore_mem>>
      %dma_start3A_61 = tpu.memref_slice %arg2[%mul3A_4] : memref<163840xi32, #tpu.memory_space<hbm>> -> memref<5120xi32, #tpu.memory_space<hbm>>
      %dma_start3A_62 = tpu.memref_slice %arg2[%mul3A_4] : memref<163840xi32, #tpu.memory_space<hbm>> -> memref<5120xi32, #tpu.memory_space<hbm>>
      tpu.enqueue_dma source(%dma_start3A_62 : memref<5120xi32, #tpu.memory_space<hbm>>) target(%arg5 : memref<5120xi32, #tpu.memory_space<vmem>>) target_semaphore(%run_scoped3A : memref<!tpu.dma_semaphore, #tpu.memory_space<semaphore_mem>>)
      %dma_wait3A_63 = tpu.memref_slice %arg2[%mul3A_4] : memref<163840xi32, #tpu.memory_space<hbm>> -> memref<5120xi32, #tpu.memory_space<hbm>>
      %dma_wait3A_64 = tpu.memref_slice %arg2[%mul3A_4] : memref<163840xi32, #tpu.memory_space<hbm>> -> memref<5120xi32, #tpu.memory_space<hbm>>
      tpu.wait_dma2 semaphore(%run_scoped3A : memref<!tpu.dma_semaphore, #tpu.memory_space<semaphore_mem>>) src(%dma_wait3A_64 : memref<5120xi32, #tpu.memory_space<hbm>>) dst(%arg5 : memref<5120xi32, #tpu.memory_space<vmem>>)
      tpu.yield
    }) : () -> ()
    %dma_start3A = arith.constant 0 : i32
    %dma_start3A_5 = tpu.memref_slice %arg5[%dma_start3A] : memref<5120xi32, #tpu.memory_space<vmem>> -> memref<80xi32, #tpu.memory_space<vmem>>
    %dma_start3A_6 = arith.constant 0 : i32
    %dma_start3A_7 = arith.constant 0 : i32
    %dma_start3A_8 = tpu.memref_slice %arg3[%dma_start3A_6, %dma_start3A_7] : memref<8192x128xf32, #tpu.memory_space<hbm>> -> memref<8192x128xf32, #tpu.memory_space<hbm>>
    tpu.enqueue_indirect_dma source(%dma_start3A_8 : memref<8192x128xf32, #tpu.memory_space<hbm>>) target(%arg6 : memref<80x128xf32, #tpu.memory_space<vmem>>) offsets(%dma_start3A_5 : memref<80xi32, #tpu.memory_space<vmem>>) semaphore(%arg10 : memref<!tpu.dma_semaphore, #tpu.memory_space<semaphore_mem>>)
    %dma_start3A_9 = arith.constant 80 : i32
    %dma_start3A_10 = tpu.memref_slice %arg5[%dma_start3A_9] : memref<5120xi32, #tpu.memory_space<vmem>> -> memref<80xi32, #tpu.memory_space<vmem>>
    %dma_start3A_11 = arith.constant 0 : i32
    %dma_start3A_12 = arith.constant 0 : i32
    %dma_start3A_13 = tpu.memref_slice %arg3[%dma_start3A_11, %dma_start3A_12] : memref<8192x128xf32, #tpu.memory_space<hbm>> -> memref<8192x128xf32, #tpu.memory_space<hbm>>
    tpu.enqueue_indirect_dma source(%dma_start3A_13 : memref<8192x128xf32, #tpu.memory_space<hbm>>) target(%arg7 : memref<80x128xf32, #tpu.memory_space<vmem>>) offsets(%dma_start3A_10 : memref<80xi32, #tpu.memory_space<vmem>>) semaphore(%arg11 : memref<!tpu.dma_semaphore, #tpu.memory_space<semaphore_mem>>)
    %dma_start3A_14 = arith.constant 160 : i32
    %dma_start3A_15 = tpu.memref_slice %arg5[%dma_start3A_14] : memref<5120xi32, #tpu.memory_space<vmem>> -> memref<80xi32, #tpu.memory_space<vmem>>
    %dma_start3A_16 = arith.constant 0 : i32
    %dma_start3A_17 = arith.constant 0 : i32
    %dma_start3A_18 = tpu.memref_slice %arg3[%dma_start3A_16, %dma_start3A_17] : memref<8192x128xf32, #tpu.memory_space<hbm>> -> memref<8192x128xf32, #tpu.memory_space<hbm>>
    tpu.enqueue_indirect_dma source(%dma_start3A_18 : memref<8192x128xf32, #tpu.memory_space<hbm>>) target(%arg8 : memref<80x128xf32, #tpu.memory_space<vmem>>) offsets(%dma_start3A_15 : memref<80xi32, #tpu.memory_space<vmem>>) semaphore(%arg12 : memref<!tpu.dma_semaphore, #tpu.memory_space<semaphore_mem>>)
    %dma_start3A_19 = arith.constant 240 : i32
    %dma_start3A_20 = tpu.memref_slice %arg5[%dma_start3A_19] : memref<5120xi32, #tpu.memory_space<vmem>> -> memref<80xi32, #tpu.memory_space<vmem>>
    %dma_start3A_21 = arith.constant 0 : i32
    %dma_start3A_22 = arith.constant 0 : i32
    %dma_start3A_23 = tpu.memref_slice %arg3[%dma_start3A_21, %dma_start3A_22] : memref<8192x128xf32, #tpu.memory_space<hbm>> -> memref<8192x128xf32, #tpu.memory_space<hbm>>
    tpu.enqueue_indirect_dma source(%dma_start3A_23 : memref<8192x128xf32, #tpu.memory_space<hbm>>) target(%arg9 : memref<80x128xf32, #tpu.memory_space<vmem>>) offsets(%dma_start3A_20 : memref<80xi32, #tpu.memory_space<vmem>>) semaphore(%arg13 : memref<!tpu.dma_semaphore, #tpu.memory_space<semaphore_mem>>)
    %scan3A = arith.constant 0 : i32
    %scan3A_24 = arith.constant 0 : i32
    %scan3A_25 = arith.constant 16 : i32
    %scan3A_26 = arith.addi %scan3A_24, %scan3A_25 : i32
    %scan3A_27 = arith.constant 1 : i32
    %scan3A_28 = scf.for %scan3A_61 = %scan3A_24 to %scan3A_26 step %scan3A_27 iter_args(%scan3A_62 = %scan3A) -> (i32)  : i32 {
      %mul3A_63 = arith.constant 4 : i32
      %mul3A_64 = arith.muli %scan3A_61, %mul3A_63 : i32
      %add3A_65 = arith.constant 0 : i32
      %add3A_66 = arith.addi %mul3A_64, %add3A_65 : i32
      %mul3A_67 = arith.constant 4 : i32
      %mul3A_68 = arith.muli %add3A_66, %mul3A_67 : i32
      %mul3A_69 = arith.constant 20 : i32
      %mul3A_70 = arith.muli %mul3A_68, %mul3A_69 : i32
      %dma_wait3A_71 = tpu.memref_slice %arg5[%mul3A_70] : memref<5120xi32, #tpu.memory_space<vmem>> -> memref<80xi32, #tpu.memory_space<vmem>>
      %dma_wait3A_72 = arith.constant 0 : i32
      %dma_wait3A_73 = arith.constant 0 : i32
      %dma_wait3A_74 = tpu.memref_slice %arg3[%dma_wait3A_72, %dma_wait3A_73] : memref<8192x128xf32, #tpu.memory_space<hbm>> -> memref<8192x128xf32, #tpu.memory_space<hbm>>
      tpu.wait_indirect_dma semaphore(%arg10 : memref<!tpu.dma_semaphore, #tpu.memory_space<semaphore_mem>>) src(%dma_wait3A_74 : memref<8192x128xf32, #tpu.memory_space<hbm>>) dst(%arg6 : memref<80x128xf32, #tpu.memory_space<vmem>>)
      %mul3A_75 = arith.constant 4 : i32
      %mul3A_76 = arith.muli %add3A_66, %mul3A_75 : i32
      %add3A_77 = arith.addi %mul3A_2, %mul3A_76 : i32
      %mul3A_78 = arith.constant 20 : i32
      %mul3A_79 = arith.muli %add3A_77, %mul3A_78 : i32
      %dma_start3A_80 = arith.constant 0 : i32
      %dma_start3A_81 = tpu.memref_slice %arg4[%mul3A_79, %dma_start3A_80] : memref<163840x128xf32, #tpu.memory_space<hbm>> -> memref<80x128xf32, #tpu.memory_space<hbm>>
      %dma_start3A_82 = arith.constant 0 : i32
      %dma_start3A_83 = tpu.memref_slice %arg4[%mul3A_79, %dma_start3A_82] : memref<163840x128xf32, #tpu.memory_space<hbm>> -> memref<80x128xf32, #tpu.memory_space<hbm>>
      tpu.enqueue_dma source(%arg6 : memref<80x128xf32, #tpu.memory_space<vmem>>) target(%dma_start3A_83 : memref<80x128xf32, #tpu.memory_space<hbm>>) target_semaphore(%arg14 : memref<!tpu.dma_semaphore, #tpu.memory_space<semaphore_mem>>)
      %add3A_84 = arith.constant 4 : i32
      %add3A_85 = arith.addi %add3A_66, %add3A_84 : i32
      %lt3A = arith.constant 64 : i32
      %lt3A_86 = arith.cmpi slt, %add3A_85, %lt3A : i32
      %convert_element_type3A = arith.extui %lt3A_86 : i1 to i32
      %cond3A = arith.constant 0 : i32
      %cond3A_87 = arith.cmpi ne, %convert_element_type3A, %cond3A : i32
      scf.if %cond3A_87 {
        %mul3A_173 = arith.constant 4 : i32
        %mul3A_174 = arith.muli %add3A_66, %mul3A_173 : i32
        %add3A_175 = arith.addi %mul3A_2, %mul3A_174 : i32
        %mul3A_176 = arith.constant 20 : i32
        %mul3A_177 = arith.muli %add3A_175, %mul3A_176 : i32
        %dma_wait3A_178 = arith.constant 0 : i32
        %dma_wait3A_179 = tpu.memref_slice %arg4[%mul3A_177, %dma_wait3A_178] : memref<163840x128xf32, #tpu.memory_space<hbm>> -> memref<80x128xf32, #tpu.memory_space<hbm>>
        %dma_wait3A_180 = arith.constant 0 : i32
        %dma_wait3A_181 = tpu.memref_slice %arg4[%mul3A_177, %dma_wait3A_180] : memref<163840x128xf32, #tpu.memory_space<hbm>> -> memref<80x128xf32, #tpu.memory_space<hbm>>
        tpu.wait_dma2 semaphore(%arg14 : memref<!tpu.dma_semaphore, #tpu.memory_space<semaphore_mem>>) src(%arg6 : memref<80x128xf32, #tpu.memory_space<vmem>>) dst(%dma_wait3A_181 : memref<80x128xf32, #tpu.memory_space<hbm>>)
        %add3A_182 = arith.constant 4 : i32
        %add3A_183 = arith.addi %add3A_66, %add3A_182 : i32
        %mul3A_184 = arith.constant 4 : i32
        %mul3A_185 = arith.muli %add3A_183, %mul3A_184 : i32
        %mul3A_186 = arith.constant 20 : i32
        %mul3A_187 = arith.muli %mul3A_185, %mul3A_186 : i32
        %dma_start3A_188 = tpu.memref_slice %arg5[%mul3A_187] : memref<5120xi32, #tpu.memory_space<vmem>> -> memref<80xi32, #tpu.memory_space<vmem>>
        %dma_start3A_189 = arith.constant 0 : i32
        %dma_start3A_190 = arith.constant 0 : i32
        %dma_start3A_191 = tpu.memref_slice %arg3[%dma_start3A_189, %dma_start3A_190] : memref<8192x128xf32, #tpu.memory_space<hbm>> -> memref<8192x128xf32, #tpu.memory_space<hbm>>
        tpu.enqueue_indirect_dma source(%dma_start3A_191 : memref<8192x128xf32, #tpu.memory_space<hbm>>) target(%arg6 : memref<80x128xf32, #tpu.memory_space<vmem>>) offsets(%dma_start3A_188 : memref<80xi32, #tpu.memory_space<vmem>>) semaphore(%arg10 : memref<!tpu.dma_semaphore, #tpu.memory_space<semaphore_mem>>)
      } else {
      }
      %mul3A_88 = arith.constant 4 : i32
      %mul3A_89 = arith.muli %scan3A_61, %mul3A_88 : i32
      %add3A_90 = arith.constant 1 : i32
      %add3A_91 = arith.addi %mul3A_89, %add3A_90 : i32
      %mul3A_92 = arith.constant 4 : i32
      %mul3A_93 = arith.muli %add3A_91, %mul3A_92 : i32
      %mul3A_94 = arith.constant 20 : i32
      %mul3A_95 = arith.muli %mul3A_93, %mul3A_94 : i32
      %dma_wait3A_96 = tpu.memref_slice %arg5[%mul3A_95] : memref<5120xi32, #tpu.memory_space<vmem>> -> memref<80xi32, #tpu.memory_space<vmem>>
      %dma_wait3A_97 = arith.constant 0 : i32
      %dma_wait3A_98 = arith.constant 0 : i32
      %dma_wait3A_99 = tpu.memref_slice %arg3[%dma_wait3A_97, %dma_wait3A_98] : memref<8192x128xf32, #tpu.memory_space<hbm>> -> memref<8192x128xf32, #tpu.memory_space<hbm>>
      tpu.wait_indirect_dma semaphore(%arg11 : memref<!tpu.dma_semaphore, #tpu.memory_space<semaphore_mem>>) src(%dma_wait3A_99 : memref<8192x128xf32, #tpu.memory_space<hbm>>) dst(%arg7 : memref<80x128xf32, #tpu.memory_space<vmem>>)
      %mul3A_100 = arith.constant 4 : i32
      %mul3A_101 = arith.muli %add3A_91, %mul3A_100 : i32
      %add3A_102 = arith.addi %mul3A_2, %mul3A_101 : i32
      %mul3A_103 = arith.constant 20 : i32
      %mul3A_104 = arith.muli %add3A_102, %mul3A_103 : i32
      %dma_start3A_105 = arith.constant 0 : i32
      %dma_start3A_106 = tpu.memref_slice %arg4[%mul3A_104, %dma_start3A_105] : memref<163840x128xf32, #tpu.memory_space<hbm>> -> memref<80x128xf32, #tpu.memory_space<hbm>>
      %dma_start3A_107 = arith.constant 0 : i32
      %dma_start3A_108 = tpu.memref_slice %arg4[%mul3A_104, %dma_start3A_107] : memref<163840x128xf32, #tpu.memory_space<hbm>> -> memref<80x128xf32, #tpu.memory_space<hbm>>
      tpu.enqueue_dma source(%arg7 : memref<80x128xf32, #tpu.memory_space<vmem>>) target(%dma_start3A_108 : memref<80x128xf32, #tpu.memory_space<hbm>>) target_semaphore(%arg15 : memref<!tpu.dma_semaphore, #tpu.memory_space<semaphore_mem>>)
      %add3A_109 = arith.constant 4 : i32
      %add3A_110 = arith.addi %add3A_91, %add3A_109 : i32
      %lt3A_111 = arith.constant 64 : i32
      %lt3A_112 = arith.cmpi slt, %add3A_110, %lt3A_111 : i32
      %convert_element_type3A_113 = arith.extui %lt3A_112 : i1 to i32
      %cond3A_114 = arith.constant 0 : i32
      %cond3A_115 = arith.cmpi ne, %convert_element_type3A_113, %cond3A_114 : i32
      scf.if %cond3A_115 {
        %mul3A_173 = arith.constant 4 : i32
        %mul3A_174 = arith.muli %add3A_91, %mul3A_173 : i32
        %add3A_175 = arith.addi %mul3A_2, %mul3A_174 : i32
        %mul3A_176 = arith.constant 20 : i32
        %mul3A_177 = arith.muli %add3A_175, %mul3A_176 : i32
        %dma_wait3A_178 = arith.constant 0 : i32
        %dma_wait3A_179 = tpu.memref_slice %arg4[%mul3A_177, %dma_wait3A_178] : memref<163840x128xf32, #tpu.memory_space<hbm>> -> memref<80x128xf32, #tpu.memory_space<hbm>>
        %dma_wait3A_180 = arith.constant 0 : i32
        %dma_wait3A_181 = tpu.memref_slice %arg4[%mul3A_177, %dma_wait3A_180] : memref<163840x128xf32, #tpu.memory_space<hbm>> -> memref<80x128xf32, #tpu.memory_space<hbm>>
        tpu.wait_dma2 semaphore(%arg15 : memref<!tpu.dma_semaphore, #tpu.memory_space<semaphore_mem>>) src(%arg7 : memref<80x128xf32, #tpu.memory_space<vmem>>) dst(%dma_wait3A_181 : memref<80x128xf32, #tpu.memory_space<hbm>>)
        %add3A_182 = arith.constant 4 : i32
        %add3A_183 = arith.addi %add3A_91, %add3A_182 : i32
        %mul3A_184 = arith.constant 4 : i32
        %mul3A_185 = arith.muli %add3A_183, %mul3A_184 : i32
        %mul3A_186 = arith.constant 20 : i32
        %mul3A_187 = arith.muli %mul3A_185, %mul3A_186 : i32
        %dma_start3A_188 = tpu.memref_slice %arg5[%mul3A_187] : memref<5120xi32, #tpu.memory_space<vmem>> -> memref<80xi32, #tpu.memory_space<vmem>>
        %dma_start3A_189 = arith.constant 0 : i32
        %dma_start3A_190 = arith.constant 0 : i32
        %dma_start3A_191 = tpu.memref_slice %arg3[%dma_start3A_189, %dma_start3A_190] : memref<8192x128xf32, #tpu.memory_space<hbm>> -> memref<8192x128xf32, #tpu.memory_space<hbm>>
        tpu.enqueue_indirect_dma source(%dma_start3A_191 : memref<8192x128xf32, #tpu.memory_space<hbm>>) target(%arg7 : memref<80x128xf32, #tpu.memory_space<vmem>>) offsets(%dma_start3A_188 : memref<80xi32, #tpu.memory_space<vmem>>) semaphore(%arg11 : memref<!tpu.dma_semaphore, #tpu.memory_space<semaphore_mem>>)
      } else {
      }
      %mul3A_116 = arith.constant 4 : i32
      %mul3A_117 = arith.muli %scan3A_61, %mul3A_116 : i32
      %add3A_118 = arith.constant 2 : i32
      %add3A_119 = arith.addi %mul3A_117, %add3A_118 : i32
      %mul3A_120 = arith.constant 4 : i32
      %mul3A_121 = arith.muli %add3A_119, %mul3A_120 : i32
      %mul3A_122 = arith.constant 20 : i32
      %mul3A_123 = arith.muli %mul3A_121, %mul3A_122 : i32
      %dma_wait3A_124 = tpu.memref_slice %arg5[%mul3A_123] : memref<5120xi32, #tpu.memory_space<vmem>> -> memref<80xi32, #tpu.memory_space<vmem>>
      %dma_wait3A_125 = arith.constant 0 : i32
      %dma_wait3A_126 = arith.constant 0 : i32
      %dma_wait3A_127 = tpu.memref_slice %arg3[%dma_wait3A_125, %dma_wait3A_126] : memref<8192x128xf32, #tpu.memory_space<hbm>> -> memref<8192x128xf32, #tpu.memory_space<hbm>>
      tpu.wait_indirect_dma semaphore(%arg12 : memref<!tpu.dma_semaphore, #tpu.memory_space<semaphore_mem>>) src(%dma_wait3A_127 : memref<8192x128xf32, #tpu.memory_space<hbm>>) dst(%arg8 : memref<80x128xf32, #tpu.memory_space<vmem>>)
      %mul3A_128 = arith.constant 4 : i32
      %mul3A_129 = arith.muli %add3A_119, %mul3A_128 : i32
      %add3A_130 = arith.addi %mul3A_2, %mul3A_129 : i32
      %mul3A_131 = arith.constant 20 : i32
      %mul3A_132 = arith.muli %add3A_130, %mul3A_131 : i32
      %dma_start3A_133 = arith.constant 0 : i32
      %dma_start3A_134 = tpu.memref_slice %arg4[%mul3A_132, %dma_start3A_133] : memref<163840x128xf32, #tpu.memory_space<hbm>> -> memref<80x128xf32, #tpu.memory_space<hbm>>
      %dma_start3A_135 = arith.constant 0 : i32
      %dma_start3A_136 = tpu.memref_slice %arg4[%mul3A_132, %dma_start3A_135] : memref<163840x128xf32, #tpu.memory_space<hbm>> -> memref<80x128xf32, #tpu.memory_space<hbm>>
      tpu.enqueue_dma source(%arg8 : memref<80x128xf32, #tpu.memory_space<vmem>>) target(%dma_start3A_136 : memref<80x128xf32, #tpu.memory_space<hbm>>) target_semaphore(%arg16 : memref<!tpu.dma_semaphore, #tpu.memory_space<semaphore_mem>>)
      %add3A_137 = arith.constant 4 : i32
      %add3A_138 = arith.addi %add3A_119, %add3A_137 : i32
      %lt3A_139 = arith.constant 64 : i32
      %lt3A_140 = arith.cmpi slt, %add3A_138, %lt3A_139 : i32
      %convert_element_type3A_141 = arith.extui %lt3A_140 : i1 to i32
      %cond3A_142 = arith.constant 0 : i32
      %cond3A_143 = arith.cmpi ne, %convert_element_type3A_141, %cond3A_142 : i32
      scf.if %cond3A_143 {
        %mul3A_173 = arith.constant 4 : i32
        %mul3A_174 = arith.muli %add3A_119, %mul3A_173 : i32
        %add3A_175 = arith.addi %mul3A_2, %mul3A_174 : i32
        %mul3A_176 = arith.constant 20 : i32
        %mul3A_177 = arith.muli %add3A_175, %mul3A_176 : i32
        %dma_wait3A_178 = arith.constant 0 : i32
        %dma_wait3A_179 = tpu.memref_slice %arg4[%mul3A_177, %dma_wait3A_178] : memref<163840x128xf32, #tpu.memory_space<hbm>> -> memref<80x128xf32, #tpu.memory_space<hbm>>
        %dma_wait3A_180 = arith.constant 0 : i32
        %dma_wait3A_181 = tpu.memref_slice %arg4[%mul3A_177, %dma_wait3A_180] : memref<163840x128xf32, #tpu.memory_space<hbm>> -> memref<80x128xf32, #tpu.memory_space<hbm>>
        tpu.wait_dma2 semaphore(%arg16 : memref<!tpu.dma_semaphore, #tpu.memory_space<semaphore_mem>>) src(%arg8 : memref<80x128xf32, #tpu.memory_space<vmem>>) dst(%dma_wait3A_181 : memref<80x128xf32, #tpu.memory_space<hbm>>)
        %add3A_182 = arith.constant 4 : i32
        %add3A_183 = arith.addi %add3A_119, %add3A_182 : i32
        %mul3A_184 = arith.constant 4 : i32
        %mul3A_185 = arith.muli %add3A_183, %mul3A_184 : i32
        %mul3A_186 = arith.constant 20 : i32
        %mul3A_187 = arith.muli %mul3A_185, %mul3A_186 : i32
        %dma_start3A_188 = tpu.memref_slice %arg5[%mul3A_187] : memref<5120xi32, #tpu.memory_space<vmem>> -> memref<80xi32, #tpu.memory_space<vmem>>
        %dma_start3A_189 = arith.constant 0 : i32
        %dma_start3A_190 = arith.constant 0 : i32
        %dma_start3A_191 = tpu.memref_slice %arg3[%dma_start3A_189, %dma_start3A_190] : memref<8192x128xf32, #tpu.memory_space<hbm>> -> memref<8192x128xf32, #tpu.memory_space<hbm>>
        tpu.enqueue_indirect_dma source(%dma_start3A_191 : memref<8192x128xf32, #tpu.memory_space<hbm>>) target(%arg8 : memref<80x128xf32, #tpu.memory_space<vmem>>) offsets(%dma_start3A_188 : memref<80xi32, #tpu.memory_space<vmem>>) semaphore(%arg12 : memref<!tpu.dma_semaphore, #tpu.memory_space<semaphore_mem>>)
      } else {
      }
      %mul3A_144 = arith.constant 4 : i32
      %mul3A_145 = arith.muli %scan3A_61, %mul3A_144 : i32
      %add3A_146 = arith.constant 3 : i32
      %add3A_147 = arith.addi %mul3A_145, %add3A_146 : i32
      %mul3A_148 = arith.constant 4 : i32
      %mul3A_149 = arith.muli %add3A_147, %mul3A_148 : i32
      %mul3A_150 = arith.constant 20 : i32
      %mul3A_151 = arith.muli %mul3A_149, %mul3A_150 : i32
      %dma_wait3A_152 = tpu.memref_slice %arg5[%mul3A_151] : memref<5120xi32, #tpu.memory_space<vmem>> -> memref<80xi32, #tpu.memory_space<vmem>>
      %dma_wait3A_153 = arith.constant 0 : i32
      %dma_wait3A_154 = arith.constant 0 : i32
      %dma_wait3A_155 = tpu.memref_slice %arg3[%dma_wait3A_153, %dma_wait3A_154] : memref<8192x128xf32, #tpu.memory_space<hbm>> -> memref<8192x128xf32, #tpu.memory_space<hbm>>
      tpu.wait_indirect_dma semaphore(%arg13 : memref<!tpu.dma_semaphore, #tpu.memory_space<semaphore_mem>>) src(%dma_wait3A_155 : memref<8192x128xf32, #tpu.memory_space<hbm>>) dst(%arg9 : memref<80x128xf32, #tpu.memory_space<vmem>>)
      %mul3A_156 = arith.constant 4 : i32
      %mul3A_157 = arith.muli %add3A_147, %mul3A_156 : i32
      %add3A_158 = arith.addi %mul3A_2, %mul3A_157 : i32
      %mul3A_159 = arith.constant 20 : i32
      %mul3A_160 = arith.muli %add3A_158, %mul3A_159 : i32
      %dma_start3A_161 = arith.constant 0 : i32
      %dma_start3A_162 = tpu.memref_slice %arg4[%mul3A_160, %dma_start3A_161] : memref<163840x128xf32, #tpu.memory_space<hbm>> -> memref<80x128xf32, #tpu.memory_space<hbm>>
      %dma_start3A_163 = arith.constant 0 : i32
      %dma_start3A_164 = tpu.memref_slice %arg4[%mul3A_160, %dma_start3A_163] : memref<163840x128xf32, #tpu.memory_space<hbm>> -> memref<80x128xf32, #tpu.memory_space<hbm>>
      tpu.enqueue_dma source(%arg9 : memref<80x128xf32, #tpu.memory_space<vmem>>) target(%dma_start3A_164 : memref<80x128xf32, #tpu.memory_space<hbm>>) target_semaphore(%arg17 : memref<!tpu.dma_semaphore, #tpu.memory_space<semaphore_mem>>)
      %add3A_165 = arith.constant 4 : i32
      %add3A_166 = arith.addi %add3A_147, %add3A_165 : i32
      %lt3A_167 = arith.constant 64 : i32
      %lt3A_168 = arith.cmpi slt, %add3A_166, %lt3A_167 : i32
      %convert_element_type3A_169 = arith.extui %lt3A_168 : i1 to i32
      %cond3A_170 = arith.constant 0 : i32
      %cond3A_171 = arith.cmpi ne, %convert_element_type3A_169, %cond3A_170 : i32
      scf.if %cond3A_171 {
        %mul3A_173 = arith.constant 4 : i32
        %mul3A_174 = arith.muli %add3A_147, %mul3A_173 : i32
        %add3A_175 = arith.addi %mul3A_2, %mul3A_174 : i32
        %mul3A_176 = arith.constant 20 : i32
        %mul3A_177 = arith.muli %add3A_175, %mul3A_176 : i32
        %dma_wait3A_178 = arith.constant 0 : i32
        %dma_wait3A_179 = tpu.memref_slice %arg4[%mul3A_177, %dma_wait3A_178] : memref<163840x128xf32, #tpu.memory_space<hbm>> -> memref<80x128xf32, #tpu.memory_space<hbm>>
        %dma_wait3A_180 = arith.constant 0 : i32
        %dma_wait3A_181 = tpu.memref_slice %arg4[%mul3A_177, %dma_wait3A_180] : memref<163840x128xf32, #tpu.memory_space<hbm>> -> memref<80x128xf32, #tpu.memory_space<hbm>>
        tpu.wait_dma2 semaphore(%arg17 : memref<!tpu.dma_semaphore, #tpu.memory_space<semaphore_mem>>) src(%arg9 : memref<80x128xf32, #tpu.memory_space<vmem>>) dst(%dma_wait3A_181 : memref<80x128xf32, #tpu.memory_space<hbm>>)
        %add3A_182 = arith.constant 4 : i32
        %add3A_183 = arith.addi %add3A_147, %add3A_182 : i32
        %mul3A_184 = arith.constant 4 : i32
        %mul3A_185 = arith.muli %add3A_183, %mul3A_184 : i32
        %mul3A_186 = arith.constant 20 : i32
        %mul3A_187 = arith.muli %mul3A_185, %mul3A_186 : i32
        %dma_start3A_188 = tpu.memref_slice %arg5[%mul3A_187] : memref<5120xi32, #tpu.memory_space<vmem>> -> memref<80xi32, #tpu.memory_space<vmem>>
        %dma_start3A_189 = arith.constant 0 : i32
        %dma_start3A_190 = arith.constant 0 : i32
        %dma_start3A_191 = tpu.memref_slice %arg3[%dma_start3A_189, %dma_start3A_190] : memref<8192x128xf32, #tpu.memory_space<hbm>> -> memref<8192x128xf32, #tpu.memory_space<hbm>>
        tpu.enqueue_indirect_dma source(%dma_start3A_191 : memref<8192x128xf32, #tpu.memory_space<hbm>>) target(%arg9 : memref<80x128xf32, #tpu.memory_space<vmem>>) offsets(%dma_start3A_188 : memref<80xi32, #tpu.memory_space<vmem>>) semaphore(%arg13 : memref<!tpu.dma_semaphore, #tpu.memory_space<semaphore_mem>>)
      } else {
      }
      %scan3A_172 = arith.constant 0 : i32
      scf.yield %scan3A_172 : i32
    }
    %scan3A_29 = arith.constant 16 : i32
    %add3A_30 = arith.constant 240 : i32
    %add3A_31 = arith.addi %mul3A_2, %add3A_30 : i32
    %mul3A_32 = arith.constant 20 : i32
    %mul3A_33 = arith.muli %add3A_31, %mul3A_32 : i32
    %dma_wait3A = arith.constant 0 : i32
    %dma_wait3A_34 = tpu.memref_slice %arg4[%mul3A_33, %dma_wait3A] : memref<163840x128xf32, #tpu.memory_space<hbm>> -> memref<80x128xf32, #tpu.memory_space<hbm>>
    %dma_wait3A_35 = arith.constant 0 : i32
    %dma_wait3A_36 = tpu.memref_slice %arg4[%mul3A_33, %dma_wait3A_35] : memref<163840x128xf32, #tpu.memory_space<hbm>> -> memref<80x128xf32, #tpu.memory_space<hbm>>
    tpu.wait_dma2 semaphore(%arg14 : memref<!tpu.dma_semaphore, #tpu.memory_space<semaphore_mem>>) src(%arg6 : memref<80x128xf32, #tpu.memory_space<vmem>>) dst(%dma_wait3A_36 : memref<80x128xf32, #tpu.memory_space<hbm>>)
    %add3A_37 = arith.constant 244 : i32
    %add3A_38 = arith.addi %mul3A_2, %add3A_37 : i32
    %mul3A_39 = arith.constant 20 : i32
    %mul3A_40 = arith.muli %add3A_38, %mul3A_39 : i32
    %dma_wait3A_41 = arith.constant 0 : i32
    %dma_wait3A_42 = tpu.memref_slice %arg4[%mul3A_40, %dma_wait3A_41] : memref<163840x128xf32, #tpu.memory_space<hbm>> -> memref<80x128xf32, #tpu.memory_space<hbm>>
    %dma_wait3A_43 = arith.constant 0 : i32
    %dma_wait3A_44 = tpu.memref_slice %arg4[%mul3A_40, %dma_wait3A_43] : memref<163840x128xf32, #tpu.memory_space<hbm>> -> memref<80x128xf32, #tpu.memory_space<hbm>>
    tpu.wait_dma2 semaphore(%arg15 : memref<!tpu.dma_semaphore, #tpu.memory_space<semaphore_mem>>) src(%arg7 : memref<80x128xf32, #tpu.memory_space<vmem>>) dst(%dma_wait3A_44 : memref<80x128xf32, #tpu.memory_space<hbm>>)
    %add3A_45 = arith.constant 248 : i32
    %add3A_46 = arith.addi %mul3A_2, %add3A_45 : i32
    %mul3A_47 = arith.constant 20 : i32
    %mul3A_48 = arith.muli %add3A_46, %mul3A_47 : i32
    %dma_wait3A_49 = arith.constant 0 : i32
    %dma_wait3A_50 = tpu.memref_slice %arg4[%mul3A_48, %dma_wait3A_49] : memref<163840x128xf32, #tpu.memory_space<hbm>> -> memref<80x128xf32, #tpu.memory_space<hbm>>
    %dma_wait3A_51 = arith.constant 0 : i32
    %dma_wait3A_52 = tpu.memref_slice %arg4[%mul3A_48, %dma_wait3A_51] : memref<163840x128xf32, #tpu.memory_space<hbm>> -> memref<80x128xf32, #tpu.memory_space<hbm>>
    tpu.wait_dma2 semaphore(%arg16 : memref<!tpu.dma_semaphore, #tpu.memory_space<semaphore_mem>>) src(%arg8 : memref<80x128xf32, #tpu.memory_space<vmem>>) dst(%dma_wait3A_52 : memref<80x128xf32, #tpu.memory_space<hbm>>)
    %add3A_53 = arith.constant 252 : i32
    %add3A_54 = arith.addi %mul3A_2, %add3A_53 : i32
    %mul3A_55 = arith.constant 20 : i32
    %mul3A_56 = arith.muli %add3A_54, %mul3A_55 : i32
    %dma_wait3A_57 = arith.constant 0 : i32
    %dma_wait3A_58 = tpu.memref_slice %arg4[%mul3A_56, %dma_wait3A_57] : memref<163840x128xf32, #tpu.memory_space<hbm>> -> memref<80x128xf32, #tpu.memory_space<hbm>>
    %dma_wait3A_59 = arith.constant 0 : i32
    %dma_wait3A_60 = tpu.memref_slice %arg4[%mul3A_56, %dma_wait3A_59] : memref<163840x128xf32, #tpu.memory_space<hbm>> -> memref<80x128xf32, #tpu.memory_space<hbm>>
    tpu.wait_dma2 semaphore(%arg17 : memref<!tpu.dma_semaphore, #tpu.memory_space<semaphore_mem>>) src(%arg9 : memref<80x128xf32, #tpu.memory_space<vmem>>) dst(%dma_wait3A_60 : memref<80x128xf32, #tpu.memory_space<hbm>>)
    return
  }
}

module attributes {stable_mosaic.version = 14 : i64} {
  func.func @_kb_body(%arg0: i32, %arg1: memref<20480x128xf32, #tpu.memory_space<vmem>>, %arg2: memref<1024x3xf32, #tpu.memory_space<vmem>>, %arg3: memref<6x64xf32, #tpu.memory_space<vmem>>, %arg4: memref<1024x64xf32, #tpu.memory_space<vmem>>, %arg5: memref<1x1x64xf32, #tpu.memory_space<vmem>>, %arg6: memref<1x1x64xf32, #tpu.memory_space<vmem>>) attributes {dimension_semantics = [#tpu.dimension_semantics<arbitrary>], iteration_bounds = array<i64: 8>, scalar_prefetch = 0 : i64, scratch_operands = 0 : i64, tpu.core_type = #tpu.core_type<tc>, window_params = [{transform_indices = @transform_0, window_bounds = array<i64: 20480, 128>}, {transform_indices = @transform_1, window_bounds = array<i64: 1024, 3>}, {pipeline_mode = #tpu.pipeline_mode<synchronous>, transform_indices = @transform_2, window_bounds = array<i64: 6, 64>}, {transform_indices = @transform_3, window_bounds = array<i64: 1024, 64>}, {transform_indices = @transform_4, window_bounds = array<i64: 1, 1, 64>}, {transform_indices = @transform_5, window_bounds = array<i64: 1, 1, 64>}]} {
    %broadcast_in_dim3A = arith.constant 0.000000e+00 : f32
    %broadcast_in_dim3A_0 = vector.broadcast %broadcast_in_dim3A : f32 to vector<1x64xf32>
    %broadcast_in_dim3A_1 = arith.constant 0.000000e+00 : f32
    %broadcast_in_dim3A_2 = vector.broadcast %broadcast_in_dim3A_1 : f32 to vector<1x64xf32>
    %scan3A = arith.constant 0 : i32
    %scan3A_3 = arith.constant 4 : i32
    %scan3A_4 = arith.addi %scan3A, %scan3A_3 : i32
    %scan3A_5 = arith.constant 1 : i32
    %scan3A_6:2 = scf.for %scan3A_17 = %scan3A to %scan3A_4 step %scan3A_5 iter_args(%scan3A_18 = %broadcast_in_dim3A_0, %scan3A_19 = %broadcast_in_dim3A_2) -> (vector<1x64xf32>, vector<1x64xf32>)  : i32 {
      %mul3A = arith.constant 256 : i32
      %mul3A_20 = arith.muli %scan3A_17, %mul3A : i32
      %mul3A_21 = arith.constant 20 : i32
      %mul3A_22 = arith.muli %mul3A_20, %mul3A_21 : i32
      %get3A = arith.index_cast %mul3A_22 : i32 to index
      %get3A_23 = arith.constant 0 : index
      %get3A_24 = vector.load %arg1[%get3A, %get3A_23] : memref<20480x128xf32, #tpu.memory_space<vmem>>, vector<5120x3xf32>
      %mul3A_25 = arith.constant 256 : i32
      %mul3A_26 = arith.muli %scan3A_17, %mul3A_25 : i32
      %get3A_27 = arith.index_cast %mul3A_26 : i32 to index
      %get3A_28 = arith.constant 0 : index
      %get3A_29 = vector.load %arg2[%get3A_27, %get3A_28] : memref<1024x3xf32, #tpu.memory_space<vmem>>, vector<256x3xf32>
      %broadcast_in_dim3A_30 = vector.shape_cast %get3A_29 : vector<256x3xf32> to vector<256x1x3xf32>
      %broadcast_in_dim3A_31 = vector.shape_cast %broadcast_in_dim3A_30 : vector<256x1x3xf32> to vector<256x1x3xf32>
      %broadcast_in_dim3A_32 = vector.broadcast %broadcast_in_dim3A_31 : vector<256x1x3xf32> to vector<256x20x3xf32>
      %reshape3A = vector.shape_cast %broadcast_in_dim3A_32 : vector<256x20x3xf32> to vector<5120x3xf32>
      %sub3A = arith.subf %get3A_24, %reshape3A : vector<5120x3xf32>
      %concatenate3A = tpu.concatenate %sub3A, %reshape3A in 1 : vector<5120x3xf32>, vector<5120x3xf32> -> vector<5120x6xf32>
      %get3A_33 = arith.constant 0 : index
      %get3A_34 = arith.constant 0 : index
      %get3A_35 = vector.load %arg3[%get3A_33, %get3A_34] : memref<6x64xf32, #tpu.memory_space<vmem>>, vector<6x64xf32>
      %dot_general3A = arith.constant dense<0.000000e+00> : vector<5120x64xf32>
      %dot_general3A_36 = tpu.matmul %concatenate3A, %get3A_35, %dot_general3A {dimension_numbers = #tpu.dot_dimension_numbers<[1], [0], [0], [1], [0, 0, 1, 1], [], []>, transpose_lhs_hint = false} : vector<5120x6xf32>, vector<6x64xf32>, vector<5120x64xf32> -> vector<5120x64xf32>
      %reshape3A_37 = vector.shape_cast %dot_general3A_36 : vector<5120x64xf32> to vector<256x20x64xf32>
      %reduce_max3A = arith.constant dense<0xFF800000> : vector<256x64xf32>
      %reduce_max3A_38 = vector.multi_reduction <maximumf>, %reshape3A_37, %reduce_max3A [1] : vector<256x20x64xf32> to vector<256x64xf32>
      %mul3A_39 = arith.constant 256 : i32
      %mul3A_40 = arith.muli %scan3A_17, %mul3A_39 : i32
      %swap3A_41 = arith.index_cast %mul3A_40 : i32 to index
      %swap3A_42 = arith.constant 0 : index
      %swap3A_43 = vector.load %arg4[%swap3A_41, %swap3A_42] : memref<1024x64xf32, #tpu.memory_space<vmem>>, vector<256x64xf32>
      tpu.vector_store %arg4[%swap3A_41, %swap3A_42], %reduce_max3A_38 {strides = array<i32>} : memref<1024x64xf32, #tpu.memory_space<vmem>>, vector<256x64xf32>,
      %reduce_sum3A = arith.constant dense<0.000000e+00> : vector<64xf32>
      %reduce_sum3A_44 = vector.multi_reduction <add>, %dot_general3A_36, %reduce_sum3A [0] : vector<5120x64xf32> to vector<64xf32>
      %broadcast_in_dim3A_45 = vector.shape_cast %reduce_sum3A_44 : vector<64xf32> to vector<1x64xf32>
      %add3A = arith.addf %scan3A_18, %broadcast_in_dim3A_45 : vector<1x64xf32>
      %mul3A_46 = arith.mulf %dot_general3A_36, %dot_general3A_36 : vector<5120x64xf32>
      %reduce_sum3A_47 = arith.constant dense<0.000000e+00> : vector<64xf32>
      %reduce_sum3A_48 = vector.multi_reduction <add>, %mul3A_46, %reduce_sum3A_47 [0] : vector<5120x64xf32> to vector<64xf32>
      %broadcast_in_dim3A_49 = vector.shape_cast %reduce_sum3A_48 : vector<64xf32> to vector<1x64xf32>
      %add3A_50 = arith.addf %scan3A_19, %broadcast_in_dim3A_49 : vector<1x64xf32>
      scf.yield %add3A, %add3A_50 : vector<1x64xf32>, vector<1x64xf32>
    }
    %scan3A_7 = arith.constant 4 : i32
    %broadcast_in_dim3A_8 = vector.shape_cast %scan3A_6#0 : vector<1x64xf32> to vector<1x1x64xf32>
    %swap3A = arith.constant 0 : index
    %swap3A_9 = arith.constant 0 : index
    %swap3A_10 = arith.constant 0 : index
    %swap3A_11 = vector.load %arg5[%swap3A, %swap3A_9, %swap3A_10] : memref<1x1x64xf32, #tpu.memory_space<vmem>>, vector<1x1x64xf32>
    tpu.vector_store %arg5[%swap3A, %swap3A_9, %swap3A_10], %broadcast_in_dim3A_8 {strides = array<i32>} : memref<1x1x64xf32, #tpu.memory_space<vmem>>, vector<1x1x64xf32>,
    %broadcast_in_dim3A_12 = vector.shape_cast %scan3A_6#1 : vector<1x64xf32> to vector<1x1x64xf32>
    %swap3A_13 = arith.constant 0 : index
    %swap3A_14 = arith.constant 0 : index
    %swap3A_15 = arith.constant 0 : index
    %swap3A_16 = vector.load %arg6[%swap3A_13, %swap3A_14, %swap3A_15] : memref<1x1x64xf32, #tpu.memory_space<vmem>>, vector<1x1x64xf32>
    tpu.vector_store %arg6[%swap3A_13, %swap3A_14, %swap3A_15], %broadcast_in_dim3A_12 {strides = array<i32>} : memref<1x1x64xf32, #tpu.memory_space<vmem>>, vector<1x1x64xf32>,
    return
  }
  func.func @transform_0(%arg0: i32) -> (i32, i32) {
    %c0_i32 = arith.constant 0 : i32
    %c0_i32_0 = arith.constant 0 : i32
    return %arg0, %c0_i32 : i32, i32
  }
  func.func @transform_1(%arg0: i32) -> (i32, i32) {
    %c0_i32 = arith.constant 0 : i32
    %c0_i32_0 = arith.constant 0 : i32
    return %arg0, %c0_i32 : i32, i32
  }
  func.func @transform_2(%arg0: i32) -> (i32, i32) {
    %c0_i32 = arith.constant 0 : i32
    %c0_i32_0 = arith.constant 0 : i32
    %c0_i32_1 = arith.constant 0 : i32
    return %c0_i32, %c0_i32_0 : i32, i32
  }
  func.func @transform_3(%arg0: i32) -> (i32, i32) {
    %c0_i32 = arith.constant 0 : i32
    %c0_i32_0 = arith.constant 0 : i32
    return %arg0, %c0_i32 : i32, i32
  }
  func.func @transform_4(%arg0: i32) -> (i32, i32, i32) {
    %c0_i32 = arith.constant 0 : i32
    %c0_i32_0 = arith.constant 0 : i32
    %c0_i32_1 = arith.constant 0 : i32
    return %arg0, %c0_i32, %c0_i32_0 : i32, i32, i32
  }
  func.func @transform_5(%arg0: i32) -> (i32, i32, i32) {
    %c0_i32 = arith.constant 0 : i32
    %c0_i32_0 = arith.constant 0 : i32
    %c0_i32_1 = arith.constant 0 : i32
    return %arg0, %c0_i32, %c0_i32_0 : i32, i32, i32
  }
}

module attributes {stable_mosaic.version = 14 : i64} {
  func.func @_ka1_body(%arg0: i32, %arg1: memref<1024x3xf32, #tpu.memory_space<vmem>>, %arg2: memref<1024x20xi32, #tpu.memory_space<vmem>>, %arg3: memref<1024x128xf32, #tpu.memory_space<vmem>>, %arg4: memref<1024x1024xf32, #tpu.memory_space<vmem>>) attributes {dimension_semantics = [#tpu.dimension_semantics<arbitrary>], iteration_bounds = array<i64: 8>, scalar_prefetch = 0 : i64, scratch_operands = 1 : i64, tpu.core_type = #tpu.core_type<tc>, window_params = [{transform_indices = @transform_0, window_bounds = array<i64: 1024, 3>}, {transform_indices = @transform_1, window_bounds = array<i64: 1024, 20>}, {transform_indices = @transform_2, window_bounds = array<i64: 1024, 128>}]} {
    %get3A = arith.constant 0 : index
    %get3A_0 = arith.constant 0 : index
    %get3A_1 = vector.load %arg1[%get3A, %get3A_0] : memref<1024x3xf32, #tpu.memory_space<vmem>>, vector<1024x3xf32>
    %dot_general3A = arith.constant dense<0.000000e+00> : vector<1024x1024xf32>
    %dot_general3A_2 = tpu.matmul %get3A_1, %get3A_1, %dot_general3A {dimension_numbers = #tpu.dot_dimension_numbers<[1], [1], [0], [0], [0, 0, 1, 0], [], []>, transpose_lhs_hint = false} : vector<1024x3xf32>, vector<1024x3xf32>, vector<1024x1024xf32> -> vector<1024x1024xf32>
    %broadcast_in_dim3A = arith.constant 1.000000e+00 : f32
    %broadcast_in_dim3A_3 = vector.broadcast %broadcast_in_dim3A : f32 to vector<1x3xf32>
    %mul3A = arith.mulf %get3A_1, %get3A_1 : vector<1024x3xf32>
    %dot_general3A_4 = arith.constant dense<0.000000e+00> : vector<1x1024xf32>
    %dot_general3A_5 = tpu.matmul %broadcast_in_dim3A_3, %mul3A, %dot_general3A_4 {dimension_numbers = #tpu.dot_dimension_numbers<[1], [1], [0], [0], [0, 0, 1, 0], [], []>, precision = #tpu.contract_precision<fp32>, transpose_lhs_hint = false} : vector<1x3xf32>, vector<1024x3xf32>, vector<1x1024xf32> -> vector<1x1024xf32>
    %mul3A_6 = arith.constant 2.000000e+00 : f32
    %mul3A_7 = vector.broadcast %mul3A_6 : f32 to vector<1024x1024xf32>
    %mul3A_8 = arith.mulf %mul3A_7, %dot_general3A_2 : vector<1024x1024xf32>
    %sub3A = vector.broadcast %dot_general3A_5 : vector<1x1024xf32> to vector<1024x1024xf32>
    %sub3A_9 = arith.subf %mul3A_8, %sub3A : vector<1024x1024xf32>
    %swap3A = arith.constant 0 : index
    %swap3A_10 = arith.constant 0 : index
    %swap3A_11 = vector.load %arg4[%swap3A, %swap3A_10] : memref<1024x1024xf32, #tpu.memory_space<vmem>>, vector<1024x1024xf32>
    tpu.vector_store %arg4[%swap3A, %swap3A_10], %sub3A_9 {strides = array<i32>} : memref<1024x1024xf32, #tpu.memory_space<vmem>>, vector<1024x1024xf32>,
    %broadcast_in_dim3A_12 = arith.constant 0.000000e+00 : f32
    %broadcast_in_dim3A_13 = vector.broadcast %broadcast_in_dim3A_12 : f32 to vector<1024x125xf32>
    %concatenate3A = tpu.concatenate %get3A_1, %broadcast_in_dim3A_13 in 1 : vector<1024x3xf32>, vector<1024x125xf32> -> vector<1024x128xf32>
    %swap3A_14 = arith.constant 0 : index
    %swap3A_15 = arith.constant 0 : index
    %swap3A_16 = vector.load %arg3[%swap3A_14, %swap3A_15] : memref<1024x128xf32, #tpu.memory_space<vmem>>, vector<1024x128xf32>
    tpu.vector_store %arg3[%swap3A_14, %swap3A_15], %concatenate3A {strides = array<i32>} : memref<1024x128xf32, #tpu.memory_space<vmem>>, vector<1024x128xf32>,
    %mul3A_17 = arith.constant 1024 : i32
    %mul3A_18 = arith.muli %arg0, %mul3A_17 : i32
    %iota3A = tpu.iota {dimensions = array<i32: 1>} : vector<1024x1024xi32>
    %iota3A_19 = tpu.iota {dimensions = array<i32: 1>} : vector<1024x20xi32>
    %get3A_20 = arith.constant 0 : index
    %get3A_21 = arith.constant 0 : index
    %get3A_22 = vector.load %arg4[%get3A_20, %get3A_21] : memref<1024x1024xf32, #tpu.memory_space<vmem>>, vector<1024x1024xf32>
    %reduce_max3A = arith.constant dense<0xFF800000> : vector<1024xf32>
    %reduce_max3A_23 = vector.multi_reduction <maximumf>, %get3A_22, %reduce_max3A [1] : vector<1024x1024xf32> to vector<1024xf32>
    %broadcast_in_dim3A_24 = vector.shape_cast %reduce_max3A_23 : vector<1024xf32> to vector<1024x1xf32>
    %broadcast_in_dim3A_25 = arith.constant 0 : i32
    %broadcast_in_dim3A_26 = vector.broadcast %broadcast_in_dim3A_25 : i32 to vector<1024x20xi32>
    %scan3A = arith.constant 1073741824 : i32
    %scan3A_27 = arith.constant 0xFF800000 : f32
    %scan3A_28 = arith.constant 0 : i32
    %scan3A_29 = arith.constant 20 : i32
    %scan3A_30 = arith.addi %scan3A_28, %scan3A_29 : i32
    %scan3A_31 = arith.constant 1 : i32
    %scan3A_32:2 = scf.for %scan3A_37 = %scan3A_28 to %scan3A_30 step %scan3A_31 iter_args(%scan3A_38 = %broadcast_in_dim3A_24, %scan3A_39 = %broadcast_in_dim3A_26) -> (vector<1024x1xf32>, vector<1024x20xi32>)  : i32 {
      %get3A_40 = arith.constant 0 : index
      %get3A_41 = arith.constant 0 : index
      %get3A_42 = vector.load %arg4[%get3A_40, %get3A_41] : memref<1024x1024xf32, #tpu.memory_space<vmem>>, vector<1024x1024xf32>
      %eq3A = vector.broadcast %scan3A_38 : vector<1024x1xf32> to vector<1024x1024xf32>
      %eq3A_43 = arith.cmpf oeq, %get3A_42, %eq3A : vector<1024x1024xf32>
      %broadcast_in_dim3A_44 = vector.broadcast %scan3A : i32 to vector<1024x1024xi32>
      %select_n3A = arith.select %eq3A_43, %iota3A, %broadcast_in_dim3A_44 : vector<1024x1024xi1>, vector<1024x1024xi32>
      %reduce_min3A = arith.constant dense<2147483647> : vector<1024xi32>
      %reduce_min3A_45 = vector.multi_reduction <minsi>, %select_n3A, %reduce_min3A [1] : vector<1024x1024xi32> to vector<1024xi32>
      %broadcast_in_dim3A_46 = vector.shape_cast %reduce_min3A_45 : vector<1024xi32> to vector<1024x1xi32>
      %eq3A_47 = vector.broadcast %scan3A_37 : i32 to vector<1024x20xi32>
      %eq3A_48 = arith.cmpi eq, %iota3A_19, %eq3A_47 : vector<1024x20xi32>
      %add3A = vector.broadcast %mul3A_18 : i32 to vector<1024x1xi32>
      %add3A_49 = arith.addi %broadcast_in_dim3A_46, %add3A : vector<1024x1xi32>
      %broadcast_in_dim3A_50 = vector.shape_cast %add3A_49 : vector<1024x1xi32> to vector<1024x1xi32>
      %broadcast_in_dim3A_51 = vector.broadcast %broadcast_in_dim3A_50 : vector<1024x1xi32> to vector<1024x20xi32>
      %select_n3A_52 = arith.select %eq3A_48, %broadcast_in_dim3A_51, %scan3A_39 : vector<1024x20xi1>, vector<1024x20xi32>
      %eq3A_53 = vector.broadcast %broadcast_in_dim3A_46 : vector<1024x1xi32> to vector<1024x1024xi32>
      %eq3A_54 = arith.cmpi eq, %iota3A, %eq3A_53 : vector<1024x1024xi32>
      %broadcast_in_dim3A_55 = vector.broadcast %scan3A_27 : f32 to vector<1024x1024xf32>
      %select_n3A_56 = arith.select %eq3A_54, %broadcast_in_dim3A_55, %get3A_42 : vector<1024x1024xi1>, vector<1024x1024xf32>
      %swap3A_57 = arith.constant 0 : index
      %swap3A_58 = arith.constant 0 : index
      %swap3A_59 = vector.load %arg4[%swap3A_57, %swap3A_58] : memref<1024x1024xf32, #tpu.memory_space<vmem>>, vector<1024x1024xf32>
      tpu.vector_store %arg4[%swap3A_57, %swap3A_58], %select_n3A_56 {strides = array<i32>} : memref<1024x1024xf32, #tpu.memory_space<vmem>>, vector<1024x1024xf32>,
      %reduce_max3A_60 = arith.constant dense<0xFF800000> : vector<1024xf32>
      %reduce_max3A_61 = vector.multi_reduction <maximumf>, %select_n3A_56, %reduce_max3A_60 [1] : vector<1024x1024xf32> to vector<1024xf32>
      %broadcast_in_dim3A_62 = vector.shape_cast %reduce_max3A_61 : vector<1024xf32> to vector<1024x1xf32>
      scf.yield %broadcast_in_dim3A_62, %select_n3A_52 : vector<1024x1xf32>, vector<1024x20xi32>
    }
    %scan3A_33 = arith.constant 20 : i32
    %swap3A_34 = arith.constant 0 : index
    %swap3A_35 = arith.constant 0 : index
    %swap3A_36 = vector.load %arg2[%swap3A_34, %swap3A_35] : memref<1024x20xi32, #tpu.memory_space<vmem>>, vector<1024x20xi32>
    tpu.vector_store %arg2[%swap3A_34, %swap3A_35], %scan3A_32#1 {strides = array<i32>} : memref<1024x20xi32, #tpu.memory_space<vmem>>, vector<1024x20xi32>,
    return
  }
  func.func @transform_0(%arg0: i32) -> (i32, i32) {
    %c0_i32 = arith.constant 0 : i32
    %c0_i32_0 = arith.constant 0 : i32
    return %arg0, %c0_i32 : i32, i32
  }
  func.func @transform_1(%arg0: i32) -> (i32, i32) {
    %c0_i32 = arith.constant 0 : i32
    %c0_i32_0 = arith.constant 0 : i32
    return %arg0, %c0_i32 : i32, i32
  }
  func.func @transform_2(%arg0: i32) -> (i32, i32) {
    %c0_i32 = arith.constant 0 : i32
    %c0_i32_0 = arith.constant 0 : i32
    return %arg0, %c0_i32 : i32, i32
  }
}

module attributes {stable_mosaic.version = 14 : i64} {
  func.func @_ka_body(%arg0: i32, %arg1: memref<1024x64xf32, #tpu.memory_space<vmem>>, %arg2: memref<8x1x64xf32, #tpu.memory_space<vmem>>, %arg3: memref<8x1x64xf32, #tpu.memory_space<vmem>>, %arg4: memref<1x64xf32, #tpu.memory_space<vmem>>, %arg5: memref<1x64xf32, #tpu.memory_space<vmem>>, %arg6: memref<1024x20xi32, #tpu.memory_space<vmem>>, %arg7: memref<1024x128xf32, #tpu.memory_space<vmem>>, %arg8: memref<1024x64xf32, #tpu.memory_space<vmem>>, %arg9: memref<1024x1024xf32, #tpu.memory_space<vmem>>) attributes {dimension_semantics = [#tpu.dimension_semantics<arbitrary>], iteration_bounds = array<i64: 8>, scalar_prefetch = 0 : i64, scratch_operands = 1 : i64, tpu.core_type = #tpu.core_type<tc>, window_params = [{transform_indices = @transform_0, window_bounds = array<i64: 1024, 64>}, {pipeline_mode = #tpu.pipeline_mode<synchronous>, transform_indices = @transform_1, window_bounds = array<i64: 8, 1, 64>}, {pipeline_mode = #tpu.pipeline_mode<synchronous>, transform_indices = @transform_2, window_bounds = array<i64: 8, 1, 64>}, {pipeline_mode = #tpu.pipeline_mode<synchronous>, transform_indices = @transform_3, window_bounds = array<i64: 1, 64>}, {pipeline_mode = #tpu.pipeline_mode<synchronous>, transform_indices = @transform_4, window_bounds = array<i64: 1, 64>}, {transform_indices = @transform_5, window_bounds = array<i64: 1024, 20>}, {transform_indices = @transform_6, window_bounds = array<i64: 1024, 128>}, {transform_indices = @transform_7, window_bounds = array<i64: 1024, 64>}]} {
    %get3A = arith.constant 0 : index
    %get3A_0 = arith.constant 0 : index
    %get3A_1 = arith.constant 0 : index
    %get3A_2 = vector.load %arg2[%get3A, %get3A_0, %get3A_1] : memref<8x1x64xf32, #tpu.memory_space<vmem>>, vector<8x1x64xf32>
    %reduce_sum3A = arith.constant dense<0.000000e+00> : vector<1x64xf32>
    %reduce_sum3A_3 = vector.multi_reduction <add>, %get3A_2, %reduce_sum3A [0] : vector<8x1x64xf32> to vector<1x64xf32>
    %get3A_4 = arith.constant 0 : index
    %get3A_5 = arith.constant 0 : index
    %get3A_6 = arith.constant 0 : index
    %get3A_7 = vector.load %arg3[%get3A_4, %get3A_5, %get3A_6] : memref<8x1x64xf32, #tpu.memory_space<vmem>>, vector<8x1x64xf32>
    %reduce_sum3A_8 = arith.constant dense<0.000000e+00> : vector<1x64xf32>
    %reduce_sum3A_9 = vector.multi_reduction <add>, %get3A_7, %reduce_sum3A_8 [0] : vector<8x1x64xf32> to vector<1x64xf32>
    %div3A = arith.constant 1.638400e+05 : f32
    %div3A_10 = vector.broadcast %div3A : f32 to vector<1x64xf32>
    %div3A_11 = arith.divf %reduce_sum3A_3, %div3A_10 : vector<1x64xf32>
    %div3A_12 = arith.constant 1.638400e+05 : f32
    %div3A_13 = vector.broadcast %div3A_12 : f32 to vector<1x64xf32>
    %div3A_14 = arith.divf %reduce_sum3A_9, %div3A_13 : vector<1x64xf32>
    %mul3A = arith.mulf %div3A_11, %div3A_11 : vector<1x64xf32>
    %sub3A = arith.subf %div3A_14, %mul3A : vector<1x64xf32>
    %get3A_15 = arith.constant 0 : index
    %get3A_16 = arith.constant 0 : index
    %get3A_17 = vector.load %arg1[%get3A_15, %get3A_16] : memref<1024x64xf32, #tpu.memory_space<vmem>>, vector<1024x64xf32>
    %get3A_18 = arith.constant 0 : index
    %get3A_19 = arith.constant 0 : index
    %get3A_20 = vector.load %arg4[%get3A_18, %get3A_19] : memref<1x64xf32, #tpu.memory_space<vmem>>, vector<1x64xf32>
    %get3A_21 = arith.constant 0 : index
    %get3A_22 = arith.constant 0 : index
    %get3A_23 = vector.load %arg5[%get3A_21, %get3A_22] : memref<1x64xf32, #tpu.memory_space<vmem>>, vector<1x64xf32>
    %sub3A_24 = vector.broadcast %div3A_11 : vector<1x64xf32> to vector<1024x64xf32>
    %sub3A_25 = arith.subf %get3A_17, %sub3A_24 : vector<1024x64xf32>
    %add3A = arith.constant 9.99999974E-6 : f32
    %add3A_26 = vector.broadcast %add3A : f32 to vector<1x64xf32>
    %add3A_27 = arith.addf %sub3A, %add3A_26 : vector<1x64xf32>
    %sqrt3A = math.sqrt %add3A_27 : vector<1x64xf32>
    %div3A_28 = vector.broadcast %sqrt3A : vector<1x64xf32> to vector<1024x64xf32>
    %div3A_29 = arith.divf %sub3A_25, %div3A_28 : vector<1024x64xf32>
    %mul3A_30 = vector.broadcast %get3A_20 : vector<1x64xf32> to vector<1024x64xf32>
    %mul3A_31 = arith.mulf %div3A_29, %mul3A_30 : vector<1024x64xf32>
    %add3A_32 = vector.broadcast %get3A_23 : vector<1x64xf32> to vector<1024x64xf32>
    %add3A_33 = arith.addf %mul3A_31, %add3A_32 : vector<1024x64xf32>
    %ge3A = arith.constant 0.000000e+00 : f32
    %ge3A_34 = vector.broadcast %ge3A : f32 to vector<1024x64xf32>
    %ge3A_35 = arith.cmpf oge, %add3A_33, %ge3A_34 : vector<1024x64xf32>
    %mul3A_36 = arith.constant 2.000000e-01 : f32
    %mul3A_37 = vector.broadcast %mul3A_36 : f32 to vector<1024x64xf32>
    %mul3A_38 = arith.mulf %mul3A_37, %add3A_33 : vector<1024x64xf32>
    %select_n3A = arith.select %ge3A_35, %add3A_33, %mul3A_38 : vector<1024x64xi1>, vector<1024x64xf32>
    %swap3A = arith.constant 0 : index
    %swap3A_39 = arith.constant 0 : index
    %swap3A_40 = vector.load %arg8[%swap3A, %swap3A_39] : memref<1024x64xf32, #tpu.memory_space<vmem>>, vector<1024x64xf32>
    tpu.vector_store %arg8[%swap3A, %swap3A_39], %select_n3A {strides = array<i32>} : memref<1024x64xf32, #tpu.memory_space<vmem>>, vector<1024x64xf32>,
    %dot_general3A = arith.constant dense<0.000000e+00> : vector<1024x1024xf32>
    %dot_general3A_41 = tpu.matmul %select_n3A, %select_n3A, %dot_general3A {dimension_numbers = #tpu.dot_dimension_numbers<[1], [1], [0], [0], [0, 0, 1, 0], [], []>, transpose_lhs_hint = false} : vector<1024x64xf32>, vector<1024x64xf32>, vector<1024x1024xf32> -> vector<1024x1024xf32>
    %broadcast_in_dim3A = arith.constant 1.000000e+00 : f32
    %broadcast_in_dim3A_42 = vector.broadcast %broadcast_in_dim3A : f32 to vector<1x64xf32>
    %mul3A_43 = arith.mulf %select_n3A, %select_n3A : vector<1024x64xf32>
    %dot_general3A_44 = arith.constant dense<0.000000e+00> : vector<1x1024xf32>
    %dot_general3A_45 = tpu.matmul %broadcast_in_dim3A_42, %mul3A_43, %dot_general3A_44 {dimension_numbers = #tpu.dot_dimension_numbers<[1], [1], [0], [0], [0, 0, 1, 0], [], []>, precision = #tpu.contract_precision<fp32>, transpose_lhs_hint = false} : vector<1x64xf32>, vector<1024x64xf32>, vector<1x1024xf32> -> vector<1x1024xf32>
    %mul3A_46 = arith.constant 2.000000e+00 : f32
    %mul3A_47 = vector.broadcast %mul3A_46 : f32 to vector<1024x1024xf32>
    %mul3A_48 = arith.mulf %mul3A_47, %dot_general3A_41 : vector<1024x1024xf32>
    %sub3A_49 = vector.broadcast %dot_general3A_45 : vector<1x1024xf32> to vector<1024x1024xf32>
    %sub3A_50 = arith.subf %mul3A_48, %sub3A_49 : vector<1024x1024xf32>
    %swap3A_51 = arith.constant 0 : index
    %swap3A_52 = arith.constant 0 : index
    %swap3A_53 = vector.load %arg9[%swap3A_51, %swap3A_52] : memref<1024x1024xf32, #tpu.memory_space<vmem>>, vector<1024x1024xf32>
    tpu.vector_store %arg9[%swap3A_51, %swap3A_52], %sub3A_50 {strides = array<i32>} : memref<1024x1024xf32, #tpu.memory_space<vmem>>, vector<1024x1024xf32>,
    %broadcast_in_dim3A_54 = arith.constant 0.000000e+00 : f32
    %broadcast_in_dim3A_55 = vector.broadcast %broadcast_in_dim3A_54 : f32 to vector<1024x64xf32>
    %concatenate3A = tpu.concatenate %select_n3A, %broadcast_in_dim3A_55 in 1 : vector<1024x64xf32>, vector<1024x64xf32> -> vector<1024x128xf32>
    %swap3A_56 = arith.constant 0 : index
    %swap3A_57 = arith.constant 0 : index
    %swap3A_58 = vector.load %arg7[%swap3A_56, %swap3A_57] : memref<1024x128xf32, #tpu.memory_space<vmem>>, vector<1024x128xf32>
    tpu.vector_store %arg7[%swap3A_56, %swap3A_57], %concatenate3A {strides = array<i32>} : memref<1024x128xf32, #tpu.memory_space<vmem>>, vector<1024x128xf32>,
    %mul3A_59 = arith.constant 1024 : i32
    %mul3A_60 = arith.muli %arg0, %mul3A_59 : i32
    %iota3A = tpu.iota {dimensions = array<i32: 1>} : vector<1024x1024xi32>
    %iota3A_61 = tpu.iota {dimensions = array<i32: 1>} : vector<1024x20xi32>
    %get3A_62 = arith.constant 0 : index
    %get3A_63 = arith.constant 0 : index
    %get3A_64 = vector.load %arg9[%get3A_62, %get3A_63] : memref<1024x1024xf32, #tpu.memory_space<vmem>>, vector<1024x1024xf32>
    %reduce_max3A = arith.constant dense<0xFF800000> : vector<1024xf32>
    %reduce_max3A_65 = vector.multi_reduction <maximumf>, %get3A_64, %reduce_max3A [1] : vector<1024x1024xf32> to vector<1024xf32>
    %broadcast_in_dim3A_66 = vector.shape_cast %reduce_max3A_65 : vector<1024xf32> to vector<1024x1xf32>
    %broadcast_in_dim3A_67 = arith.constant 0 : i32
    %broadcast_in_dim3A_68 = vector.broadcast %broadcast_in_dim3A_67 : i32 to vector<1024x20xi32>
    %scan3A = arith.constant 1073741824 : i32
    %scan3A_69 = arith.constant 0xFF800000 : f32
    %scan3A_70 = arith.constant 0 : i32
    %scan3A_71 = arith.constant 20 : i32
    %scan3A_72 = arith.addi %scan3A_70, %scan3A_71 : i32
    %scan3A_73 = arith.constant 1 : i32
    %scan3A_74:2 = scf.for %scan3A_79 = %scan3A_70 to %scan3A_72 step %scan3A_73 iter_args(%scan3A_80 = %broadcast_in_dim3A_66, %scan3A_81 = %broadcast_in_dim3A_68) -> (vector<1024x1xf32>, vector<1024x20xi32>)  : i32 {
      %get3A_82 = arith.constant 0 : index
      %get3A_83 = arith.constant 0 : index
      %get3A_84 = vector.load %arg9[%get3A_82, %get3A_83] : memref<1024x1024xf32, #tpu.memory_space<vmem>>, vector<1024x1024xf32>
      %eq3A = vector.broadcast %scan3A_80 : vector<1024x1xf32> to vector<1024x1024xf32>
      %eq3A_85 = arith.cmpf oeq, %get3A_84, %eq3A : vector<1024x1024xf32>
      %broadcast_in_dim3A_86 = vector.broadcast %scan3A : i32 to vector<1024x1024xi32>
      %select_n3A_87 = arith.select %eq3A_85, %iota3A, %broadcast_in_dim3A_86 : vector<1024x1024xi1>, vector<1024x1024xi32>
      %reduce_min3A = arith.constant dense<2147483647> : vector<1024xi32>
      %reduce_min3A_88 = vector.multi_reduction <minsi>, %select_n3A_87, %reduce_min3A [1] : vector<1024x1024xi32> to vector<1024xi32>
      %broadcast_in_dim3A_89 = vector.shape_cast %reduce_min3A_88 : vector<1024xi32> to vector<1024x1xi32>
      %eq3A_90 = vector.broadcast %scan3A_79 : i32 to vector<1024x20xi32>
      %eq3A_91 = arith.cmpi eq, %iota3A_61, %eq3A_90 : vector<1024x20xi32>
      %add3A_92 = vector.broadcast %mul3A_60 : i32 to vector<1024x1xi32>
      %add3A_93 = arith.addi %broadcast_in_dim3A_89, %add3A_92 : vector<1024x1xi32>
      %broadcast_in_dim3A_94 = vector.shape_cast %add3A_93 : vector<1024x1xi32> to vector<1024x1xi32>
      %broadcast_in_dim3A_95 = vector.broadcast %broadcast_in_dim3A_94 : vector<1024x1xi32> to vector<1024x20xi32>
      %select_n3A_96 = arith.select %eq3A_91, %broadcast_in_dim3A_95, %scan3A_81 : vector<1024x20xi1>, vector<1024x20xi32>
      %eq3A_97 = vector.broadcast %broadcast_in_dim3A_89 : vector<1024x1xi32> to vector<1024x1024xi32>
      %eq3A_98 = arith.cmpi eq, %iota3A, %eq3A_97 : vector<1024x1024xi32>
      %broadcast_in_dim3A_99 = vector.broadcast %scan3A_69 : f32 to vector<1024x1024xf32>
      %select_n3A_100 = arith.select %eq3A_98, %broadcast_in_dim3A_99, %get3A_84 : vector<1024x1024xi1>, vector<1024x1024xf32>
      %swap3A_101 = arith.constant 0 : index
      %swap3A_102 = arith.constant 0 : index
      %swap3A_103 = vector.load %arg9[%swap3A_101, %swap3A_102] : memref<1024x1024xf32, #tpu.memory_space<vmem>>, vector<1024x1024xf32>
      tpu.vector_store %arg9[%swap3A_101, %swap3A_102], %select_n3A_100 {strides = array<i32>} : memref<1024x1024xf32, #tpu.memory_space<vmem>>, vector<1024x1024xf32>,
      %reduce_max3A_104 = arith.constant dense<0xFF800000> : vector<1024xf32>
      %reduce_max3A_105 = vector.multi_reduction <maximumf>, %select_n3A_100, %reduce_max3A_104 [1] : vector<1024x1024xf32> to vector<1024xf32>
      %broadcast_in_dim3A_106 = vector.shape_cast %reduce_max3A_105 : vector<1024xf32> to vector<1024x1xf32>
      scf.yield %broadcast_in_dim3A_106, %select_n3A_96 : vector<1024x1xf32>, vector<1024x20xi32>
    }
    %scan3A_75 = arith.constant 20 : i32
    %swap3A_76 = arith.constant 0 : index
    %swap3A_77 = arith.constant 0 : index
    %swap3A_78 = vector.load %arg6[%swap3A_76, %swap3A_77] : memref<1024x20xi32, #tpu.memory_space<vmem>>, vector<1024x20xi32>
    tpu.vector_store %arg6[%swap3A_76, %swap3A_77], %scan3A_74#1 {strides = array<i32>} : memref<1024x20xi32, #tpu.memory_space<vmem>>, vector<1024x20xi32>,
    return
  }
  func.func @transform_0(%arg0: i32) -> (i32, i32) {
    %c0_i32 = arith.constant 0 : i32
    %c0_i32_0 = arith.constant 0 : i32
    return %arg0, %c0_i32 : i32, i32
  }
  func.func @transform_1(%arg0: i32) -> (i32, i32, i32) {
    %c0_i32 = arith.constant 0 : i32
    %c0_i32_0 = arith.constant 0 : i32
    %c0_i32_1 = arith.constant 0 : i32
    %c0_i32_2 = arith.constant 0 : i32
    return %c0_i32, %c0_i32_0, %c0_i32_1 : i32, i32, i32
  }
  func.func @transform_2(%arg0: i32) -> (i32, i32, i32) {
    %c0_i32 = arith.constant 0 : i32
    %c0_i32_0 = arith.constant 0 : i32
    %c0_i32_1 = arith.constant 0 : i32
    %c0_i32_2 = arith.constant 0 : i32
    return %c0_i32, %c0_i32_0, %c0_i32_1 : i32, i32, i32
  }
  func.func @transform_3(%arg0: i32) -> (i32, i32) {
    %c0_i32 = arith.constant 0 : i32
    %c0_i32_0 = arith.constant 0 : i32
    %c0_i32_1 = arith.constant 0 : i32
    return %c0_i32, %c0_i32_0 : i32, i32
  }
  func.func @transform_4(%arg0: i32) -> (i32, i32) {
    %c0_i32 = arith.constant 0 : i32
    %c0_i32_0 = arith.constant 0 : i32
    %c0_i32_1 = arith.constant 0 : i32
    return %c0_i32, %c0_i32_0 : i32, i32
  }
  func.func @transform_5(%arg0: i32) -> (i32, i32) {
    %c0_i32 = arith.constant 0 : i32
    %c0_i32_0 = arith.constant 0 : i32
    return %arg0, %c0_i32 : i32, i32
  }
  func.func @transform_6(%arg0: i32) -> (i32, i32) {
    %c0_i32 = arith.constant 0 : i32
    %c0_i32_0 = arith.constant 0 : i32
    return %arg0, %c0_i32 : i32, i32
  }
  func.func @transform_7(%arg0: i32) -> (i32, i32) {
    %c0_i32 = arith.constant 0 : i32
    %c0_i32_0 = arith.constant 0 : i32
    return %arg0, %c0_i32 : i32, i32
  }
}

module attributes {stable_mosaic.version = 14 : i64} {
  func.func @_kb_body(%arg0: i32, %arg1: memref<20480x128xf32, #tpu.memory_space<vmem>>, %arg2: memref<1024x64xf32, #tpu.memory_space<vmem>>, %arg3: memref<128x64xf32, #tpu.memory_space<vmem>>, %arg4: memref<1024x64xf32, #tpu.memory_space<vmem>>, %arg5: memref<1x1x64xf32, #tpu.memory_space<vmem>>, %arg6: memref<1x1x64xf32, #tpu.memory_space<vmem>>) attributes {dimension_semantics = [#tpu.dimension_semantics<arbitrary>], iteration_bounds = array<i64: 8>, scalar_prefetch = 0 : i64, scratch_operands = 0 : i64, tpu.core_type = #tpu.core_type<tc>, window_params = [{transform_indices = @transform_0, window_bounds = array<i64: 20480, 128>}, {transform_indices = @transform_1, window_bounds = array<i64: 1024, 64>}, {pipeline_mode = #tpu.pipeline_mode<synchronous>, transform_indices = @transform_2, window_bounds = array<i64: 128, 64>}, {transform_indices = @transform_3, window_bounds = array<i64: 1024, 64>}, {transform_indices = @transform_4, window_bounds = array<i64: 1, 1, 64>}, {transform_indices = @transform_5, window_bounds = array<i64: 1, 1, 64>}]} {
    %broadcast_in_dim3A = arith.constant 0.000000e+00 : f32
    %broadcast_in_dim3A_0 = vector.broadcast %broadcast_in_dim3A : f32 to vector<1x64xf32>
    %broadcast_in_dim3A_1 = arith.constant 0.000000e+00 : f32
    %broadcast_in_dim3A_2 = vector.broadcast %broadcast_in_dim3A_1 : f32 to vector<1x64xf32>
    %scan3A = arith.constant 0 : i32
    %scan3A_3 = arith.constant 4 : i32
    %scan3A_4 = arith.addi %scan3A, %scan3A_3 : i32
    %scan3A_5 = arith.constant 1 : i32
    %scan3A_6:2 = scf.for %scan3A_17 = %scan3A to %scan3A_4 step %scan3A_5 iter_args(%scan3A_18 = %broadcast_in_dim3A_0, %scan3A_19 = %broadcast_in_dim3A_2) -> (vector<1x64xf32>, vector<1x64xf32>)  : i32 {
      %mul3A = arith.constant 256 : i32
      %mul3A_20 = arith.muli %scan3A_17, %mul3A : i32
      %mul3A_21 = arith.constant 20 : i32
      %mul3A_22 = arith.muli %mul3A_20, %mul3A_21 : i32
      %get3A = arith.index_cast %mul3A_22 : i32 to index
      %get3A_23 = arith.constant 0 : index
      %get3A_24 = vector.load %arg1[%get3A, %get3A_23] : memref<20480x128xf32, #tpu.memory_space<vmem>>, vector<5120x64xf32>
      %mul3A_25 = arith.constant 256 : i32
      %mul3A_26 = arith.muli %scan3A_17, %mul3A_25 : i32
      %get3A_27 = arith.index_cast %mul3A_26 : i32 to index
      %get3A_28 = arith.constant 0 : index
      %get3A_29 = vector.load %arg2[%get3A_27, %get3A_28] : memref<1024x64xf32, #tpu.memory_space<vmem>>, vector<256x64xf32>
      %broadcast_in_dim3A_30 = vector.shape_cast %get3A_29 : vector<256x64xf32> to vector<256x1x64xf32>
      %broadcast_in_dim3A_31 = vector.shape_cast %broadcast_in_dim3A_30 : vector<256x1x64xf32> to vector<256x1x64xf32>
      %broadcast_in_dim3A_32 = vector.broadcast %broadcast_in_dim3A_31 : vector<256x1x64xf32> to vector<256x20x64xf32>
      %reshape3A = vector.shape_cast %broadcast_in_dim3A_32 : vector<256x20x64xf32> to vector<5120x64xf32>
      %sub3A = arith.subf %get3A_24, %reshape3A : vector<5120x64xf32>
      %concatenate3A = tpu.concatenate %sub3A, %reshape3A in 1 : vector<5120x64xf32>, vector<5120x64xf32> -> vector<5120x128xf32>
      %get3A_33 = arith.constant 0 : index
      %get3A_34 = arith.constant 0 : index
      %get3A_35 = vector.load %arg3[%get3A_33, %get3A_34] : memref<128x64xf32, #tpu.memory_space<vmem>>, vector<128x64xf32>
      %dot_general3A = arith.constant dense<0.000000e+00> : vector<5120x64xf32>
      %dot_general3A_36 = tpu.matmul %concatenate3A, %get3A_35, %dot_general3A {dimension_numbers = #tpu.dot_dimension_numbers<[1], [0], [0], [1], [0, 0, 1, 1], [], []>, transpose_lhs_hint = false} : vector<5120x128xf32>, vector<128x64xf32>, vector<5120x64xf32> -> vector<5120x64xf32>
      %reshape3A_37 = vector.shape_cast %dot_general3A_36 : vector<5120x64xf32> to vector<256x20x64xf32>
      %reduce_max3A = arith.constant dense<0xFF800000> : vector<256x64xf32>
      %reduce_max3A_38 = vector.multi_reduction <maximumf>, %reshape3A_37, %reduce_max3A [1] : vector<256x20x64xf32> to vector<256x64xf32>
      %mul3A_39 = arith.constant 256 : i32
      %mul3A_40 = arith.muli %scan3A_17, %mul3A_39 : i32
      %swap3A_41 = arith.index_cast %mul3A_40 : i32 to index
      %swap3A_42 = arith.constant 0 : index
      %swap3A_43 = vector.load %arg4[%swap3A_41, %swap3A_42] : memref<1024x64xf32, #tpu.memory_space<vmem>>, vector<256x64xf32>
      tpu.vector_store %arg4[%swap3A_41, %swap3A_42], %reduce_max3A_38 {strides = array<i32>} : memref<1024x64xf32, #tpu.memory_space<vmem>>, vector<256x64xf32>,
      %reduce_sum3A = arith.constant dense<0.000000e+00> : vector<64xf32>
      %reduce_sum3A_44 = vector.multi_reduction <add>, %dot_general3A_36, %reduce_sum3A [0] : vector<5120x64xf32> to vector<64xf32>
      %broadcast_in_dim3A_45 = vector.shape_cast %reduce_sum3A_44 : vector<64xf32> to vector<1x64xf32>
      %add3A = arith.addf %scan3A_18, %broadcast_in_dim3A_45 : vector<1x64xf32>
      %mul3A_46 = arith.mulf %dot_general3A_36, %dot_general3A_36 : vector<5120x64xf32>
      %reduce_sum3A_47 = arith.constant dense<0.000000e+00> : vector<64xf32>
      %reduce_sum3A_48 = vector.multi_reduction <add>, %mul3A_46, %reduce_sum3A_47 [0] : vector<5120x64xf32> to vector<64xf32>
      %broadcast_in_dim3A_49 = vector.shape_cast %reduce_sum3A_48 : vector<64xf32> to vector<1x64xf32>
      %add3A_50 = arith.addf %scan3A_19, %broadcast_in_dim3A_49 : vector<1x64xf32>
      scf.yield %add3A, %add3A_50 : vector<1x64xf32>, vector<1x64xf32>
    }
    %scan3A_7 = arith.constant 4 : i32
    %broadcast_in_dim3A_8 = vector.shape_cast %scan3A_6#0 : vector<1x64xf32> to vector<1x1x64xf32>
    %swap3A = arith.constant 0 : index
    %swap3A_9 = arith.constant 0 : index
    %swap3A_10 = arith.constant 0 : index
    %swap3A_11 = vector.load %arg5[%swap3A, %swap3A_9, %swap3A_10] : memref<1x1x64xf32, #tpu.memory_space<vmem>>, vector<1x1x64xf32>
    tpu.vector_store %arg5[%swap3A, %swap3A_9, %swap3A_10], %broadcast_in_dim3A_8 {strides = array<i32>} : memref<1x1x64xf32, #tpu.memory_space<vmem>>, vector<1x1x64xf32>,
    %broadcast_in_dim3A_12 = vector.shape_cast %scan3A_6#1 : vector<1x64xf32> to vector<1x1x64xf32>
    %swap3A_13 = arith.constant 0 : index
    %swap3A_14 = arith.constant 0 : index
    %swap3A_15 = arith.constant 0 : index
    %swap3A_16 = vector.load %arg6[%swap3A_13, %swap3A_14, %swap3A_15] : memref<1x1x64xf32, #tpu.memory_space<vmem>>, vector<1x1x64xf32>
    tpu.vector_store %arg6[%swap3A_13, %swap3A_14, %swap3A_15], %broadcast_in_dim3A_12 {strides = array<i32>} : memref<1x1x64xf32, #tpu.memory_space<vmem>>, vector<1x1x64xf32>,
    return
  }
  func.func @transform_0(%arg0: i32) -> (i32, i32) {
    %c0_i32 = arith.constant 0 : i32
    %c0_i32_0 = arith.constant 0 : i32
    return %arg0, %c0_i32 : i32, i32
  }
  func.func @transform_1(%arg0: i32) -> (i32, i32) {
    %c0_i32 = arith.constant 0 : i32
    %c0_i32_0 = arith.constant 0 : i32
    return %arg0, %c0_i32 : i32, i32
  }
  func.func @transform_2(%arg0: i32) -> (i32, i32) {
    %c0_i32 = arith.constant 0 : i32
    %c0_i32_0 = arith.constant 0 : i32
    %c0_i32_1 = arith.constant 0 : i32
    return %c0_i32, %c0_i32_0 : i32, i32
  }
  func.func @transform_3(%arg0: i32) -> (i32, i32) {
    %c0_i32 = arith.constant 0 : i32
    %c0_i32_0 = arith.constant 0 : i32
    return %arg0, %c0_i32 : i32, i32
  }
  func.func @transform_4(%arg0: i32) -> (i32, i32, i32) {
    %c0_i32 = arith.constant 0 : i32
    %c0_i32_0 = arith.constant 0 : i32
    %c0_i32_1 = arith.constant 0 : i32
    return %arg0, %c0_i32, %c0_i32_0 : i32, i32, i32
  }
  func.func @transform_5(%arg0: i32) -> (i32, i32, i32) {
    %c0_i32 = arith.constant 0 : i32
    %c0_i32_0 = arith.constant 0 : i32
    %c0_i32_1 = arith.constant 0 : i32
    return %arg0, %c0_i32, %c0_i32_0 : i32, i32, i32
  }
}

module attributes {stable_mosaic.version = 14 : i64} {
  func.func @_kb_body(%arg0: i32, %arg1: memref<20480x128xf32, #tpu.memory_space<vmem>>, %arg2: memref<1024x64xf32, #tpu.memory_space<vmem>>, %arg3: memref<128x128xf32, #tpu.memory_space<vmem>>, %arg4: memref<1024x128xf32, #tpu.memory_space<vmem>>, %arg5: memref<1x1x128xf32, #tpu.memory_space<vmem>>, %arg6: memref<1x1x128xf32, #tpu.memory_space<vmem>>) attributes {dimension_semantics = [#tpu.dimension_semantics<arbitrary>], iteration_bounds = array<i64: 8>, scalar_prefetch = 0 : i64, scratch_operands = 0 : i64, tpu.core_type = #tpu.core_type<tc>, window_params = [{transform_indices = @transform_0, window_bounds = array<i64: 20480, 128>}, {transform_indices = @transform_1, window_bounds = array<i64: 1024, 64>}, {pipeline_mode = #tpu.pipeline_mode<synchronous>, transform_indices = @transform_2, window_bounds = array<i64: 128, 128>}, {transform_indices = @transform_3, window_bounds = array<i64: 1024, 128>}, {transform_indices = @transform_4, window_bounds = array<i64: 1, 1, 128>}, {transform_indices = @transform_5, window_bounds = array<i64: 1, 1, 128>}]} {
    %broadcast_in_dim3A = arith.constant 0.000000e+00 : f32
    %broadcast_in_dim3A_0 = vector.broadcast %broadcast_in_dim3A : f32 to vector<1x128xf32>
    %broadcast_in_dim3A_1 = arith.constant 0.000000e+00 : f32
    %broadcast_in_dim3A_2 = vector.broadcast %broadcast_in_dim3A_1 : f32 to vector<1x128xf32>
    %scan3A = arith.constant 0 : i32
    %scan3A_3 = arith.constant 4 : i32
    %scan3A_4 = arith.addi %scan3A, %scan3A_3 : i32
    %scan3A_5 = arith.constant 1 : i32
    %scan3A_6:2 = scf.for %scan3A_17 = %scan3A to %scan3A_4 step %scan3A_5 iter_args(%scan3A_18 = %broadcast_in_dim3A_0, %scan3A_19 = %broadcast_in_dim3A_2) -> (vector<1x128xf32>, vector<1x128xf32>)  : i32 {
      %mul3A = arith.constant 256 : i32
      %mul3A_20 = arith.muli %scan3A_17, %mul3A : i32
      %mul3A_21 = arith.constant 20 : i32
      %mul3A_22 = arith.muli %mul3A_20, %mul3A_21 : i32
      %get3A = arith.index_cast %mul3A_22 : i32 to index
      %get3A_23 = arith.constant 0 : index
      %get3A_24 = vector.load %arg1[%get3A, %get3A_23] : memref<20480x128xf32, #tpu.memory_space<vmem>>, vector<5120x64xf32>
      %mul3A_25 = arith.constant 256 : i32
      %mul3A_26 = arith.muli %scan3A_17, %mul3A_25 : i32
      %get3A_27 = arith.index_cast %mul3A_26 : i32 to index
      %get3A_28 = arith.constant 0 : index
      %get3A_29 = vector.load %arg2[%get3A_27, %get3A_28] : memref<1024x64xf32, #tpu.memory_space<vmem>>, vector<256x64xf32>
      %broadcast_in_dim3A_30 = vector.shape_cast %get3A_29 : vector<256x64xf32> to vector<256x1x64xf32>
      %broadcast_in_dim3A_31 = vector.shape_cast %broadcast_in_dim3A_30 : vector<256x1x64xf32> to vector<256x1x64xf32>
      %broadcast_in_dim3A_32 = vector.broadcast %broadcast_in_dim3A_31 : vector<256x1x64xf32> to vector<256x20x64xf32>
      %reshape3A = vector.shape_cast %broadcast_in_dim3A_32 : vector<256x20x64xf32> to vector<5120x64xf32>
      %sub3A = arith.subf %get3A_24, %reshape3A : vector<5120x64xf32>
      %concatenate3A = tpu.concatenate %sub3A, %reshape3A in 1 : vector<5120x64xf32>, vector<5120x64xf32> -> vector<5120x128xf32>
      %get3A_33 = arith.constant 0 : index
      %get3A_34 = arith.constant 0 : index
      %get3A_35 = vector.load %arg3[%get3A_33, %get3A_34] : memref<128x128xf32, #tpu.memory_space<vmem>>, vector<128x128xf32>
      %dot_general3A = arith.constant dense<0.000000e+00> : vector<5120x128xf32>
      %dot_general3A_36 = tpu.matmul %concatenate3A, %get3A_35, %dot_general3A {dimension_numbers = #tpu.dot_dimension_numbers<[1], [0], [0], [1], [0, 0, 1, 1], [], []>, transpose_lhs_hint = false} : vector<5120x128xf32>, vector<128x128xf32>, vector<5120x128xf32> -> vector<5120x128xf32>
      %reshape3A_37 = vector.shape_cast %dot_general3A_36 : vector<5120x128xf32> to vector<256x20x128xf32>
      %reduce_max3A = arith.constant dense<0xFF800000> : vector<256x128xf32>
      %reduce_max3A_38 = vector.multi_reduction <maximumf>, %reshape3A_37, %reduce_max3A [1] : vector<256x20x128xf32> to vector<256x128xf32>
      %mul3A_39 = arith.constant 256 : i32
      %mul3A_40 = arith.muli %scan3A_17, %mul3A_39 : i32
      %swap3A_41 = arith.index_cast %mul3A_40 : i32 to index
      %swap3A_42 = arith.constant 0 : index
      %swap3A_43 = vector.load %arg4[%swap3A_41, %swap3A_42] : memref<1024x128xf32, #tpu.memory_space<vmem>>, vector<256x128xf32>
      tpu.vector_store %arg4[%swap3A_41, %swap3A_42], %reduce_max3A_38 {strides = array<i32>} : memref<1024x128xf32, #tpu.memory_space<vmem>>, vector<256x128xf32>,
      %reduce_sum3A = arith.constant dense<0.000000e+00> : vector<128xf32>
      %reduce_sum3A_44 = vector.multi_reduction <add>, %dot_general3A_36, %reduce_sum3A [0] : vector<5120x128xf32> to vector<128xf32>
      %broadcast_in_dim3A_45 = vector.shape_cast %reduce_sum3A_44 : vector<128xf32> to vector<1x128xf32>
      %add3A = arith.addf %scan3A_18, %broadcast_in_dim3A_45 : vector<1x128xf32>
      %mul3A_46 = arith.mulf %dot_general3A_36, %dot_general3A_36 : vector<5120x128xf32>
      %reduce_sum3A_47 = arith.constant dense<0.000000e+00> : vector<128xf32>
      %reduce_sum3A_48 = vector.multi_reduction <add>, %mul3A_46, %reduce_sum3A_47 [0] : vector<5120x128xf32> to vector<128xf32>
      %broadcast_in_dim3A_49 = vector.shape_cast %reduce_sum3A_48 : vector<128xf32> to vector<1x128xf32>
      %add3A_50 = arith.addf %scan3A_19, %broadcast_in_dim3A_49 : vector<1x128xf32>
      scf.yield %add3A, %add3A_50 : vector<1x128xf32>, vector<1x128xf32>
    }
    %scan3A_7 = arith.constant 4 : i32
    %broadcast_in_dim3A_8 = vector.shape_cast %scan3A_6#0 : vector<1x128xf32> to vector<1x1x128xf32>
    %swap3A = arith.constant 0 : index
    %swap3A_9 = arith.constant 0 : index
    %swap3A_10 = arith.constant 0 : index
    %swap3A_11 = vector.load %arg5[%swap3A, %swap3A_9, %swap3A_10] : memref<1x1x128xf32, #tpu.memory_space<vmem>>, vector<1x1x128xf32>
    tpu.vector_store %arg5[%swap3A, %swap3A_9, %swap3A_10], %broadcast_in_dim3A_8 {strides = array<i32>} : memref<1x1x128xf32, #tpu.memory_space<vmem>>, vector<1x1x128xf32>,
    %broadcast_in_dim3A_12 = vector.shape_cast %scan3A_6#1 : vector<1x128xf32> to vector<1x1x128xf32>
    %swap3A_13 = arith.constant 0 : index
    %swap3A_14 = arith.constant 0 : index
    %swap3A_15 = arith.constant 0 : index
    %swap3A_16 = vector.load %arg6[%swap3A_13, %swap3A_14, %swap3A_15] : memref<1x1x128xf32, #tpu.memory_space<vmem>>, vector<1x1x128xf32>
    tpu.vector_store %arg6[%swap3A_13, %swap3A_14, %swap3A_15], %broadcast_in_dim3A_12 {strides = array<i32>} : memref<1x1x128xf32, #tpu.memory_space<vmem>>, vector<1x1x128xf32>,
    return
  }
  func.func @transform_0(%arg0: i32) -> (i32, i32) {
    %c0_i32 = arith.constant 0 : i32
    %c0_i32_0 = arith.constant 0 : i32
    return %arg0, %c0_i32 : i32, i32
  }
  func.func @transform_1(%arg0: i32) -> (i32, i32) {
    %c0_i32 = arith.constant 0 : i32
    %c0_i32_0 = arith.constant 0 : i32
    return %arg0, %c0_i32 : i32, i32
  }
  func.func @transform_2(%arg0: i32) -> (i32, i32) {
    %c0_i32 = arith.constant 0 : i32
    %c0_i32_0 = arith.constant 0 : i32
    %c0_i32_1 = arith.constant 0 : i32
    return %c0_i32, %c0_i32_0 : i32, i32
  }
  func.func @transform_3(%arg0: i32) -> (i32, i32) {
    %c0_i32 = arith.constant 0 : i32
    %c0_i32_0 = arith.constant 0 : i32
    return %arg0, %c0_i32 : i32, i32
  }
  func.func @transform_4(%arg0: i32) -> (i32, i32, i32) {
    %c0_i32 = arith.constant 0 : i32
    %c0_i32_0 = arith.constant 0 : i32
    %c0_i32_1 = arith.constant 0 : i32
    return %arg0, %c0_i32, %c0_i32_0 : i32, i32, i32
  }
  func.func @transform_5(%arg0: i32) -> (i32, i32, i32) {
    %c0_i32 = arith.constant 0 : i32
    %c0_i32_0 = arith.constant 0 : i32
    %c0_i32_1 = arith.constant 0 : i32
    return %arg0, %c0_i32, %c0_i32_0 : i32, i32, i32
  }
}

module attributes {stable_mosaic.version = 14 : i64} {
  func.func @_ka_body(%arg0: i32, %arg1: memref<1024x128xf32, #tpu.memory_space<vmem>>, %arg2: memref<8x1x128xf32, #tpu.memory_space<vmem>>, %arg3: memref<8x1x128xf32, #tpu.memory_space<vmem>>, %arg4: memref<1x128xf32, #tpu.memory_space<vmem>>, %arg5: memref<1x128xf32, #tpu.memory_space<vmem>>, %arg6: memref<1024x20xi32, #tpu.memory_space<vmem>>, %arg7: memref<1024x128xf32, #tpu.memory_space<vmem>>, %arg8: memref<1024x128xf32, #tpu.memory_space<vmem>>, %arg9: memref<1024x1024xf32, #tpu.memory_space<vmem>>) attributes {dimension_semantics = [#tpu.dimension_semantics<arbitrary>], iteration_bounds = array<i64: 8>, scalar_prefetch = 0 : i64, scratch_operands = 1 : i64, tpu.core_type = #tpu.core_type<tc>, window_params = [{transform_indices = @transform_0, window_bounds = array<i64: 1024, 128>}, {pipeline_mode = #tpu.pipeline_mode<synchronous>, transform_indices = @transform_1, window_bounds = array<i64: 8, 1, 128>}, {pipeline_mode = #tpu.pipeline_mode<synchronous>, transform_indices = @transform_2, window_bounds = array<i64: 8, 1, 128>}, {pipeline_mode = #tpu.pipeline_mode<synchronous>, transform_indices = @transform_3, window_bounds = array<i64: 1, 128>}, {pipeline_mode = #tpu.pipeline_mode<synchronous>, transform_indices = @transform_4, window_bounds = array<i64: 1, 128>}, {transform_indices = @transform_5, window_bounds = array<i64: 1024, 20>}, {transform_indices = @transform_6, window_bounds = array<i64: 1024, 128>}, {transform_indices = @transform_7, window_bounds = array<i64: 1024, 128>}]} {
    %get3A = arith.constant 0 : index
    %get3A_0 = arith.constant 0 : index
    %get3A_1 = arith.constant 0 : index
    %get3A_2 = vector.load %arg2[%get3A, %get3A_0, %get3A_1] : memref<8x1x128xf32, #tpu.memory_space<vmem>>, vector<8x1x128xf32>
    %reduce_sum3A = arith.constant dense<0.000000e+00> : vector<1x128xf32>
    %reduce_sum3A_3 = vector.multi_reduction <add>, %get3A_2, %reduce_sum3A [0] : vector<8x1x128xf32> to vector<1x128xf32>
    %get3A_4 = arith.constant 0 : index
    %get3A_5 = arith.constant 0 : index
    %get3A_6 = arith.constant 0 : index
    %get3A_7 = vector.load %arg3[%get3A_4, %get3A_5, %get3A_6] : memref<8x1x128xf32, #tpu.memory_space<vmem>>, vector<8x1x128xf32>
    %reduce_sum3A_8 = arith.constant dense<0.000000e+00> : vector<1x128xf32>
    %reduce_sum3A_9 = vector.multi_reduction <add>, %get3A_7, %reduce_sum3A_8 [0] : vector<8x1x128xf32> to vector<1x128xf32>
    %div3A = arith.constant 1.638400e+05 : f32
    %div3A_10 = vector.broadcast %div3A : f32 to vector<1x128xf32>
    %div3A_11 = arith.divf %reduce_sum3A_3, %div3A_10 : vector<1x128xf32>
    %div3A_12 = arith.constant 1.638400e+05 : f32
    %div3A_13 = vector.broadcast %div3A_12 : f32 to vector<1x128xf32>
    %div3A_14 = arith.divf %reduce_sum3A_9, %div3A_13 : vector<1x128xf32>
    %mul3A = arith.mulf %div3A_11, %div3A_11 : vector<1x128xf32>
    %sub3A = arith.subf %div3A_14, %mul3A : vector<1x128xf32>
    %get3A_15 = arith.constant 0 : index
    %get3A_16 = arith.constant 0 : index
    %get3A_17 = vector.load %arg1[%get3A_15, %get3A_16] : memref<1024x128xf32, #tpu.memory_space<vmem>>, vector<1024x128xf32>
    %get3A_18 = arith.constant 0 : index
    %get3A_19 = arith.constant 0 : index
    %get3A_20 = vector.load %arg4[%get3A_18, %get3A_19] : memref<1x128xf32, #tpu.memory_space<vmem>>, vector<1x128xf32>
    %get3A_21 = arith.constant 0 : index
    %get3A_22 = arith.constant 0 : index
    %get3A_23 = vector.load %arg5[%get3A_21, %get3A_22] : memref<1x128xf32, #tpu.memory_space<vmem>>, vector<1x128xf32>
    %sub3A_24 = vector.broadcast %div3A_11 : vector<1x128xf32> to vector<1024x128xf32>
    %sub3A_25 = arith.subf %get3A_17, %sub3A_24 : vector<1024x128xf32>
    %add3A = arith.constant 9.99999974E-6 : f32
    %add3A_26 = vector.broadcast %add3A : f32 to vector<1x128xf32>
    %add3A_27 = arith.addf %sub3A, %add3A_26 : vector<1x128xf32>
    %sqrt3A = math.sqrt %add3A_27 : vector<1x128xf32>
    %div3A_28 = vector.broadcast %sqrt3A : vector<1x128xf32> to vector<1024x128xf32>
    %div3A_29 = arith.divf %sub3A_25, %div3A_28 : vector<1024x128xf32>
    %mul3A_30 = vector.broadcast %get3A_20 : vector<1x128xf32> to vector<1024x128xf32>
    %mul3A_31 = arith.mulf %div3A_29, %mul3A_30 : vector<1024x128xf32>
    %add3A_32 = vector.broadcast %get3A_23 : vector<1x128xf32> to vector<1024x128xf32>
    %add3A_33 = arith.addf %mul3A_31, %add3A_32 : vector<1024x128xf32>
    %ge3A = arith.constant 0.000000e+00 : f32
    %ge3A_34 = vector.broadcast %ge3A : f32 to vector<1024x128xf32>
    %ge3A_35 = arith.cmpf oge, %add3A_33, %ge3A_34 : vector<1024x128xf32>
    %mul3A_36 = arith.constant 2.000000e-01 : f32
    %mul3A_37 = vector.broadcast %mul3A_36 : f32 to vector<1024x128xf32>
    %mul3A_38 = arith.mulf %mul3A_37, %add3A_33 : vector<1024x128xf32>
    %select_n3A = arith.select %ge3A_35, %add3A_33, %mul3A_38 : vector<1024x128xi1>, vector<1024x128xf32>
    %swap3A = arith.constant 0 : index
    %swap3A_39 = arith.constant 0 : index
    %swap3A_40 = vector.load %arg8[%swap3A, %swap3A_39] : memref<1024x128xf32, #tpu.memory_space<vmem>>, vector<1024x128xf32>
    tpu.vector_store %arg8[%swap3A, %swap3A_39], %select_n3A {strides = array<i32>} : memref<1024x128xf32, #tpu.memory_space<vmem>>, vector<1024x128xf32>,
    %dot_general3A = arith.constant dense<0.000000e+00> : vector<1024x1024xf32>
    %dot_general3A_41 = tpu.matmul %select_n3A, %select_n3A, %dot_general3A {dimension_numbers = #tpu.dot_dimension_numbers<[1], [1], [0], [0], [0, 0, 1, 0], [], []>, transpose_lhs_hint = false} : vector<1024x128xf32>, vector<1024x128xf32>, vector<1024x1024xf32> -> vector<1024x1024xf32>
    %broadcast_in_dim3A = arith.constant 1.000000e+00 : f32
    %broadcast_in_dim3A_42 = vector.broadcast %broadcast_in_dim3A : f32 to vector<1x128xf32>
    %mul3A_43 = arith.mulf %select_n3A, %select_n3A : vector<1024x128xf32>
    %dot_general3A_44 = arith.constant dense<0.000000e+00> : vector<1x1024xf32>
    %dot_general3A_45 = tpu.matmul %broadcast_in_dim3A_42, %mul3A_43, %dot_general3A_44 {dimension_numbers = #tpu.dot_dimension_numbers<[1], [1], [0], [0], [0, 0, 1, 0], [], []>, precision = #tpu.contract_precision<fp32>, transpose_lhs_hint = false} : vector<1x128xf32>, vector<1024x128xf32>, vector<1x1024xf32> -> vector<1x1024xf32>
    %mul3A_46 = arith.constant 2.000000e+00 : f32
    %mul3A_47 = vector.broadcast %mul3A_46 : f32 to vector<1024x1024xf32>
    %mul3A_48 = arith.mulf %mul3A_47, %dot_general3A_41 : vector<1024x1024xf32>
    %sub3A_49 = vector.broadcast %dot_general3A_45 : vector<1x1024xf32> to vector<1024x1024xf32>
    %sub3A_50 = arith.subf %mul3A_48, %sub3A_49 : vector<1024x1024xf32>
    %swap3A_51 = arith.constant 0 : index
    %swap3A_52 = arith.constant 0 : index
    %swap3A_53 = vector.load %arg9[%swap3A_51, %swap3A_52] : memref<1024x1024xf32, #tpu.memory_space<vmem>>, vector<1024x1024xf32>
    tpu.vector_store %arg9[%swap3A_51, %swap3A_52], %sub3A_50 {strides = array<i32>} : memref<1024x1024xf32, #tpu.memory_space<vmem>>, vector<1024x1024xf32>,
    %swap3A_54 = arith.constant 0 : index
    %swap3A_55 = arith.constant 0 : index
    %swap3A_56 = vector.load %arg7[%swap3A_54, %swap3A_55] : memref<1024x128xf32, #tpu.memory_space<vmem>>, vector<1024x128xf32>
    tpu.vector_store %arg7[%swap3A_54, %swap3A_55], %select_n3A {strides = array<i32>} : memref<1024x128xf32, #tpu.memory_space<vmem>>, vector<1024x128xf32>,
    %mul3A_57 = arith.constant 1024 : i32
    %mul3A_58 = arith.muli %arg0, %mul3A_57 : i32
    %iota3A = tpu.iota {dimensions = array<i32: 1>} : vector<1024x1024xi32>
    %iota3A_59 = tpu.iota {dimensions = array<i32: 1>} : vector<1024x20xi32>
    %get3A_60 = arith.constant 0 : index
    %get3A_61 = arith.constant 0 : index
    %get3A_62 = vector.load %arg9[%get3A_60, %get3A_61] : memref<1024x1024xf32, #tpu.memory_space<vmem>>, vector<1024x1024xf32>
    %reduce_max3A = arith.constant dense<0xFF800000> : vector<1024xf32>
    %reduce_max3A_63 = vector.multi_reduction <maximumf>, %get3A_62, %reduce_max3A [1] : vector<1024x1024xf32> to vector<1024xf32>
    %broadcast_in_dim3A_64 = vector.shape_cast %reduce_max3A_63 : vector<1024xf32> to vector<1024x1xf32>
    %broadcast_in_dim3A_65 = arith.constant 0 : i32
    %broadcast_in_dim3A_66 = vector.broadcast %broadcast_in_dim3A_65 : i32 to vector<1024x20xi32>
    %scan3A = arith.constant 1073741824 : i32
    %scan3A_67 = arith.constant 0xFF800000 : f32
    %scan3A_68 = arith.constant 0 : i32
    %scan3A_69 = arith.constant 20 : i32
    %scan3A_70 = arith.addi %scan3A_68, %scan3A_69 : i32
    %scan3A_71 = arith.constant 1 : i32
    %scan3A_72:2 = scf.for %scan3A_77 = %scan3A_68 to %scan3A_70 step %scan3A_71 iter_args(%scan3A_78 = %broadcast_in_dim3A_64, %scan3A_79 = %broadcast_in_dim3A_66) -> (vector<1024x1xf32>, vector<1024x20xi32>)  : i32 {
      %get3A_80 = arith.constant 0 : index
      %get3A_81 = arith.constant 0 : index
      %get3A_82 = vector.load %arg9[%get3A_80, %get3A_81] : memref<1024x1024xf32, #tpu.memory_space<vmem>>, vector<1024x1024xf32>
      %eq3A = vector.broadcast %scan3A_78 : vector<1024x1xf32> to vector<1024x1024xf32>
      %eq3A_83 = arith.cmpf oeq, %get3A_82, %eq3A : vector<1024x1024xf32>
      %broadcast_in_dim3A_84 = vector.broadcast %scan3A : i32 to vector<1024x1024xi32>
      %select_n3A_85 = arith.select %eq3A_83, %iota3A, %broadcast_in_dim3A_84 : vector<1024x1024xi1>, vector<1024x1024xi32>
      %reduce_min3A = arith.constant dense<2147483647> : vector<1024xi32>
      %reduce_min3A_86 = vector.multi_reduction <minsi>, %select_n3A_85, %reduce_min3A [1] : vector<1024x1024xi32> to vector<1024xi32>
      %broadcast_in_dim3A_87 = vector.shape_cast %reduce_min3A_86 : vector<1024xi32> to vector<1024x1xi32>
      %eq3A_88 = vector.broadcast %scan3A_77 : i32 to vector<1024x20xi32>
      %eq3A_89 = arith.cmpi eq, %iota3A_59, %eq3A_88 : vector<1024x20xi32>
      %add3A_90 = vector.broadcast %mul3A_58 : i32 to vector<1024x1xi32>
      %add3A_91 = arith.addi %broadcast_in_dim3A_87, %add3A_90 : vector<1024x1xi32>
      %broadcast_in_dim3A_92 = vector.shape_cast %add3A_91 : vector<1024x1xi32> to vector<1024x1xi32>
      %broadcast_in_dim3A_93 = vector.broadcast %broadcast_in_dim3A_92 : vector<1024x1xi32> to vector<1024x20xi32>
      %select_n3A_94 = arith.select %eq3A_89, %broadcast_in_dim3A_93, %scan3A_79 : vector<1024x20xi1>, vector<1024x20xi32>
      %eq3A_95 = vector.broadcast %broadcast_in_dim3A_87 : vector<1024x1xi32> to vector<1024x1024xi32>
      %eq3A_96 = arith.cmpi eq, %iota3A, %eq3A_95 : vector<1024x1024xi32>
      %broadcast_in_dim3A_97 = vector.broadcast %scan3A_67 : f32 to vector<1024x1024xf32>
      %select_n3A_98 = arith.select %eq3A_96, %broadcast_in_dim3A_97, %get3A_82 : vector<1024x1024xi1>, vector<1024x1024xf32>
      %swap3A_99 = arith.constant 0 : index
      %swap3A_100 = arith.constant 0 : index
      %swap3A_101 = vector.load %arg9[%swap3A_99, %swap3A_100] : memref<1024x1024xf32, #tpu.memory_space<vmem>>, vector<1024x1024xf32>
      tpu.vector_store %arg9[%swap3A_99, %swap3A_100], %select_n3A_98 {strides = array<i32>} : memref<1024x1024xf32, #tpu.memory_space<vmem>>, vector<1024x1024xf32>,
      %reduce_max3A_102 = arith.constant dense<0xFF800000> : vector<1024xf32>
      %reduce_max3A_103 = vector.multi_reduction <maximumf>, %select_n3A_98, %reduce_max3A_102 [1] : vector<1024x1024xf32> to vector<1024xf32>
      %broadcast_in_dim3A_104 = vector.shape_cast %reduce_max3A_103 : vector<1024xf32> to vector<1024x1xf32>
      scf.yield %broadcast_in_dim3A_104, %select_n3A_94 : vector<1024x1xf32>, vector<1024x20xi32>
    }
    %scan3A_73 = arith.constant 20 : i32
    %swap3A_74 = arith.constant 0 : index
    %swap3A_75 = arith.constant 0 : index
    %swap3A_76 = vector.load %arg6[%swap3A_74, %swap3A_75] : memref<1024x20xi32, #tpu.memory_space<vmem>>, vector<1024x20xi32>
    tpu.vector_store %arg6[%swap3A_74, %swap3A_75], %scan3A_72#1 {strides = array<i32>} : memref<1024x20xi32, #tpu.memory_space<vmem>>, vector<1024x20xi32>,
    return
  }
  func.func @transform_0(%arg0: i32) -> (i32, i32) {
    %c0_i32 = arith.constant 0 : i32
    %c0_i32_0 = arith.constant 0 : i32
    return %arg0, %c0_i32 : i32, i32
  }
  func.func @transform_1(%arg0: i32) -> (i32, i32, i32) {
    %c0_i32 = arith.constant 0 : i32
    %c0_i32_0 = arith.constant 0 : i32
    %c0_i32_1 = arith.constant 0 : i32
    %c0_i32_2 = arith.constant 0 : i32
    return %c0_i32, %c0_i32_0, %c0_i32_1 : i32, i32, i32
  }
  func.func @transform_2(%arg0: i32) -> (i32, i32, i32) {
    %c0_i32 = arith.constant 0 : i32
    %c0_i32_0 = arith.constant 0 : i32
    %c0_i32_1 = arith.constant 0 : i32
    %c0_i32_2 = arith.constant 0 : i32
    return %c0_i32, %c0_i32_0, %c0_i32_1 : i32, i32, i32
  }
  func.func @transform_3(%arg0: i32) -> (i32, i32) {
    %c0_i32 = arith.constant 0 : i32
    %c0_i32_0 = arith.constant 0 : i32
    %c0_i32_1 = arith.constant 0 : i32
    return %c0_i32, %c0_i32_0 : i32, i32
  }
  func.func @transform_4(%arg0: i32) -> (i32, i32) {
    %c0_i32 = arith.constant 0 : i32
    %c0_i32_0 = arith.constant 0 : i32
    %c0_i32_1 = arith.constant 0 : i32
    return %c0_i32, %c0_i32_0 : i32, i32
  }
  func.func @transform_5(%arg0: i32) -> (i32, i32) {
    %c0_i32 = arith.constant 0 : i32
    %c0_i32_0 = arith.constant 0 : i32
    return %arg0, %c0_i32 : i32, i32
  }
  func.func @transform_6(%arg0: i32) -> (i32, i32) {
    %c0_i32 = arith.constant 0 : i32
    %c0_i32_0 = arith.constant 0 : i32
    return %arg0, %c0_i32 : i32, i32
  }
  func.func @transform_7(%arg0: i32) -> (i32, i32) {
    %c0_i32 = arith.constant 0 : i32
    %c0_i32_0 = arith.constant 0 : i32
    return %arg0, %c0_i32 : i32, i32
  }
}

module attributes {stable_mosaic.version = 14 : i64} {
  func.func @_kb_body(%arg0: i32, %arg1: memref<20480x128xf32, #tpu.memory_space<vmem>>, %arg2: memref<1024x128xf32, #tpu.memory_space<vmem>>, %arg3: memref<256x256xf32, #tpu.memory_space<vmem>>, %arg4: memref<1024x256xf32, #tpu.memory_space<vmem>>, %arg5: memref<1x1x256xf32, #tpu.memory_space<vmem>>, %arg6: memref<1x1x256xf32, #tpu.memory_space<vmem>>) attributes {dimension_semantics = [#tpu.dimension_semantics<arbitrary>], iteration_bounds = array<i64: 8>, scalar_prefetch = 0 : i64, scratch_operands = 0 : i64, tpu.core_type = #tpu.core_type<tc>, window_params = [{transform_indices = @transform_0, window_bounds = array<i64: 20480, 128>}, {transform_indices = @transform_1, window_bounds = array<i64: 1024, 128>}, {pipeline_mode = #tpu.pipeline_mode<synchronous>, transform_indices = @transform_2, window_bounds = array<i64: 256, 256>}, {transform_indices = @transform_3, window_bounds = array<i64: 1024, 256>}, {transform_indices = @transform_4, window_bounds = array<i64: 1, 1, 256>}, {transform_indices = @transform_5, window_bounds = array<i64: 1, 1, 256>}]} {
    %broadcast_in_dim3A = arith.constant 0.000000e+00 : f32
    %broadcast_in_dim3A_0 = vector.broadcast %broadcast_in_dim3A : f32 to vector<1x256xf32>
    %broadcast_in_dim3A_1 = arith.constant 0.000000e+00 : f32
    %broadcast_in_dim3A_2 = vector.broadcast %broadcast_in_dim3A_1 : f32 to vector<1x256xf32>
    %scan3A = arith.constant 0 : i32
    %scan3A_3 = arith.constant 4 : i32
    %scan3A_4 = arith.addi %scan3A, %scan3A_3 : i32
    %scan3A_5 = arith.constant 1 : i32
    %scan3A_6:2 = scf.for %scan3A_17 = %scan3A to %scan3A_4 step %scan3A_5 iter_args(%scan3A_18 = %broadcast_in_dim3A_0, %scan3A_19 = %broadcast_in_dim3A_2) -> (vector<1x256xf32>, vector<1x256xf32>)  : i32 {
      %mul3A = arith.constant 256 : i32
      %mul3A_20 = arith.muli %scan3A_17, %mul3A : i32
      %mul3A_21 = arith.constant 20 : i32
      %mul3A_22 = arith.muli %mul3A_20, %mul3A_21 : i32
      %get3A = arith.index_cast %mul3A_22 : i32 to index
      %get3A_23 = arith.constant 0 : index
      %get3A_24 = vector.load %arg1[%get3A, %get3A_23] : memref<20480x128xf32, #tpu.memory_space<vmem>>, vector<5120x128xf32>
      %mul3A_25 = arith.constant 256 : i32
      %mul3A_26 = arith.muli %scan3A_17, %mul3A_25 : i32
      %get3A_27 = arith.index_cast %mul3A_26 : i32 to index
      %get3A_28 = arith.constant 0 : index
      %get3A_29 = vector.load %arg2[%get3A_27, %get3A_28] : memref<1024x128xf32, #tpu.memory_space<vmem>>, vector<256x128xf32>
      %broadcast_in_dim3A_30 = vector.shape_cast %get3A_29 : vector<256x128xf32> to vector<256x1x128xf32>
      %broadcast_in_dim3A_31 = vector.shape_cast %broadcast_in_dim3A_30 : vector<256x1x128xf32> to vector<256x1x128xf32>
      %broadcast_in_dim3A_32 = vector.broadcast %broadcast_in_dim3A_31 : vector<256x1x128xf32> to vector<256x20x128xf32>
      %reshape3A = vector.shape_cast %broadcast_in_dim3A_32 : vector<256x20x128xf32> to vector<5120x128xf32>
      %sub3A = arith.subf %get3A_24, %reshape3A : vector<5120x128xf32>
      %concatenate3A = tpu.concatenate %sub3A, %reshape3A in 1 : vector<5120x128xf32>, vector<5120x128xf32> -> vector<5120x256xf32>
      %get3A_33 = arith.constant 0 : index
      %get3A_34 = arith.constant 0 : index
      %get3A_35 = vector.load %arg3[%get3A_33, %get3A_34] : memref<256x256xf32, #tpu.memory_space<vmem>>, vector<256x256xf32>
      %dot_general3A = arith.constant dense<0.000000e+00> : vector<5120x256xf32>
      %dot_general3A_36 = tpu.matmul %concatenate3A, %get3A_35, %dot_general3A {dimension_numbers = #tpu.dot_dimension_numbers<[1], [0], [0], [1], [0, 0, 1, 1], [], []>, transpose_lhs_hint = false} : vector<5120x256xf32>, vector<256x256xf32>, vector<5120x256xf32> -> vector<5120x256xf32>
      %reshape3A_37 = vector.shape_cast %dot_general3A_36 : vector<5120x256xf32> to vector<256x20x256xf32>
      %reduce_max3A = arith.constant dense<0xFF800000> : vector<256x256xf32>
      %reduce_max3A_38 = vector.multi_reduction <maximumf>, %reshape3A_37, %reduce_max3A [1] : vector<256x20x256xf32> to vector<256x256xf32>
      %mul3A_39 = arith.constant 256 : i32
      %mul3A_40 = arith.muli %scan3A_17, %mul3A_39 : i32
      %swap3A_41 = arith.index_cast %mul3A_40 : i32 to index
      %swap3A_42 = arith.constant 0 : index
      %swap3A_43 = vector.load %arg4[%swap3A_41, %swap3A_42] : memref<1024x256xf32, #tpu.memory_space<vmem>>, vector<256x256xf32>
      tpu.vector_store %arg4[%swap3A_41, %swap3A_42], %reduce_max3A_38 {strides = array<i32>} : memref<1024x256xf32, #tpu.memory_space<vmem>>, vector<256x256xf32>,
      %reduce_sum3A = arith.constant dense<0.000000e+00> : vector<256xf32>
      %reduce_sum3A_44 = vector.multi_reduction <add>, %dot_general3A_36, %reduce_sum3A [0] : vector<5120x256xf32> to vector<256xf32>
      %broadcast_in_dim3A_45 = vector.shape_cast %reduce_sum3A_44 : vector<256xf32> to vector<1x256xf32>
      %add3A = arith.addf %scan3A_18, %broadcast_in_dim3A_45 : vector<1x256xf32>
      %mul3A_46 = arith.mulf %dot_general3A_36, %dot_general3A_36 : vector<5120x256xf32>
      %reduce_sum3A_47 = arith.constant dense<0.000000e+00> : vector<256xf32>
      %reduce_sum3A_48 = vector.multi_reduction <add>, %mul3A_46, %reduce_sum3A_47 [0] : vector<5120x256xf32> to vector<256xf32>
      %broadcast_in_dim3A_49 = vector.shape_cast %reduce_sum3A_48 : vector<256xf32> to vector<1x256xf32>
      %add3A_50 = arith.addf %scan3A_19, %broadcast_in_dim3A_49 : vector<1x256xf32>
      scf.yield %add3A, %add3A_50 : vector<1x256xf32>, vector<1x256xf32>
    }
    %scan3A_7 = arith.constant 4 : i32
    %broadcast_in_dim3A_8 = vector.shape_cast %scan3A_6#0 : vector<1x256xf32> to vector<1x1x256xf32>
    %swap3A = arith.constant 0 : index
    %swap3A_9 = arith.constant 0 : index
    %swap3A_10 = arith.constant 0 : index
    %swap3A_11 = vector.load %arg5[%swap3A, %swap3A_9, %swap3A_10] : memref<1x1x256xf32, #tpu.memory_space<vmem>>, vector<1x1x256xf32>
    tpu.vector_store %arg5[%swap3A, %swap3A_9, %swap3A_10], %broadcast_in_dim3A_8 {strides = array<i32>} : memref<1x1x256xf32, #tpu.memory_space<vmem>>, vector<1x1x256xf32>,
    %broadcast_in_dim3A_12 = vector.shape_cast %scan3A_6#1 : vector<1x256xf32> to vector<1x1x256xf32>
    %swap3A_13 = arith.constant 0 : index
    %swap3A_14 = arith.constant 0 : index
    %swap3A_15 = arith.constant 0 : index
    %swap3A_16 = vector.load %arg6[%swap3A_13, %swap3A_14, %swap3A_15] : memref<1x1x256xf32, #tpu.memory_space<vmem>>, vector<1x1x256xf32>
    tpu.vector_store %arg6[%swap3A_13, %swap3A_14, %swap3A_15], %broadcast_in_dim3A_12 {strides = array<i32>} : memref<1x1x256xf32, #tpu.memory_space<vmem>>, vector<1x1x256xf32>,
    return
  }
  func.func @transform_0(%arg0: i32) -> (i32, i32) {
    %c0_i32 = arith.constant 0 : i32
    %c0_i32_0 = arith.constant 0 : i32
    return %arg0, %c0_i32 : i32, i32
  }
  func.func @transform_1(%arg0: i32) -> (i32, i32) {
    %c0_i32 = arith.constant 0 : i32
    %c0_i32_0 = arith.constant 0 : i32
    return %arg0, %c0_i32 : i32, i32
  }
  func.func @transform_2(%arg0: i32) -> (i32, i32) {
    %c0_i32 = arith.constant 0 : i32
    %c0_i32_0 = arith.constant 0 : i32
    %c0_i32_1 = arith.constant 0 : i32
    return %c0_i32, %c0_i32_0 : i32, i32
  }
  func.func @transform_3(%arg0: i32) -> (i32, i32) {
    %c0_i32 = arith.constant 0 : i32
    %c0_i32_0 = arith.constant 0 : i32
    return %arg0, %c0_i32 : i32, i32
  }
  func.func @transform_4(%arg0: i32) -> (i32, i32, i32) {
    %c0_i32 = arith.constant 0 : i32
    %c0_i32_0 = arith.constant 0 : i32
    %c0_i32_1 = arith.constant 0 : i32
    return %arg0, %c0_i32, %c0_i32_0 : i32, i32, i32
  }
  func.func @transform_5(%arg0: i32) -> (i32, i32, i32) {
    %c0_i32 = arith.constant 0 : i32
    %c0_i32_0 = arith.constant 0 : i32
    %c0_i32_1 = arith.constant 0 : i32
    return %arg0, %c0_i32, %c0_i32_0 : i32, i32, i32
  }
}

module attributes {stable_mosaic.version = 14 : i64} {
  func.func @_final_body(%arg0: memref<8192x64xf32, #tpu.memory_space<vmem>>, %arg1: memref<8192x64xf32, #tpu.memory_space<vmem>>, %arg2: memref<8192x128xf32, #tpu.memory_space<vmem>>, %arg3: memref<8192x256xf32, #tpu.memory_space<vmem>>, %arg4: memref<8x1x256xf32, #tpu.memory_space<vmem>>, %arg5: memref<8x1x256xf32, #tpu.memory_space<vmem>>, %arg6: memref<1x256xf32, #tpu.memory_space<vmem>>, %arg7: memref<1x256xf32, #tpu.memory_space<vmem>>, %arg8: memref<512x1024xf32, #tpu.memory_space<vmem>>, %arg9: memref<1x1024xf32, #tpu.memory_space<vmem>>, %arg10: memref<1x1024xf32, #tpu.memory_space<vmem>>, %arg11: memref<2048x512xf32, #tpu.memory_space<vmem>>, %arg12: memref<1x512xf32, #tpu.memory_space<vmem>>, %arg13: memref<1x512xf32, #tpu.memory_space<vmem>>, %arg14: memref<512x256xf32, #tpu.memory_space<vmem>>, %arg15: memref<1x256xf32, #tpu.memory_space<vmem>>, %arg16: memref<1x256xf32, #tpu.memory_space<vmem>>, %arg17: memref<1x256xf32, #tpu.memory_space<vmem>>, %arg18: memref<256x10xf32, #tpu.memory_space<vmem>>, %arg19: memref<1x10xf32, #tpu.memory_space<vmem>>, %arg20: memref<2048x512xf32, #tpu.memory_space<vmem>>, %arg21: memref<1x512xf32, #tpu.memory_space<vmem>>, %arg22: memref<1x512xf32, #tpu.memory_space<vmem>>, %arg23: memref<512x256xf32, #tpu.memory_space<vmem>>, %arg24: memref<1x256xf32, #tpu.memory_space<vmem>>, %arg25: memref<1x256xf32, #tpu.memory_space<vmem>>, %arg26: memref<1x256xf32, #tpu.memory_space<vmem>>, %arg27: memref<256x10xf32, #tpu.memory_space<vmem>>, %arg28: memref<1x10xf32, #tpu.memory_space<vmem>>, %arg29: memref<8x10xf32, #tpu.memory_space<vmem>>, %arg30: memref<8x10xf32, #tpu.memory_space<vmem>>, %arg31: memref<8x2048xf32, #tpu.memory_space<vmem>>) attributes {dimension_semantics = [], scalar_prefetch = 0 : i64, scratch_operands = 1 : i64, tpu.core_type = #tpu.core_type<tc>} {
    %get3A = arith.constant 0 : index
    %get3A_0 = arith.constant 0 : index
    %get3A_1 = arith.constant 0 : index
    %get3A_2 = vector.load %arg4[%get3A, %get3A_0, %get3A_1] : memref<8x1x256xf32, #tpu.memory_space<vmem>>, vector<8x1x256xf32>
    %reduce_sum3A = arith.constant dense<0.000000e+00> : vector<1x256xf32>
    %reduce_sum3A_3 = vector.multi_reduction <add>, %get3A_2, %reduce_sum3A [0] : vector<8x1x256xf32> to vector<1x256xf32>
    %get3A_4 = arith.constant 0 : index
    %get3A_5 = arith.constant 0 : index
    %get3A_6 = arith.constant 0 : index
    %get3A_7 = vector.load %arg5[%get3A_4, %get3A_5, %get3A_6] : memref<8x1x256xf32, #tpu.memory_space<vmem>>, vector<8x1x256xf32>
    %reduce_sum3A_8 = arith.constant dense<0.000000e+00> : vector<1x256xf32>
    %reduce_sum3A_9 = vector.multi_reduction <add>, %get3A_7, %reduce_sum3A_8 [0] : vector<8x1x256xf32> to vector<1x256xf32>
    %div3A = arith.constant 1.638400e+05 : f32
    %div3A_10 = vector.broadcast %div3A : f32 to vector<1x256xf32>
    %div3A_11 = arith.divf %reduce_sum3A_3, %div3A_10 : vector<1x256xf32>
    %div3A_12 = arith.constant 1.638400e+05 : f32
    %div3A_13 = vector.broadcast %div3A_12 : f32 to vector<1x256xf32>
    %div3A_14 = arith.divf %reduce_sum3A_9, %div3A_13 : vector<1x256xf32>
    %mul3A = arith.mulf %div3A_11, %div3A_11 : vector<1x256xf32>
    %sub3A = arith.subf %div3A_14, %mul3A : vector<1x256xf32>
    %broadcast_in_dim3A = arith.constant 0.000000e+00 : f32
    %broadcast_in_dim3A_15 = vector.broadcast %broadcast_in_dim3A : f32 to vector<1x1024xf32>
    %broadcast_in_dim3A_16 = arith.constant 0.000000e+00 : f32
    %broadcast_in_dim3A_17 = vector.broadcast %broadcast_in_dim3A_16 : f32 to vector<1x1024xf32>
    %scan3A = arith.constant 0 : i32
    %scan3A_18 = arith.constant 8 : i32
    %scan3A_19 = arith.addi %scan3A, %scan3A_18 : i32
    %scan3A_20 = arith.constant 1 : i32
    %scan3A_21:2 = scf.for %scan3A_249 = %scan3A to %scan3A_19 step %scan3A_20 iter_args(%scan3A_250 = %broadcast_in_dim3A_15, %scan3A_251 = %broadcast_in_dim3A_17) -> (vector<1x1024xf32>, vector<1x1024xf32>)  : i32 {
      %mul3A_252 = arith.constant 1024 : i32
      %mul3A_253 = arith.muli %scan3A_249, %mul3A_252 : i32
      %get3A_254 = arith.index_cast %mul3A_253 : i32 to index
      %get3A_255 = arith.constant 0 : index
      %get3A_256 = vector.load %arg3[%get3A_254, %get3A_255] : memref<8192x256xf32, #tpu.memory_space<vmem>>, vector<1024x256xf32>
      %get3A_257 = arith.constant 0 : index
      %get3A_258 = arith.constant 0 : index
      %get3A_259 = vector.load %arg6[%get3A_257, %get3A_258] : memref<1x256xf32, #tpu.memory_space<vmem>>, vector<1x256xf32>
      %get3A_260 = arith.constant 0 : index
      %get3A_261 = arith.constant 0 : index
      %get3A_262 = vector.load %arg7[%get3A_260, %get3A_261] : memref<1x256xf32, #tpu.memory_space<vmem>>, vector<1x256xf32>
      %sub3A_263 = vector.broadcast %div3A_11 : vector<1x256xf32> to vector<1024x256xf32>
      %sub3A_264 = arith.subf %get3A_256, %sub3A_263 : vector<1024x256xf32>
      %add3A_265 = arith.constant 9.99999974E-6 : f32
      %add3A_266 = vector.broadcast %add3A_265 : f32 to vector<1x256xf32>
      %add3A_267 = arith.addf %sub3A, %add3A_266 : vector<1x256xf32>
      %sqrt3A_268 = math.sqrt %add3A_267 : vector<1x256xf32>
      %div3A_269 = vector.broadcast %sqrt3A_268 : vector<1x256xf32> to vector<1024x256xf32>
      %div3A_270 = arith.divf %sub3A_264, %div3A_269 : vector<1024x256xf32>
      %mul3A_271 = vector.broadcast %get3A_259 : vector<1x256xf32> to vector<1024x256xf32>
      %mul3A_272 = arith.mulf %div3A_270, %mul3A_271 : vector<1024x256xf32>
      %add3A_273 = vector.broadcast %get3A_262 : vector<1x256xf32> to vector<1024x256xf32>
      %add3A_274 = arith.addf %mul3A_272, %add3A_273 : vector<1024x256xf32>
      %ge3A_275 = arith.constant 0.000000e+00 : f32
      %ge3A_276 = vector.broadcast %ge3A_275 : f32 to vector<1024x256xf32>
      %ge3A_277 = arith.cmpf oge, %add3A_274, %ge3A_276 : vector<1024x256xf32>
      %mul3A_278 = arith.constant 2.000000e-01 : f32
      %mul3A_279 = vector.broadcast %mul3A_278 : f32 to vector<1024x256xf32>
      %mul3A_280 = arith.mulf %mul3A_279, %add3A_274 : vector<1024x256xf32>
      %select_n3A_281 = arith.select %ge3A_277, %add3A_274, %mul3A_280 : vector<1024x256xi1>, vector<1024x256xf32>
      %get3A_282 = arith.index_cast %mul3A_253 : i32 to index
      %get3A_283 = arith.constant 0 : index
      %get3A_284 = vector.load %arg0[%get3A_282, %get3A_283] : memref<8192x64xf32, #tpu.memory_space<vmem>>, vector<1024x64xf32>
      %get3A_285 = arith.index_cast %mul3A_253 : i32 to index
      %get3A_286 = arith.constant 0 : index
      %get3A_287 = vector.load %arg1[%get3A_285, %get3A_286] : memref<8192x64xf32, #tpu.memory_space<vmem>>, vector<1024x64xf32>
      %get3A_288 = arith.index_cast %mul3A_253 : i32 to index
      %get3A_289 = arith.constant 0 : index
      %get3A_290 = vector.load %arg2[%get3A_288, %get3A_289] : memref<8192x128xf32, #tpu.memory_space<vmem>>, vector<1024x128xf32>
      %concatenate3A = tpu.concatenate %get3A_284, %get3A_287, %get3A_290, %select_n3A_281 in 1 : vector<1024x64xf32>, vector<1024x64xf32>, vector<1024x128xf32>, vector<1024x256xf32> -> vector<1024x512xf32>
      %get3A_291 = arith.constant 0 : index
      %get3A_292 = arith.constant 0 : index
      %get3A_293 = vector.load %arg8[%get3A_291, %get3A_292] : memref<512x1024xf32, #tpu.memory_space<vmem>>, vector<512x1024xf32>
      %dot_general3A_294 = arith.constant dense<0.000000e+00> : vector<1024x1024xf32>
      %dot_general3A_295 = tpu.matmul %concatenate3A, %get3A_293, %dot_general3A_294 {dimension_numbers = #tpu.dot_dimension_numbers<[1], [0], [0], [1], [0, 0, 1, 1], [], []>, transpose_lhs_hint = false} : vector<1024x512xf32>, vector<512x1024xf32>, vector<1024x1024xf32> -> vector<1024x1024xf32>
      %reduce_sum3A_296 = arith.constant dense<0.000000e+00> : vector<1024xf32>
      %reduce_sum3A_297 = vector.multi_reduction <add>, %dot_general3A_295, %reduce_sum3A_296 [0] : vector<1024x1024xf32> to vector<1024xf32>
      %broadcast_in_dim3A_298 = vector.shape_cast %reduce_sum3A_297 : vector<1024xf32> to vector<1x1024xf32>
      %add3A_299 = arith.addf %scan3A_250, %broadcast_in_dim3A_298 : vector<1x1024xf32>
      %mul3A_300 = arith.mulf %dot_general3A_295, %dot_general3A_295 : vector<1024x1024xf32>
      %reduce_sum3A_301 = arith.constant dense<0.000000e+00> : vector<1024xf32>
      %reduce_sum3A_302 = vector.multi_reduction <add>, %mul3A_300, %reduce_sum3A_301 [0] : vector<1024x1024xf32> to vector<1024xf32>
      %broadcast_in_dim3A_303 = vector.shape_cast %reduce_sum3A_302 : vector<1024xf32> to vector<1x1024xf32>
      %add3A_304 = arith.addf %scan3A_251, %broadcast_in_dim3A_303 : vector<1x1024xf32>
      scf.yield %add3A_299, %add3A_304 : vector<1x1024xf32>, vector<1x1024xf32>
    }
    %scan3A_22 = arith.constant 8 : i32
    %div3A_23 = arith.constant 8.192000e+03 : f32
    %div3A_24 = vector.broadcast %div3A_23 : f32 to vector<1x1024xf32>
    %div3A_25 = arith.divf %scan3A_21#0, %div3A_24 : vector<1x1024xf32>
    %div3A_26 = arith.constant 8.192000e+03 : f32
    %div3A_27 = vector.broadcast %div3A_26 : f32 to vector<1x1024xf32>
    %div3A_28 = arith.divf %scan3A_21#1, %div3A_27 : vector<1x1024xf32>
    %mul3A_29 = arith.mulf %div3A_25, %div3A_25 : vector<1x1024xf32>
    %sub3A_30 = arith.subf %div3A_28, %mul3A_29 : vector<1x1024xf32>
    %scan3A_31 = arith.constant 0 : i32
    %scan3A_32 = arith.constant 8 : i32
    %scan3A_33 = arith.addi %scan3A_31, %scan3A_32 : i32
    %scan3A_34 = arith.constant 1 : i32
    scf.for %scan3A_249 = %scan3A_31 to %scan3A_33 step %scan3A_34  : i32 {
      %mul3A_250 = arith.constant 1024 : i32
      %mul3A_251 = arith.muli %scan3A_249, %mul3A_250 : i32
      %get3A_252 = arith.index_cast %mul3A_251 : i32 to index
      %get3A_253 = arith.constant 0 : index
      %get3A_254 = vector.load %arg3[%get3A_252, %get3A_253] : memref<8192x256xf32, #tpu.memory_space<vmem>>, vector<1024x256xf32>
      %get3A_255 = arith.constant 0 : index
      %get3A_256 = arith.constant 0 : index
      %get3A_257 = vector.load %arg6[%get3A_255, %get3A_256] : memref<1x256xf32, #tpu.memory_space<vmem>>, vector<1x256xf32>
      %get3A_258 = arith.constant 0 : index
      %get3A_259 = arith.constant 0 : index
      %get3A_260 = vector.load %arg7[%get3A_258, %get3A_259] : memref<1x256xf32, #tpu.memory_space<vmem>>, vector<1x256xf32>
      %sub3A_261 = vector.broadcast %div3A_11 : vector<1x256xf32> to vector<1024x256xf32>
      %sub3A_262 = arith.subf %get3A_254, %sub3A_261 : vector<1024x256xf32>
      %add3A_263 = arith.constant 9.99999974E-6 : f32
      %add3A_264 = vector.broadcast %add3A_263 : f32 to vector<1x256xf32>
      %add3A_265 = arith.addf %sub3A, %add3A_264 : vector<1x256xf32>
      %sqrt3A_266 = math.sqrt %add3A_265 : vector<1x256xf32>
      %div3A_267 = vector.broadcast %sqrt3A_266 : vector<1x256xf32> to vector<1024x256xf32>
      %div3A_268 = arith.divf %sub3A_262, %div3A_267 : vector<1024x256xf32>
      %mul3A_269 = vector.broadcast %get3A_257 : vector<1x256xf32> to vector<1024x256xf32>
      %mul3A_270 = arith.mulf %div3A_268, %mul3A_269 : vector<1024x256xf32>
      %add3A_271 = vector.broadcast %get3A_260 : vector<1x256xf32> to vector<1024x256xf32>
      %add3A_272 = arith.addf %mul3A_270, %add3A_271 : vector<1024x256xf32>
      %ge3A_273 = arith.constant 0.000000e+00 : f32
      %ge3A_274 = vector.broadcast %ge3A_273 : f32 to vector<1024x256xf32>
      %ge3A_275 = arith.cmpf oge, %add3A_272, %ge3A_274 : vector<1024x256xf32>
      %mul3A_276 = arith.constant 2.000000e-01 : f32
      %mul3A_277 = vector.broadcast %mul3A_276 : f32 to vector<1024x256xf32>
      %mul3A_278 = arith.mulf %mul3A_277, %add3A_272 : vector<1024x256xf32>
      %select_n3A_279 = arith.select %ge3A_275, %add3A_272, %mul3A_278 : vector<1024x256xi1>, vector<1024x256xf32>
      %get3A_280 = arith.index_cast %mul3A_251 : i32 to index
      %get3A_281 = arith.constant 0 : index
      %get3A_282 = vector.load %arg0[%get3A_280, %get3A_281] : memref<8192x64xf32, #tpu.memory_space<vmem>>, vector<1024x64xf32>
      %get3A_283 = arith.index_cast %mul3A_251 : i32 to index
      %get3A_284 = arith.constant 0 : index
      %get3A_285 = vector.load %arg1[%get3A_283, %get3A_284] : memref<8192x64xf32, #tpu.memory_space<vmem>>, vector<1024x64xf32>
      %get3A_286 = arith.index_cast %mul3A_251 : i32 to index
      %get3A_287 = arith.constant 0 : index
      %get3A_288 = vector.load %arg2[%get3A_286, %get3A_287] : memref<8192x128xf32, #tpu.memory_space<vmem>>, vector<1024x128xf32>
      %concatenate3A = tpu.concatenate %get3A_282, %get3A_285, %get3A_288, %select_n3A_279 in 1 : vector<1024x64xf32>, vector<1024x64xf32>, vector<1024x128xf32>, vector<1024x256xf32> -> vector<1024x512xf32>
      %get3A_289 = arith.constant 0 : index
      %get3A_290 = arith.constant 0 : index
      %get3A_291 = vector.load %arg8[%get3A_289, %get3A_290] : memref<512x1024xf32, #tpu.memory_space<vmem>>, vector<512x1024xf32>
      %dot_general3A_292 = arith.constant dense<0.000000e+00> : vector<1024x1024xf32>
      %dot_general3A_293 = tpu.matmul %concatenate3A, %get3A_291, %dot_general3A_292 {dimension_numbers = #tpu.dot_dimension_numbers<[1], [0], [0], [1], [0, 0, 1, 1], [], []>, transpose_lhs_hint = false} : vector<1024x512xf32>, vector<512x1024xf32>, vector<1024x1024xf32> -> vector<1024x1024xf32>
      %get3A_294 = arith.constant 0 : index
      %get3A_295 = arith.constant 0 : index
      %get3A_296 = vector.load %arg9[%get3A_294, %get3A_295] : memref<1x1024xf32, #tpu.memory_space<vmem>>, vector<1x1024xf32>
      %get3A_297 = arith.constant 0 : index
      %get3A_298 = arith.constant 0 : index
      %get3A_299 = vector.load %arg10[%get3A_297, %get3A_298] : memref<1x1024xf32, #tpu.memory_space<vmem>>, vector<1x1024xf32>
      %sub3A_300 = vector.broadcast %div3A_25 : vector<1x1024xf32> to vector<1024x1024xf32>
      %sub3A_301 = arith.subf %dot_general3A_293, %sub3A_300 : vector<1024x1024xf32>
      %add3A_302 = arith.constant 9.99999974E-6 : f32
      %add3A_303 = vector.broadcast %add3A_302 : f32 to vector<1x1024xf32>
      %add3A_304 = arith.addf %sub3A_30, %add3A_303 : vector<1x1024xf32>
      %sqrt3A_305 = math.sqrt %add3A_304 : vector<1x1024xf32>
      %div3A_306 = vector.broadcast %sqrt3A_305 : vector<1x1024xf32> to vector<1024x1024xf32>
      %div3A_307 = arith.divf %sub3A_301, %div3A_306 : vector<1024x1024xf32>
      %mul3A_308 = vector.broadcast %get3A_296 : vector<1x1024xf32> to vector<1024x1024xf32>
      %mul3A_309 = arith.mulf %div3A_307, %mul3A_308 : vector<1024x1024xf32>
      %add3A_310 = vector.broadcast %get3A_299 : vector<1x1024xf32> to vector<1024x1024xf32>
      %add3A_311 = arith.addf %mul3A_309, %add3A_310 : vector<1024x1024xf32>
      %ge3A_312 = arith.constant 0.000000e+00 : f32
      %ge3A_313 = vector.broadcast %ge3A_312 : f32 to vector<1024x1024xf32>
      %ge3A_314 = arith.cmpf oge, %add3A_311, %ge3A_313 : vector<1024x1024xf32>
      %mul3A_315 = arith.constant 2.000000e-01 : f32
      %mul3A_316 = vector.broadcast %mul3A_315 : f32 to vector<1024x1024xf32>
      %mul3A_317 = arith.mulf %mul3A_316, %add3A_311 : vector<1024x1024xf32>
      %select_n3A_318 = arith.select %ge3A_314, %add3A_311, %mul3A_317 : vector<1024x1024xi1>, vector<1024x1024xf32>
      %reduce_max3A = arith.constant dense<0xFF800000> : vector<1024xf32>
      %reduce_max3A_319 = vector.multi_reduction <maximumf>, %select_n3A_318, %reduce_max3A [0] : vector<1024x1024xf32> to vector<1024xf32>
      %broadcast_in_dim3A_320 = vector.shape_cast %reduce_max3A_319 : vector<1024xf32> to vector<1x1024xf32>
      %reduce_sum3A_321 = arith.constant dense<0.000000e+00> : vector<1024xf32>
      %reduce_sum3A_322 = vector.multi_reduction <add>, %select_n3A_318, %reduce_sum3A_321 [0] : vector<1024x1024xf32> to vector<1024xf32>
      %broadcast_in_dim3A_323 = vector.shape_cast %reduce_sum3A_322 : vector<1024xf32> to vector<1x1024xf32>
      %mul3A_324 = arith.constant 9.765625E-4 : f32
      %mul3A_325 = vector.broadcast %mul3A_324 : f32 to vector<1x1024xf32>
      %mul3A_326 = arith.mulf %broadcast_in_dim3A_323, %mul3A_325 : vector<1x1024xf32>
      %concatenate3A_327 = tpu.concatenate %broadcast_in_dim3A_320, %mul3A_326 in 1 : vector<1x1024xf32>, vector<1x1024xf32> -> vector<1x2048xf32>
      %swap3A_328 = arith.index_cast %scan3A_249 : i32 to index
      %swap3A_329 = arith.constant 0 : index
      %swap3A_330 = vector.load %arg31[%swap3A_328, %swap3A_329] : memref<8x2048xf32, #tpu.memory_space<vmem>>, vector<1x2048xf32>
      tpu.vector_store %arg31[%swap3A_328, %swap3A_329], %concatenate3A_327 {strides = array<i32>} : memref<8x2048xf32, #tpu.memory_space<vmem>>, vector<1x2048xf32>,
    }
    %scan3A_35 = arith.constant 8 : i32
    %get3A_36 = arith.constant 0 : index
    %get3A_37 = arith.constant 0 : index
    %get3A_38 = vector.load %arg31[%get3A_36, %get3A_37] : memref<8x2048xf32, #tpu.memory_space<vmem>>, vector<8x2048xf32>
    %get3A_39 = arith.constant 0 : index
    %get3A_40 = arith.constant 0 : index
    %get3A_41 = vector.load %arg11[%get3A_39, %get3A_40] : memref<2048x512xf32, #tpu.memory_space<vmem>>, vector<2048x512xf32>
    %dot_general3A = arith.constant dense<0.000000e+00> : vector<8x512xf32>
    %dot_general3A_42 = tpu.matmul %get3A_38, %get3A_41, %dot_general3A {dimension_numbers = #tpu.dot_dimension_numbers<[1], [0], [0], [1], [0, 0, 1, 1], [], []>, transpose_lhs_hint = false} : vector<8x2048xf32>, vector<2048x512xf32>, vector<8x512xf32> -> vector<8x512xf32>
    %reduce_sum3A_43 = arith.constant dense<0.000000e+00> : vector<512xf32>
    %reduce_sum3A_44 = vector.multi_reduction <add>, %dot_general3A_42, %reduce_sum3A_43 [0] : vector<8x512xf32> to vector<512xf32>
    %broadcast_in_dim3A_45 = vector.shape_cast %reduce_sum3A_44 : vector<512xf32> to vector<1x512xf32>
    %div3A_46 = arith.constant 8.000000e+00 : f32
    %div3A_47 = vector.broadcast %div3A_46 : f32 to vector<1x512xf32>
    %div3A_48 = arith.divf %broadcast_in_dim3A_45, %div3A_47 : vector<1x512xf32>
    %mul3A_49 = arith.mulf %dot_general3A_42, %dot_general3A_42 : vector<8x512xf32>
    %reduce_sum3A_50 = arith.constant dense<0.000000e+00> : vector<512xf32>
    %reduce_sum3A_51 = vector.multi_reduction <add>, %mul3A_49, %reduce_sum3A_50 [0] : vector<8x512xf32> to vector<512xf32>
    %broadcast_in_dim3A_52 = vector.shape_cast %reduce_sum3A_51 : vector<512xf32> to vector<1x512xf32>
    %div3A_53 = arith.constant 8.000000e+00 : f32
    %div3A_54 = vector.broadcast %div3A_53 : f32 to vector<1x512xf32>
    %div3A_55 = arith.divf %broadcast_in_dim3A_52, %div3A_54 : vector<1x512xf32>
    %mul3A_56 = arith.mulf %div3A_48, %div3A_48 : vector<1x512xf32>
    %sub3A_57 = arith.subf %div3A_55, %mul3A_56 : vector<1x512xf32>
    %get3A_58 = arith.constant 0 : index
    %get3A_59 = arith.constant 0 : index
    %get3A_60 = vector.load %arg12[%get3A_58, %get3A_59] : memref<1x512xf32, #tpu.memory_space<vmem>>, vector<1x512xf32>
    %get3A_61 = arith.constant 0 : index
    %get3A_62 = arith.constant 0 : index
    %get3A_63 = vector.load %arg13[%get3A_61, %get3A_62] : memref<1x512xf32, #tpu.memory_space<vmem>>, vector<1x512xf32>
    %sub3A_64 = vector.broadcast %div3A_48 : vector<1x512xf32> to vector<8x512xf32>
    %sub3A_65 = arith.subf %dot_general3A_42, %sub3A_64 : vector<8x512xf32>
    %add3A = arith.constant 9.99999974E-6 : f32
    %add3A_66 = vector.broadcast %add3A : f32 to vector<1x512xf32>
    %add3A_67 = arith.addf %sub3A_57, %add3A_66 : vector<1x512xf32>
    %sqrt3A = math.sqrt %add3A_67 : vector<1x512xf32>
    %div3A_68 = vector.broadcast %sqrt3A : vector<1x512xf32> to vector<8x512xf32>
    %div3A_69 = arith.divf %sub3A_65, %div3A_68 : vector<8x512xf32>
    %mul3A_70 = vector.broadcast %get3A_60 : vector<1x512xf32> to vector<8x512xf32>
    %mul3A_71 = arith.mulf %div3A_69, %mul3A_70 : vector<8x512xf32>
    %add3A_72 = vector.broadcast %get3A_63 : vector<1x512xf32> to vector<8x512xf32>
    %add3A_73 = arith.addf %mul3A_71, %add3A_72 : vector<8x512xf32>
    %ge3A = arith.constant 0.000000e+00 : f32
    %ge3A_74 = vector.broadcast %ge3A : f32 to vector<8x512xf32>
    %ge3A_75 = arith.cmpf oge, %add3A_73, %ge3A_74 : vector<8x512xf32>
    %mul3A_76 = arith.constant 2.000000e-01 : f32
    %mul3A_77 = vector.broadcast %mul3A_76 : f32 to vector<8x512xf32>
    %mul3A_78 = arith.mulf %mul3A_77, %add3A_73 : vector<8x512xf32>
    %select_n3A = arith.select %ge3A_75, %add3A_73, %mul3A_78 : vector<8x512xi1>, vector<8x512xf32>
    %get3A_79 = arith.constant 0 : index
    %get3A_80 = arith.constant 0 : index
    %get3A_81 = vector.load %arg14[%get3A_79, %get3A_80] : memref<512x256xf32, #tpu.memory_space<vmem>>, vector<512x256xf32>
    %dot_general3A_82 = arith.constant dense<0.000000e+00> : vector<8x256xf32>
    %dot_general3A_83 = tpu.matmul %select_n3A, %get3A_81, %dot_general3A_82 {dimension_numbers = #tpu.dot_dimension_numbers<[1], [0], [0], [1], [0, 0, 1, 1], [], []>, transpose_lhs_hint = false} : vector<8x512xf32>, vector<512x256xf32>, vector<8x256xf32> -> vector<8x256xf32>
    %get3A_84 = arith.constant 0 : index
    %get3A_85 = arith.constant 0 : index
    %get3A_86 = vector.load %arg15[%get3A_84, %get3A_85] : memref<1x256xf32, #tpu.memory_space<vmem>>, vector<1x256xf32>
    %add3A_87 = vector.broadcast %get3A_86 : vector<1x256xf32> to vector<8x256xf32>
    %add3A_88 = arith.addf %dot_general3A_83, %add3A_87 : vector<8x256xf32>
    %reduce_sum3A_89 = arith.constant dense<0.000000e+00> : vector<256xf32>
    %reduce_sum3A_90 = vector.multi_reduction <add>, %add3A_88, %reduce_sum3A_89 [0] : vector<8x256xf32> to vector<256xf32>
    %broadcast_in_dim3A_91 = vector.shape_cast %reduce_sum3A_90 : vector<256xf32> to vector<1x256xf32>
    %div3A_92 = arith.constant 8.000000e+00 : f32
    %div3A_93 = vector.broadcast %div3A_92 : f32 to vector<1x256xf32>
    %div3A_94 = arith.divf %broadcast_in_dim3A_91, %div3A_93 : vector<1x256xf32>
    %mul3A_95 = arith.mulf %add3A_88, %add3A_88 : vector<8x256xf32>
    %reduce_sum3A_96 = arith.constant dense<0.000000e+00> : vector<256xf32>
    %reduce_sum3A_97 = vector.multi_reduction <add>, %mul3A_95, %reduce_sum3A_96 [0] : vector<8x256xf32> to vector<256xf32>
    %broadcast_in_dim3A_98 = vector.shape_cast %reduce_sum3A_97 : vector<256xf32> to vector<1x256xf32>
    %div3A_99 = arith.constant 8.000000e+00 : f32
    %div3A_100 = vector.broadcast %div3A_99 : f32 to vector<1x256xf32>
    %div3A_101 = arith.divf %broadcast_in_dim3A_98, %div3A_100 : vector<1x256xf32>
    %mul3A_102 = arith.mulf %div3A_94, %div3A_94 : vector<1x256xf32>
    %sub3A_103 = arith.subf %div3A_101, %mul3A_102 : vector<1x256xf32>
    %get3A_104 = arith.constant 0 : index
    %get3A_105 = arith.constant 0 : index
    %get3A_106 = vector.load %arg16[%get3A_104, %get3A_105] : memref<1x256xf32, #tpu.memory_space<vmem>>, vector<1x256xf32>
    %get3A_107 = arith.constant 0 : index
    %get3A_108 = arith.constant 0 : index
    %get3A_109 = vector.load %arg17[%get3A_107, %get3A_108] : memref<1x256xf32, #tpu.memory_space<vmem>>, vector<1x256xf32>
    %sub3A_110 = vector.broadcast %div3A_94 : vector<1x256xf32> to vector<8x256xf32>
    %sub3A_111 = arith.subf %add3A_88, %sub3A_110 : vector<8x256xf32>
    %add3A_112 = arith.constant 9.99999974E-6 : f32
    %add3A_113 = vector.broadcast %add3A_112 : f32 to vector<1x256xf32>
    %add3A_114 = arith.addf %sub3A_103, %add3A_113 : vector<1x256xf32>
    %sqrt3A_115 = math.sqrt %add3A_114 : vector<1x256xf32>
    %div3A_116 = vector.broadcast %sqrt3A_115 : vector<1x256xf32> to vector<8x256xf32>
    %div3A_117 = arith.divf %sub3A_111, %div3A_116 : vector<8x256xf32>
    %mul3A_118 = vector.broadcast %get3A_106 : vector<1x256xf32> to vector<8x256xf32>
    %mul3A_119 = arith.mulf %div3A_117, %mul3A_118 : vector<8x256xf32>
    %add3A_120 = vector.broadcast %get3A_109 : vector<1x256xf32> to vector<8x256xf32>
    %add3A_121 = arith.addf %mul3A_119, %add3A_120 : vector<8x256xf32>
    %ge3A_122 = arith.constant 0.000000e+00 : f32
    %ge3A_123 = vector.broadcast %ge3A_122 : f32 to vector<8x256xf32>
    %ge3A_124 = arith.cmpf oge, %add3A_121, %ge3A_123 : vector<8x256xf32>
    %mul3A_125 = arith.constant 2.000000e-01 : f32
    %mul3A_126 = vector.broadcast %mul3A_125 : f32 to vector<8x256xf32>
    %mul3A_127 = arith.mulf %mul3A_126, %add3A_121 : vector<8x256xf32>
    %select_n3A_128 = arith.select %ge3A_124, %add3A_121, %mul3A_127 : vector<8x256xi1>, vector<8x256xf32>
    %get3A_129 = arith.constant 0 : index
    %get3A_130 = arith.constant 0 : index
    %get3A_131 = vector.load %arg18[%get3A_129, %get3A_130] : memref<256x10xf32, #tpu.memory_space<vmem>>, vector<256x10xf32>
    %dot_general3A_132 = arith.constant dense<0.000000e+00> : vector<8x10xf32>
    %dot_general3A_133 = tpu.matmul %select_n3A_128, %get3A_131, %dot_general3A_132 {dimension_numbers = #tpu.dot_dimension_numbers<[1], [0], [0], [1], [0, 0, 1, 1], [], []>, transpose_lhs_hint = false} : vector<8x256xf32>, vector<256x10xf32>, vector<8x10xf32> -> vector<8x10xf32>
    %get3A_134 = arith.constant 0 : index
    %get3A_135 = arith.constant 0 : index
    %get3A_136 = vector.load %arg19[%get3A_134, %get3A_135] : memref<1x10xf32, #tpu.memory_space<vmem>>, vector<1x10xf32>
    %add3A_137 = vector.broadcast %get3A_136 : vector<1x10xf32> to vector<8x10xf32>
    %add3A_138 = arith.addf %dot_general3A_133, %add3A_137 : vector<8x10xf32>
    %swap3A = arith.constant 0 : index
    %swap3A_139 = arith.constant 0 : index
    %swap3A_140 = vector.load %arg29[%swap3A, %swap3A_139] : memref<8x10xf32, #tpu.memory_space<vmem>>, vector<8x10xf32>
    tpu.vector_store %arg29[%swap3A, %swap3A_139], %add3A_138 {strides = array<i32>} : memref<8x10xf32, #tpu.memory_space<vmem>>, vector<8x10xf32>,
    %get3A_141 = arith.constant 0 : index
    %get3A_142 = arith.constant 0 : index
    %get3A_143 = vector.load %arg20[%get3A_141, %get3A_142] : memref<2048x512xf32, #tpu.memory_space<vmem>>, vector<2048x512xf32>
    %dot_general3A_144 = arith.constant dense<0.000000e+00> : vector<8x512xf32>
    %dot_general3A_145 = tpu.matmul %get3A_38, %get3A_143, %dot_general3A_144 {dimension_numbers = #tpu.dot_dimension_numbers<[1], [0], [0], [1], [0, 0, 1, 1], [], []>, transpose_lhs_hint = false} : vector<8x2048xf32>, vector<2048x512xf32>, vector<8x512xf32> -> vector<8x512xf32>
    %reduce_sum3A_146 = arith.constant dense<0.000000e+00> : vector<512xf32>
    %reduce_sum3A_147 = vector.multi_reduction <add>, %dot_general3A_145, %reduce_sum3A_146 [0] : vector<8x512xf32> to vector<512xf32>
    %broadcast_in_dim3A_148 = vector.shape_cast %reduce_sum3A_147 : vector<512xf32> to vector<1x512xf32>
    %div3A_149 = arith.constant 8.000000e+00 : f32
    %div3A_150 = vector.broadcast %div3A_149 : f32 to vector<1x512xf32>
    %div3A_151 = arith.divf %broadcast_in_dim3A_148, %div3A_150 : vector<1x512xf32>
    %mul3A_152 = arith.mulf %dot_general3A_145, %dot_general3A_145 : vector<8x512xf32>
    %reduce_sum3A_153 = arith.constant dense<0.000000e+00> : vector<512xf32>
    %reduce_sum3A_154 = vector.multi_reduction <add>, %mul3A_152, %reduce_sum3A_153 [0] : vector<8x512xf32> to vector<512xf32>
    %broadcast_in_dim3A_155 = vector.shape_cast %reduce_sum3A_154 : vector<512xf32> to vector<1x512xf32>
    %div3A_156 = arith.constant 8.000000e+00 : f32
    %div3A_157 = vector.broadcast %div3A_156 : f32 to vector<1x512xf32>
    %div3A_158 = arith.divf %broadcast_in_dim3A_155, %div3A_157 : vector<1x512xf32>
    %mul3A_159 = arith.mulf %div3A_151, %div3A_151 : vector<1x512xf32>
    %sub3A_160 = arith.subf %div3A_158, %mul3A_159 : vector<1x512xf32>
    %get3A_161 = arith.constant 0 : index
    %get3A_162 = arith.constant 0 : index
    %get3A_163 = vector.load %arg21[%get3A_161, %get3A_162] : memref<1x512xf32, #tpu.memory_space<vmem>>, vector<1x512xf32>
    %get3A_164 = arith.constant 0 : index
    %get3A_165 = arith.constant 0 : index
    %get3A_166 = vector.load %arg22[%get3A_164, %get3A_165] : memref<1x512xf32, #tpu.memory_space<vmem>>, vector<1x512xf32>
    %sub3A_167 = vector.broadcast %div3A_151 : vector<1x512xf32> to vector<8x512xf32>
    %sub3A_168 = arith.subf %dot_general3A_145, %sub3A_167 : vector<8x512xf32>
    %add3A_169 = arith.constant 9.99999974E-6 : f32
    %add3A_170 = vector.broadcast %add3A_169 : f32 to vector<1x512xf32>
    %add3A_171 = arith.addf %sub3A_160, %add3A_170 : vector<1x512xf32>
    %sqrt3A_172 = math.sqrt %add3A_171 : vector<1x512xf32>
    %div3A_173 = vector.broadcast %sqrt3A_172 : vector<1x512xf32> to vector<8x512xf32>
    %div3A_174 = arith.divf %sub3A_168, %div3A_173 : vector<8x512xf32>
    %mul3A_175 = vector.broadcast %get3A_163 : vector<1x512xf32> to vector<8x512xf32>
    %mul3A_176 = arith.mulf %div3A_174, %mul3A_175 : vector<8x512xf32>
    %add3A_177 = vector.broadcast %get3A_166 : vector<1x512xf32> to vector<8x512xf32>
    %add3A_178 = arith.addf %mul3A_176, %add3A_177 : vector<8x512xf32>
    %ge3A_179 = arith.constant 0.000000e+00 : f32
    %ge3A_180 = vector.broadcast %ge3A_179 : f32 to vector<8x512xf32>
    %ge3A_181 = arith.cmpf oge, %add3A_178, %ge3A_180 : vector<8x512xf32>
    %mul3A_182 = arith.constant 2.000000e-01 : f32
    %mul3A_183 = vector.broadcast %mul3A_182 : f32 to vector<8x512xf32>
    %mul3A_184 = arith.mulf %mul3A_183, %add3A_178 : vector<8x512xf32>
    %select_n3A_185 = arith.select %ge3A_181, %add3A_178, %mul3A_184 : vector<8x512xi1>, vector<8x512xf32>
    %get3A_186 = arith.constant 0 : index
    %get3A_187 = arith.constant 0 : index
    %get3A_188 = vector.load %arg23[%get3A_186, %get3A_187] : memref<512x256xf32, #tpu.memory_space<vmem>>, vector<512x256xf32>
    %dot_general3A_189 = arith.constant dense<0.000000e+00> : vector<8x256xf32>
    %dot_general3A_190 = tpu.matmul %select_n3A_185, %get3A_188, %dot_general3A_189 {dimension_numbers = #tpu.dot_dimension_numbers<[1], [0], [0], [1], [0, 0, 1, 1], [], []>, transpose_lhs_hint = false} : vector<8x512xf32>, vector<512x256xf32>, vector<8x256xf32> -> vector<8x256xf32>
    %get3A_191 = arith.constant 0 : index
    %get3A_192 = arith.constant 0 : index
    %get3A_193 = vector.load %arg24[%get3A_191, %get3A_192] : memref<1x256xf32, #tpu.memory_space<vmem>>, vector<1x256xf32>
    %add3A_194 = vector.broadcast %get3A_193 : vector<1x256xf32> to vector<8x256xf32>
    %add3A_195 = arith.addf %dot_general3A_190, %add3A_194 : vector<8x256xf32>
    %reduce_sum3A_196 = arith.constant dense<0.000000e+00> : vector<256xf32>
    %reduce_sum3A_197 = vector.multi_reduction <add>, %add3A_195, %reduce_sum3A_196 [0] : vector<8x256xf32> to vector<256xf32>
    %broadcast_in_dim3A_198 = vector.shape_cast %reduce_sum3A_197 : vector<256xf32> to vector<1x256xf32>
    %div3A_199 = arith.constant 8.000000e+00 : f32
    %div3A_200 = vector.broadcast %div3A_199 : f32 to vector<1x256xf32>
    %div3A_201 = arith.divf %broadcast_in_dim3A_198, %div3A_200 : vector<1x256xf32>
    %mul3A_202 = arith.mulf %add3A_195, %add3A_195 : vector<8x256xf32>
    %reduce_sum3A_203 = arith.constant dense<0.000000e+00> : vector<256xf32>
    %reduce_sum3A_204 = vector.multi_reduction <add>, %mul3A_202, %reduce_sum3A_203 [0] : vector<8x256xf32> to vector<256xf32>
    %broadcast_in_dim3A_205 = vector.shape_cast %reduce_sum3A_204 : vector<256xf32> to vector<1x256xf32>
    %div3A_206 = arith.constant 8.000000e+00 : f32
    %div3A_207 = vector.broadcast %div3A_206 : f32 to vector<1x256xf32>
    %div3A_208 = arith.divf %broadcast_in_dim3A_205, %div3A_207 : vector<1x256xf32>
    %mul3A_209 = arith.mulf %div3A_201, %div3A_201 : vector<1x256xf32>
    %sub3A_210 = arith.subf %div3A_208, %mul3A_209 : vector<1x256xf32>
    %get3A_211 = arith.constant 0 : index
    %get3A_212 = arith.constant 0 : index
    %get3A_213 = vector.load %arg25[%get3A_211, %get3A_212] : memref<1x256xf32, #tpu.memory_space<vmem>>, vector<1x256xf32>
    %get3A_214 = arith.constant 0 : index
    %get3A_215 = arith.constant 0 : index
    %get3A_216 = vector.load %arg26[%get3A_214, %get3A_215] : memref<1x256xf32, #tpu.memory_space<vmem>>, vector<1x256xf32>
    %sub3A_217 = vector.broadcast %div3A_201 : vector<1x256xf32> to vector<8x256xf32>
    %sub3A_218 = arith.subf %add3A_195, %sub3A_217 : vector<8x256xf32>
    %add3A_219 = arith.constant 9.99999974E-6 : f32
    %add3A_220 = vector.broadcast %add3A_219 : f32 to vector<1x256xf32>
    %add3A_221 = arith.addf %sub3A_210, %add3A_220 : vector<1x256xf32>
    %sqrt3A_222 = math.sqrt %add3A_221 : vector<1x256xf32>
    %div3A_223 = vector.broadcast %sqrt3A_222 : vector<1x256xf32> to vector<8x256xf32>
    %div3A_224 = arith.divf %sub3A_218, %div3A_223 : vector<8x256xf32>
    %mul3A_225 = vector.broadcast %get3A_213 : vector<1x256xf32> to vector<8x256xf32>
    %mul3A_226 = arith.mulf %div3A_224, %mul3A_225 : vector<8x256xf32>
    %add3A_227 = vector.broadcast %get3A_216 : vector<1x256xf32> to vector<8x256xf32>
    %add3A_228 = arith.addf %mul3A_226, %add3A_227 : vector<8x256xf32>
    %ge3A_229 = arith.constant 0.000000e+00 : f32
    %ge3A_230 = vector.broadcast %ge3A_229 : f32 to vector<8x256xf32>
    %ge3A_231 = arith.cmpf oge, %add3A_228, %ge3A_230 : vector<8x256xf32>
    %mul3A_232 = arith.constant 2.000000e-01 : f32
    %mul3A_233 = vector.broadcast %mul3A_232 : f32 to vector<8x256xf32>
    %mul3A_234 = arith.mulf %mul3A_233, %add3A_228 : vector<8x256xf32>
    %select_n3A_235 = arith.select %ge3A_231, %add3A_228, %mul3A_234 : vector<8x256xi1>, vector<8x256xf32>
    %get3A_236 = arith.constant 0 : index
    %get3A_237 = arith.constant 0 : index
    %get3A_238 = vector.load %arg27[%get3A_236, %get3A_237] : memref<256x10xf32, #tpu.memory_space<vmem>>, vector<256x10xf32>
    %dot_general3A_239 = arith.constant dense<0.000000e+00> : vector<8x10xf32>
    %dot_general3A_240 = tpu.matmul %select_n3A_235, %get3A_238, %dot_general3A_239 {dimension_numbers = #tpu.dot_dimension_numbers<[1], [0], [0], [1], [0, 0, 1, 1], [], []>, transpose_lhs_hint = false} : vector<8x256xf32>, vector<256x10xf32>, vector<8x10xf32> -> vector<8x10xf32>
    %get3A_241 = arith.constant 0 : index
    %get3A_242 = arith.constant 0 : index
    %get3A_243 = vector.load %arg28[%get3A_241, %get3A_242] : memref<1x10xf32, #tpu.memory_space<vmem>>, vector<1x10xf32>
    %add3A_244 = vector.broadcast %get3A_243 : vector<1x10xf32> to vector<8x10xf32>
    %add3A_245 = arith.addf %dot_general3A_240, %add3A_244 : vector<8x10xf32>
    %swap3A_246 = arith.constant 0 : index
    %swap3A_247 = arith.constant 0 : index
    %swap3A_248 = vector.load %arg30[%swap3A_246, %swap3A_247] : memref<8x10xf32, #tpu.memory_space<vmem>>, vector<8x10xf32>
    tpu.vector_store %arg30[%swap3A_246, %swap3A_247], %add3A_245 {strides = array<i32>} : memref<8x10xf32, #tpu.memory_space<vmem>>, vector<8x10xf32>,
    return
  }
}

</mosaic_0001>

<sc_bundles>
// kernel: kernel.15.cloned.1.call-start
scs
__scs_entry_jumppad:
0x0: {  	(pc) =	sbr.rel $0x88, $3  }
0x1: {  	(tag) =	ssettag $0x0;
	lr =	simm.s32 $0x1  }
0x2: {  	[smem:$0x3F7F] =	sst lr;
	_ =	strace $0xD0000000  }
0x3: {  	_ = 	snop  }
0x4: {  	_ = 	snop  }
0x5: {  	_ = 	snop  }
0x6: {  	_ = 	snop  }
0x7: {  	_ = 	snop  }
__scs_overlays_trampoline_lowered:
0x8: {  	[smem:$0x3F8E] =	sst s0  }
0x9: {  	[smem:$0x3F8F] =	sst s1  }
0xa: {  	[smem:$0x3F90] =	sst s2  }
0xb: {  	[smem:$0x3F91] =	sst s3  }
0xc: {  	[smem:$0x3F92] =	sst s4  }
0xd: {  	[smem:$0x3F93] =	sst s5  }
0xe: {  	[smem:$0x3F94] =	sst s6  }
0xf: {  	[smem:$0x3F95] =	sst s7  }
0x10: {  	[smem:$0x3F96] =	sst s8  }
0x11: {  	[smem:$0x3F97] =	sst s9;
	s0 =	simm.s32 @!p0 $0x0  }
0x12: {  	s1 =	sld [smem:$0x3F7D];
	s0 =	simm.s32 @p0 $0x1  }
0x13: {  	[smem:$0x3F98] =	sst s0;
	s0 =	simm.s32 @!p1 $0x0  }
0x14: {  	s2 =	sld [smem:$0x3F7C];
	s0 =	simm.s32 @p1 $0x1  }
0x15: {  	[smem:$0x3F99] =	sst s0;
	s0 =	simm.s32 @!p2 $0x0  }
0x16: {  	s3 =	sld [smem:$0x3FDB];
	s0 =	simm.s32 @p2 $0x1  }
0x17: {  	s4 =	simm.s32 $0x1BF5;
	[smem:$0x3F9B] =	sst s0  }
0x18: {  	s0 =	sld [smem:$0x3F7E];
	_ =	swait.ge [sflag:s4], $0x0  }
0x19: {  	s7 =	sld [smem:$0x3F7F]  }
0x1a: {  	s8 =	sadd.s32 $0xFFFFE003, lr  }
0x1b: {  	s9 =	sadd.s32 $0xFFFFFEF7, lr;
	s5 =	simm.s32 $0xFFFFFFFF;
	p2 =	slt.u32 s8, $0xFFFFF086  }
0x1c: {  	p1 =	slt.u32 s9, $0xF7A;
	s5 =	simm.s32 @!p2 $0x0  }
0x1d: {  	s5 =	simm.s32 @p1 $0x1;
	p0 =	seq.s32 s7, s2  }
0x1e: {  	s7 =	smul.u32 @!p0 $0xF7A, s2;
	p2 =	seq.s32 @!p0 s5, $0x0  }
0x1f: {  	s9 =	smul.u32 $0xF7A, s1;
	s8 =	simm.s32 @!p0 $0x1BF5;
	p2 =	por !p2, p0  }
0x20: {  	[sflag:s8] =	ssyncset.s32 @!p0 $0xFFFFF086;
	s6 =	sadd.s32 @!p0 s3, s7;
	s7 =	simm.s32 @!p0 $0x108  }
0x21: {  	s3 =	sadd.s32 s3, s9;
	s6 =	sadd.s32 @!p0 $0x88, s6;
	s7 =	simm.s32 @p2 $0x1082  }
0x22: {  	[simem:s7], [sflag:s8] =	dma.local @!p0 [hbm:s6], $0xF7A  }
0x23: {  	s9 =	sor.u32 $0xD0000000, s2;
	s6 =	simm.s32 $0x108;
	_ =	swait.ge @!p0 [sflag:s8], $0x0  }
0x24: {  	s3 =	sadd.s32 $0x88, s3;
	s6 =	simm.s32 @!p1 $0x1082;
	[sflag:s4] =	ssyncset.s32 $0xFFFFF086  }
0x25: {  	[simem:s6], [sflag:s4] =	dma.local [hbm:s3], $0xF7A  }
0x26: {  	[smem:$0x3F7F] =	sst s1;
	(tag) =	ssettag s2;
	_ =	strace s9  }
0x27: {  	s1 =	sld [smem:$0x3F8F]  }
0x28: {  	s2 =	sld [smem:$0x3F90]  }
0x29: {  	s4 =	sld [smem:$0x3F92]  }
0x2a: {  	p0 =	seq.s32 s5, $0x0;
	s5 =	sld [smem:$0x3F93]  }
0x2b: {  	s6 =	sld [smem:$0x3F94]  }
0x2c: {  	s7 =	sld [smem:$0x3F95]  }
0x2d: {  	s3 =	simm.s32 $0x108;
	s8 =	sld [smem:$0x3F96]  }
0x2e: {  	s3 =	simm.s32 @!p0 $0x1082;
	s9 =	sld [smem:$0x3F97]  }
0x2f: {  	lr =	sadd.s32 s0, s3;
	s0 =	sld [smem:$0x3F8E]  }
0x30: {  	s3 =	sld [smem:$0x3F91]  }
0x31: {  	[smem:$0x3F9A] =	sst s10  }
0x32: {  	s10 =	sld [smem:$0x3F98];
	_ =	sdelay $0x3  }
0x33: {  	p0 =	seq.s32 s10, $0x1;
	s10 =	sld [smem:$0x3F9A];
	_ =	sdelay $0x3  }
0x34: {  	[smem:$0x3F9A] =	sst s10  }
0x35: {  	s10 =	sld [smem:$0x3F99];
	_ =	sdelay $0x3  }
0x36: {  	p1 =	seq.s32 s10, $0x1;
	s10 =	sld [smem:$0x3F9A];
	_ =	sdelay $0x3  }
0x37: {  	[smem:$0x3F9A] =	sst s10  }
0x38: {  	s10 =	sld [smem:$0x3F9B]  }
0x39: {  	_ = 	snop;
	(pc) =	sbr.ind lr, $3  }
0x3a: {  	_ = 	snop  }
0x3b: {  	_ = 	snop  }
0x3c: {  	p2 =	seq.s32 s10, $0x1;
	s10 =	sld [smem:$0x3F9A]  }
0x3d: {  	_ =	shalt  }
0x3e: {  	_ =	shalt  }
0x3f: {  	_ =	shalt  }
0x40: {  	_ =	shalt  }
0x41: {  	_ =	shalt  }
0x42: {  	_ =	shalt  }
0x43: {  	_ =	shalt  }
0x44: {  	_ =	shalt  }
0x45: {  	_ =	shalt  }
0x46: {  	_ =	shalt  }
0x47: {  	_ =	shalt  }
0x48: {  	_ =	shalt  }
0x49: {  	_ =	shalt  }
0x4a: {  	_ =	shalt  }
0x4b: {  	_ =	shalt  }
0x4c: {  	_ =	shalt  }
0x4d: {  	_ =	shalt  }
0x4e: {  	_ =	shalt  }
0x4f: {  	_ =	shalt  }
0x50: {  	_ =	shalt  }
0x51: {  	_ =	shalt  }
0x52: {  	_ =	shalt  }
0x53: {  	_ =	shalt  }
0x54: {  	_ =	shalt  }
0x55: {  	_ =	shalt  }
0x56: {  	_ =	shalt  }
0x57: {  	_ =	shalt  }
0x58: {  	_ =	shalt  }
0x59: {  	_ =	shalt  }
0x5a: {  	_ =	shalt  }
0x5b: {  	_ =	shalt  }
0x5c: {  	_ =	shalt  }
0x5d: {  	_ =	shalt  }
0x5e: {  	_ =	shalt  }
0x5f: {  	_ =	shalt  }
0x60: {  	_ =	shalt  }
0x61: {  	_ =	shalt  }
0x62: {  	_ =	shalt  }
0x63: {  	_ =	shalt  }
0x64: {  	_ =	shalt  }
0x65: {  	_ =	shalt  }
0x66: {  	_ =	shalt  }
0x67: {  	_ =	shalt  }
0x68: {  	_ =	shalt  }
0x69: {  	_ =	shalt  }
0x6a: {  	_ =	shalt  }
0x6b: {  	_ =	shalt  }
0x6c: {  	_ =	shalt  }
0x6d: {  	_ =	shalt  }
0x6e: {  	_ =	shalt  }
0x6f: {  	_ =	shalt  }
0x70: {  	_ =	shalt  }
0x71: {  	_ =	shalt  }
0x72: {  	_ =	shalt  }
0x73: {  	_ =	shalt  }
0x74: {  	_ =	shalt  }
0x75: {  	_ =	shalt  }
0x76: {  	_ =	shalt  }
0x77: {  	_ =	shalt  }
0x78: {  	_ =	shalt  }
0x79: {  	_ =	shalt  }
0x7a: {  	_ =	shalt  }
0x7b: {  	_ =	shalt  }
0x7c: {  	_ =	shalt  }
0x7d: {  	_ =	shalt  }
0x7e: {  	_ =	shalt  }
0x7f: {  	_ =	shalt  }
0x80: {  	_ =	shalt  }
0x81: {  	_ =	shalt  }
0x82: {  	_ =	shalt  }
0x83: {  	_ =	shalt  }
0x84: {  	_ =	shalt  }
0x85: {  	_ =	shalt  }
0x86: {  	_ =	shalt  }
0x87: {  	_ =	shalt  }
.Lfunc_end0:
.L_simem_size_0:
called_computation_lowered:
.L_overlay_start_0:
0x88: {  	s2 =	sld [smem:$0x3FD9]  }
0x89: {  	s3 =	sld [smem:$0x3FFE];
	_ =	sdelay $0x1  }
0x8a: {  	s1 =	srdreg.scid  }
0x8b: {  	s0 =	sand.u32 $0x1, s1  }
0x8c: {  	s16 =	sshll.u32 s0, $0xA;
	s2 =	sadd.s32 s3, s2  }
0x8d: {  	s2 =	sadd.s32 s2, s16  }
0x8e: {  	[smem:$0x3FA6] =	sst s2  }
0x8f: {  	_ = 	snop  }
0x90: {  	(tm) =	ssettm $0x1  }
0x91: {  	s17 =	sld [smem:$0x3FFB];
	_ =	sdelay $0x3  }
0x92: {  	_ =	strace s17  }
0x93: {  	s2 =	sld [smem:$0x3FFC];
	_ =	sdelay $0x3  }
0x94: {  	_ =	strace s2  }
0x95: {  	s2 =	sld [smem:$0x3FFD];
	_ =	sdelay $0x3  }
0x96: {  	_ =	strace s2  }
0x97: {  	_ =	strace $0x8FFFFFFF  }
0x98: {  	s18 =	sld [smem:$0x3FDB];
	_ =	sdelay $0x1  }
0x99: {  	s19 =	simm.s32 $_scs_section_size  }
0x9a: {  	s4 =	simm.s32 $_size__tile_overlayer_lowered;
	s5 =	simm.s32 $_tile_overlayer_lowered  }
0x9b: {  	s22 =	simm.s32 $0x1BFF;
	s21 =	sshll.u32 s5, $0x1;
	s2 =	sadd.s32 s19, s18  }
0x9c: {  	s6 =	simm.s32 $0x0;
	s20 =	sshll.u32 s4, $0x1;
	s4 =	sadd.s32 s21, s2  }
0x9d: {  	[timem:s6], [sflag:s22] =	dma.local [hbm:s4], s20  }
0x9e: {  	_ =	swait.ge [sflag:s22], s20  }
0x9f: {  	s3 =	ssub.s32 $0x0, s20;
	[sflag:s22] =	ssyncset.done $0x0  }
0xa0: {  	[sflag:s22] =	ssyncadd.s32 s3;
	_ =	sdelay $0x1  }
0xa1: {  	s23 =	simm.s32 $0x1B8B  }
0xa2: {  	_ =	swait.ge [sflag:s23], $0x1  }
0xa3: {  	[sflag:s23] =	ssyncset.done $0x0  }
0xa4: {  	s25 =	simm.s32 $0x1B8E;
	s24 =	sld [smem:$0x3FFE];
	[sflag:s23] =	ssyncadd.s32 $0xFFFFFFFF  }
0xa5: {  	s26 =	simm.s32 $execute0_lowered;
	[smem:$0x3FD2] =	sst s25  }
0xa6: {  	s4 =	sshll.u32 s26, $0x1;
	_ =	strace $0x80000046;
	[dreg:$0x1] =	wrdreg $0xFFFFFFFF  }
0xa7: {  	s28 =	simm.s32 $_size_execute0_lowered;
	s2 =	sadd.s32 s2, s4;
	[dreg:$0x0] =	wrdreg $0x0  }
0xa8: {  	s4 =	sshll.u32 s28, $0x1;
	[dreg:$0x2] =	wrdreg s2  }
0xa9: {  	[dreg:$0x3] =	wrdreg s4  }
0xaa: {  	[dreg:$0x4] =	wrdreg $0xC0  }
0xab: {  	_ =	task [dreg:s6], $0x5FFFF  }
0xac: {  	[dreg:$0x1] =	wrdreg $0xFFFFFFFF  }
0xad: {  	[dreg:$0x0] =	wrdreg $0x60  }
0xae: {  	[dreg:$0x2] =	wrdreg s24  }
0xaf: {  	[dreg:$0x3] =	wrdreg $0x9  }
0xb0: {  	_ =	task.clear_ibuf [dreg:s6], $0x4FFFF;
	_ =	strace $0x90000046  }
0xb1: {  	s29 =	simm.s32 $0x9;
	_ =	strace $0x80000048  }
0xb2: {  	_ =	swait.ge [sflag:s29], $0x1  }
0xb3: {  	[sflag:s29] =	ssyncadd.s32 $0xFFFFFFFF  }
0xb4: {  	_ =	strace $0x90000048  }
0xb5: {  	_ =	sfence  }
0xb6: {  	s30 =	sld [smem:$0x0];
	_ =	sdelay $0x2  }
0xb7: {  	s31 =	sshll.u32 s1, $0xD;
	s1 =	sshrl.u32 s1, $0x2  }
0xb8: {  	s3 =	sand.u32 $0x4000, s31;
	s1 =	sadd.s32 s1, s30  }
0xb9: {  	s0 =	sor.u32 s3, s0;
	s1 =	sshll.u32 s1, $0x11  }
0xba: {  	s0 =	sor.u32 s1, s0  }
0xbb: {  	s0 =	sadd.s32 $0x8F2B, s0  }
0xbc: {  	[sflag:s0] =	ssyncadd.remote.s32 $0x1  }
0xbd: {  	_ =	sfence.sel $0xFFFF  }
0xbe: {  	[dreg:$0x0] =	wrdreg $0xFFFFFFFF;
	(pc) =	sbr.abs _section_cstart, $3  }
0xbf: {  	[dreg:$0x1] =	wrdreg $0xFFFFFFFF  }
0xc0: {  	_ =	task.clear_ibuf [dreg:s6], $0x2FFFF;
	_ =	strace $0x9FFFFFFF  }
0xc1: {  	(tm) =	ssettm $0x7FFFFFFF  }
tec
execute0_lowered:
.L_overlay_start_1:
0x0: {  	(tag) =	ssettag $0x1  }
0x1: {  	s1 =	srdreg.scid;
	s0 =	stileid.u32  }
0x2: {  	s4 =	rddreg [dreg:$0x0];
	s2 =	simm.s32 $0x0;
	s10 =	simm.s32 $0x3C00  }
0x3: {  	s11 =	simm.s32 $0xA0;
	s12 =	simm.s32 $0x6400;
	s13 =	simm.s32 $0xF0  }
0x4: {  	s14 =	simm.s32 $0x8C00;
	s15 =	simm.s32 $0x1;
	s16 =	simm.s32 $0x2  }
0x5: {  	s17 =	simm.s32 $0x3;
	s18 =	simm.s32 $0x4;
	s19 =	simm.s32 $0x5  }
0x6: {  	s20 =	simm.s32 $0x6;
	s21 =	simm.s32 $0x7;
	s22 =	simm.s32 $0x8  }
0x7: {  	s23 =	simm.s32 $0x0;
	s3 =	sand.u32 $0x1, s1;
	s1 =	rddreg [dreg:$0x1]  }
0x8: {  	s5 =	sshll.u32 s0, $0x1;
	[smem:$0x7FF] =	sst s2;
	s6 =	smul.u32 $0x28000, s0  }
0x9: {  	s5 =	sor.u32 s3, s5;
	_ =	strace $0x80000047;
	s9 =	smul.u32 $0x14000, s3  }
.Ltmp0:
0xa: {  	s7 =	ssub.s32 $0x2, s3;
	s3 =	sadd.s32 $0x7000, s4;
	(pc) =	sbr.rel .LBB2_1-.Ltmp0, $4  }
0xb: {  	s5 =	smul.u32 $0x280, s5;
	s8 =	sshrl.u32 s7, $0x1;
	s6 =	sadd.s32 s6, s4  }
0xc: {  	s7 =	ssub.s32 s7, s8;
	s6 =	sadd.s32 s9, s6;
	s8 =	simm.s32 $0x50  }
0xd: {  	s9 =	simm.s32 $0x1400;
	s5 =	sadd.s32 s5, s4;
	s6 =	sadd.s32 $0x2C000, s6  }
0xe: {  	s4 =	sadd.s32 $0x27000, s5;
	s5 =	smax.u32 s7, $0x1;
	s7 =	simm.s32 $0x9  }
.LBB2_4:
0xf: {  	_ =	swait.ge [sflag:s19], $0x2800  }
0x10: {  	[sflag:s19] =	ssyncset.done $0x0  }
0x11: {  	[sflag:s19] =	ssyncadd.s32 $0xFFFFD800  }
0x12: {  	_ =	swait.ge [sflag:s20], $0x2800  }
0x13: {  	[sflag:s20] =	ssyncset.done $0x0  }
0x14: {  	s23 =	sadd.s32 $0x1, s23;
	[sflag:s20] =	ssyncadd.s32 $0xFFFFD800  }
0x15: {  	p0 =	sne.s32 s23, s5;
	_ =	swait.ge [sflag:s21], $0x2800  }
.Ltmp1:
0x16: {  	[sflag:s21] =	ssyncset.done $0x0;
	(pc) =	sbr.rel @!p0 .LBB2_5-.Ltmp1, $4  }
0x17: {  	[sflag:s21] =	ssyncadd.s32 $0xFFFFD800  }
0x18: {  	_ =	swait.ge [sflag:s22], $0x2800  }
0x19: {  	[sflag:s22] =	ssyncset.done $0x0  }
0x1a: {  	[sflag:s22] =	ssyncadd.s32 $0xFFFFD800  }
.LBB2_1:
0x1b: {  	[tilespmem:s2], [sflag:$0x9] =	stream.linear.gather [hbm4b:s4+s2], $0x1400, $0x38;
	[tilespmem:$0xB400] =	vst v63  }
0x1c: {  	_ =	swait.ge [sflag:s7], $0x1400  }
0x1d: {  	[sflag:s7] =	ssyncset.done $0x0  }
0x1e: {  	[sflag:s7] =	ssyncadd.s32 $0xFFFFEC00  }
0x1f: {  	[tilespmem:s9], [sflag:$0x1] =	stream.indirect.gather [hbm4b:s3+s8], $0x80, s2, s8, $0xb8;
	[tilespmem:$0xB400] =	vst v63  }
0x20: {  	_ = 	snop  }
0x21: {  	[tilespmem:s10], [sflag:$0x2] =	stream.indirect.gather [hbm4b:s3+s8], $0x80, s8, s8, $0xb8;
	[tilespmem:$0xB400] =	vst v63  }
0x22: {  	_ = 	snop  }
0x23: {  	[tilespmem:s12], [sflag:$0x3] =	stream.indirect.gather [hbm4b:s3+s8], $0x80, s11, s8, $0xb8;
	[tilespmem:$0xB400] =	vst v63  }
0x24: {  	s24 =	smov.u32 s6;
	s25 =	simm.s32 $0x0  }
0x25: {  	[tilespmem:s14], [sflag:$0x4] =	stream.indirect.gather [hbm4b:s3+s8], $0x80, s13, s8, $0xb8;
	[tilespmem:$0xB400] =	vst v63  }
.LBB2_2:
0x26: {  	_ =	swait.ge [sflag:s15], $0x2800  }
0x27: {  	p0 =	seq.s32 s25, $0x4B00;
	[sflag:s15] =	ssyncset.done $0x0  }
0x28: {  	s26 =	simm.s32 @!p0 $0x5;
	[sflag:s15] =	ssyncadd.s32 $0xFFFFD800  }
0x29: {  	[hbm4b:s24+s2] =	stream.linear.scatter [tilespmem:s9], [sflag:$0x5], $0x2800, $0x38;
	[tilespmem:$0xB400] =	vst v63  }
0x2a: {  	_ =	swait.ge @!p0 [sflag:s26], $0x2800  }
0x2b: {  	[sflag:s26] =	ssyncset.done @!p0 $0x0  }
0x2c: {  	[sflag:s26] =	ssyncadd.s32 @!p0 $0xFFFFD800;
	s26 =	sshra.s32 @!p0 s25, $0x2  }
0x2d: {  	s29 =	simm.s32 @!p0 $0x50;
	s30 =	simm.s32 @!p0 $0x1400;
	s28 =	sadd.s32 @!p0 $0x140, s26  }
0x2e: {  	[tilespmem:s30], [sflag:$0x1] =	stream.indirect.gather @!p0 [hbm4b:s3+s29], $0x80, s28, s29, $0xb8;
	[tilespmem:$0xB400] =	vst v63  }
0x2f: {  	_ =	swait.ge [sflag:s16], $0x2800  }
0x30: {  	[sflag:s16] =	ssyncset.done $0x0  }
0x31: {  	s31 =	sadd.s32 $0x500, s24;
	s28 =	simm.s32 @!p0 $0x6;
	[sflag:s16] =	ssyncadd.s32 $0xFFFFD800  }
0x32: {  	[hbm4b:s31+s2] =	stream.linear.scatter [tilespmem:s10], [sflag:$0x6], $0x2800, $0x38;
	[tilespmem:$0xB400] =	vst v63  }
0x33: {  	_ =	swait.ge @!p0 [sflag:s28], $0x2800  }
0x34: {  	[sflag:s28] =	ssyncset.done @!p0 $0x0  }
0x35: {  	s30 =	simm.s32 @!p0 $0x3C00;
	[sflag:s28] =	ssyncadd.s32 @!p0 $0xFFFFD800;
	s28 =	sadd.s32 @!p0 $0x190, s26  }
0x36: {  	[tilespmem:s30], [sflag:$0x2] =	stream.indirect.gather @!p0 [hbm4b:s3+s29], $0x80, s28, s29, $0xb8;
	[tilespmem:$0xB400] =	vst v63  }
0x37: {  	_ =	swait.ge [sflag:s17], $0x2800  }
0x38: {  	[sflag:s17] =	ssyncset.done $0x0  }
0x39: {  	s30 =	sadd.s32 $0xA00, s24;
	s28 =	simm.s32 @!p0 $0x7;
	[sflag:s17] =	ssyncadd.s32 $0xFFFFD800  }
0x3a: {  	[hbm4b:s30+s2] =	stream.linear.scatter [tilespmem:s12], [sflag:$0x7], $0x2800, $0x38;
	[tilespmem:$0xB400] =	vst v63  }
0x3b: {  	_ =	swait.ge @!p0 [sflag:s28], $0x2800  }
0x3c: {  	[sflag:s28] =	ssyncset.done @!p0 $0x0  }
0x3d: {  	s26 =	sadd.s32 @!p0 $0x1E0, s26;
	[sflag:s28] =	ssyncadd.s32 @!p0 $0xFFFFD800;
	s28 =	simm.s32 @!p0 $0x6400  }
0x3e: {  	[tilespmem:s28], [sflag:$0x3] =	stream.indirect.gather @!p0 [hbm4b:s3+s29], $0x80, s26, s29, $0xb8;
	[tilespmem:$0xB400] =	vst v63  }
.Ltmp2:
0x3f: {  	_ = 	snop;
	(pc) =	sbr.rel @p0 .LBB2_4-.Ltmp2, $4  }
0x40: {  	_ =	swait.ge [sflag:s18], $0x2800  }
0x41: {  	[sflag:s18] =	ssyncset.done $0x0  }
0x42: {  	s31 =	sadd.s32 $0xF00, s24;
	[sflag:s18] =	ssyncadd.s32 $0xFFFFD800  }
0x43: {  	[hbm4b:s31+s2] =	stream.linear.scatter [tilespmem:s14], [sflag:$0x8], $0x2800, $0x38;
	[tilespmem:$0xB400] =	vst v63  }
.Ltmp3:
0x44: {  	(pc) =	sbr.rel .LBB2_2-.Ltmp3, $4  }
0x45: {  	_ =	swait.ge [sflag:s22], $0x2800  }
0x46: {  	s26 =	sshra.s32 s25, $0x2;
	s25 =	sadd.s32 $0x500, s25;
	[sflag:s22] =	ssyncset.done $0x0  }
0x47: {  	s24 =	sadd.s32 $0x1400, s24;
	s26 =	sadd.s32 $0x230, s26;
	[sflag:s22] =	ssyncadd.s32 $0xFFFFD800  }
0x48: {  	[tilespmem:s14], [sflag:$0x4] =	stream.indirect.gather [hbm4b:s3+s8], $0x80, s26, s8, $0xb8;
	[tilespmem:$0xB400] =	vst v63  }
.LBB2_5:
0x49: {  	_ =	sfence.sel $0x180000  }
0x4a: {  	[bflag:$0x0] =	sbarrier.arrive $0xFFFF  }
0x4b: {  	p0 =	sne.s32 s0, $0x0;
	_ =	strace $0x90000047  }
0x4c: {  	s0 =	sadd.s32 @!p0 $0x100000, s1;
	[bflag:$0x2] =	sbarrier.arrive $0xFFFF  }
0x4d: {  	[sflag:s0] =	ssyncadd.tile.s32 @!p0 $0x1;
	_ =	shalt  }
.Lfunc_end2:
_tile_overlayer_lowered:
.L_overlay_start_2:
0x4e: {  	(tag) =	ssettag $0x2  }
0x4f: {  	s0 =	rddreg [dreg:$0x0];
	s2 =	stileid.u32  }
0x50: {  	s1 =	rddreg [dreg:$0x1];
	p0 =	sne.s32 s2, $0x0  }
0x51: {  	s3 =	rddreg [dreg:$0x2];
	[bflag:$0x3] =	sbarrier.arrive $0xFFFF;
	s2 =	simm.s32 @!p0 $0x1C09  }
0x52: {  	[timem:s3], [sflag:s2] =	dma.local @!p0 [hbm:s0], s1  }
0x53: {  	s0 =	simm.s32 @!p0 $0x9  }
0x54: {  	_ =	swait.ge @!p0 [sflag:s0], s1  }
0x55: {  	s1 =	ssub.s32 @!p0 $0x0, s1;
	[sflag:s0] =	ssyncset.done @!p0 $0x0  }
0x56: {  	[sflag:s0] =	ssyncadd.s32 @!p0 s1  }
0x57: {  	[bflag:$0x3] =	sbarrier.arrive $0xFFFF  }
0x58: {  	_ =	shalt  }

// kernel: kernel.18.cloned.1.call-start
scs
__scs_entry_jumppad:
0x0: {  	(pc) =	sbr.rel $0x88, $3  }
0x1: {  	(tag) =	ssettag $0x0;
	lr =	simm.s32 $0x1  }
0x2: {  	[smem:$0x3F7F] =	sst lr;
	_ =	strace $0xD0000000  }
0x3: {  	_ = 	snop  }
0x4: {  	_ = 	snop  }
0x5: {  	_ = 	snop  }
0x6: {  	_ = 	snop  }
0x7: {  	_ = 	snop  }
__scs_overlays_trampoline_lowered:
0x8: {  	[smem:$0x3F8E] =	sst s0  }
0x9: {  	[smem:$0x3F8F] =	sst s1  }
0xa: {  	[smem:$0x3F90] =	sst s2  }
0xb: {  	[smem:$0x3F91] =	sst s3  }
0xc: {  	[smem:$0x3F92] =	sst s4  }
0xd: {  	[smem:$0x3F93] =	sst s5  }
0xe: {  	[smem:$0x3F94] =	sst s6  }
0xf: {  	[smem:$0x3F95] =	sst s7  }
0x10: {  	[smem:$0x3F96] =	sst s8  }
0x11: {  	[smem:$0x3F97] =	sst s9;
	s0 =	simm.s32 @!p0 $0x0  }
0x12: {  	s1 =	sld [smem:$0x3F7D];
	s0 =	simm.s32 @p0 $0x1  }
0x13: {  	[smem:$0x3F98] =	sst s0;
	s0 =	simm.s32 @!p1 $0x0  }
0x14: {  	s2 =	sld [smem:$0x3F7C];
	s0 =	simm.s32 @p1 $0x1  }
0x15: {  	[smem:$0x3F99] =	sst s0;
	s0 =	simm.s32 @!p2 $0x0  }
0x16: {  	s3 =	sld [smem:$0x3FDB];
	s0 =	simm.s32 @p2 $0x1  }
0x17: {  	s4 =	simm.s32 $0x1BF5;
	[smem:$0x3F9B] =	sst s0  }
0x18: {  	s0 =	sld [smem:$0x3F7E];
	_ =	swait.ge [sflag:s4], $0x0  }
0x19: {  	s7 =	sld [smem:$0x3F7F]  }
0x1a: {  	s8 =	sadd.s32 $0xFFFFE003, lr  }
0x1b: {  	s9 =	sadd.s32 $0xFFFFFEF7, lr;
	s5 =	simm.s32 $0xFFFFFFFF;
	p2 =	slt.u32 s8, $0xFFFFF086  }
0x1c: {  	p1 =	slt.u32 s9, $0xF7A;
	s5 =	simm.s32 @!p2 $0x0  }
0x1d: {  	s5 =	simm.s32 @p1 $0x1;
	p0 =	seq.s32 s7, s2  }
0x1e: {  	s7 =	smul.u32 @!p0 $0xF7A, s2;
	p2 =	seq.s32 @!p0 s5, $0x0  }
0x1f: {  	s9 =	smul.u32 $0xF7A, s1;
	s8 =	simm.s32 @!p0 $0x1BF5;
	p2 =	por !p2, p0  }
0x20: {  	[sflag:s8] =	ssyncset.s32 @!p0 $0xFFFFF086;
	s6 =	sadd.s32 @!p0 s3, s7;
	s7 =	simm.s32 @!p0 $0x108  }
0x21: {  	s3 =	sadd.s32 s3, s9;
	s6 =	sadd.s32 @!p0 $0x88, s6;
	s7 =	simm.s32 @p2 $0x1082  }
0x22: {  	[simem:s7], [sflag:s8] =	dma.local @!p0 [hbm:s6], $0xF7A  }
0x23: {  	s9 =	sor.u32 $0xD0000000, s2;
	s6 =	simm.s32 $0x108;
	_ =	swait.ge @!p0 [sflag:s8], $0x0  }
0x24: {  	s3 =	sadd.s32 $0x88, s3;
	s6 =	simm.s32 @!p1 $0x1082;
	[sflag:s4] =	ssyncset.s32 $0xFFFFF086  }
0x25: {  	[simem:s6], [sflag:s4] =	dma.local [hbm:s3], $0xF7A  }
0x26: {  	[smem:$0x3F7F] =	sst s1;
	(tag) =	ssettag s2;
	_ =	strace s9  }
0x27: {  	s1 =	sld [smem:$0x3F8F]  }
0x28: {  	s2 =	sld [smem:$0x3F90]  }
0x29: {  	s4 =	sld [smem:$0x3F92]  }
0x2a: {  	p0 =	seq.s32 s5, $0x0;
	s5 =	sld [smem:$0x3F93]  }
0x2b: {  	s6 =	sld [smem:$0x3F94]  }
0x2c: {  	s7 =	sld [smem:$0x3F95]  }
0x2d: {  	s3 =	simm.s32 $0x108;
	s8 =	sld [smem:$0x3F96]  }
0x2e: {  	s3 =	simm.s32 @!p0 $0x1082;
	s9 =	sld [smem:$0x3F97]  }
0x2f: {  	lr =	sadd.s32 s0, s3;
	s0 =	sld [smem:$0x3F8E]  }
0x30: {  	s3 =	sld [smem:$0x3F91]  }
0x31: {  	[smem:$0x3F9A] =	sst s10  }
0x32: {  	s10 =	sld [smem:$0x3F98];
	_ =	sdelay $0x3  }
0x33: {  	p0 =	seq.s32 s10, $0x1;
	s10 =	sld [smem:$0x3F9A];
	_ =	sdelay $0x3  }
0x34: {  	[smem:$0x3F9A] =	sst s10  }
0x35: {  	s10 =	sld [smem:$0x3F99];
	_ =	sdelay $0x3  }
0x36: {  	p1 =	seq.s32 s10, $0x1;
	s10 =	sld [smem:$0x3F9A];
	_ =	sdelay $0x3  }
0x37: {  	[smem:$0x3F9A] =	sst s10  }
0x38: {  	s10 =	sld [smem:$0x3F9B]  }
0x39: {  	_ = 	snop;
	(pc) =	sbr.ind lr, $3  }
0x3a: {  	_ = 	snop  }
0x3b: {  	_ = 	snop  }
0x3c: {  	p2 =	seq.s32 s10, $0x1;
	s10 =	sld [smem:$0x3F9A]  }
0x3d: {  	_ =	shalt  }
0x3e: {  	_ =	shalt  }
0x3f: {  	_ =	shalt  }
0x40: {  	_ =	shalt  }
0x41: {  	_ =	shalt  }
0x42: {  	_ =	shalt  }
0x43: {  	_ =	shalt  }
0x44: {  	_ =	shalt  }
0x45: {  	_ =	shalt  }
0x46: {  	_ =	shalt  }
0x47: {  	_ =	shalt  }
0x48: {  	_ =	shalt  }
0x49: {  	_ =	shalt  }
0x4a: {  	_ =	shalt  }
0x4b: {  	_ =	shalt  }
0x4c: {  	_ =	shalt  }
0x4d: {  	_ =	shalt  }
0x4e: {  	_ =	shalt  }
0x4f: {  	_ =	shalt  }
0x50: {  	_ =	shalt  }
0x51: {  	_ =	shalt  }
0x52: {  	_ =	shalt  }
0x53: {  	_ =	shalt  }
0x54: {  	_ =	shalt  }
0x55: {  	_ =	shalt  }
0x56: {  	_ =	shalt  }
0x57: {  	_ =	shalt  }
0x58: {  	_ =	shalt  }
0x59: {  	_ =	shalt  }
0x5a: {  	_ =	shalt  }
0x5b: {  	_ =	shalt  }
0x5c: {  	_ =	shalt  }
0x5d: {  	_ =	shalt  }
0x5e: {  	_ =	shalt  }
0x5f: {  	_ =	shalt  }
0x60: {  	_ =	shalt  }
0x61: {  	_ =	shalt  }
0x62: {  	_ =	shalt  }
0x63: {  	_ =	shalt  }
0x64: {  	_ =	shalt  }
0x65: {  	_ =	shalt  }
0x66: {  	_ =	shalt  }
0x67: {  	_ =	shalt  }
0x68: {  	_ =	shalt  }
0x69: {  	_ =	shalt  }
0x6a: {  	_ =	shalt  }
0x6b: {  	_ =	shalt  }
0x6c: {  	_ =	shalt  }
0x6d: {  	_ =	shalt  }
0x6e: {  	_ =	shalt  }
0x6f: {  	_ =	shalt  }
0x70: {  	_ =	shalt  }
0x71: {  	_ =	shalt  }
0x72: {  	_ =	shalt  }
0x73: {  	_ =	shalt  }
0x74: {  	_ =	shalt  }
0x75: {  	_ =	shalt  }
0x76: {  	_ =	shalt  }
0x77: {  	_ =	shalt  }
0x78: {  	_ =	shalt  }
0x79: {  	_ =	shalt  }
0x7a: {  	_ =	shalt  }
0x7b: {  	_ =	shalt  }
0x7c: {  	_ =	shalt  }
0x7d: {  	_ =	shalt  }
0x7e: {  	_ =	shalt  }
0x7f: {  	_ =	shalt  }
0x80: {  	_ =	shalt  }
0x81: {  	_ =	shalt  }
0x82: {  	_ =	shalt  }
0x83: {  	_ =	shalt  }
0x84: {  	_ =	shalt  }
0x85: {  	_ =	shalt  }
0x86: {  	_ =	shalt  }
0x87: {  	_ =	shalt  }
.Lfunc_end0:
.L_simem_size_0:
called_computation.1_lowered:
.L_overlay_start_0:
0x88: {  	s2 =	sld [smem:$0x3FD9]  }
0x89: {  	s3 =	sld [smem:$0x3FFE];
	_ =	sdelay $0x1  }
0x8a: {  	s1 =	srdreg.scid  }
0x8b: {  	s0 =	sand.u32 $0x1, s1  }
0x8c: {  	s16 =	sshll.u32 s0, $0xA;
	s2 =	sadd.s32 s3, s2  }
0x8d: {  	s2 =	sadd.s32 s2, s16  }
0x8e: {  	[smem:$0x3FA6] =	sst s2  }
0x8f: {  	_ = 	snop  }
0x90: {  	(tm) =	ssettm $0x1  }
0x91: {  	s17 =	sld [smem:$0x3FFB];
	_ =	sdelay $0x3  }
0x92: {  	_ =	strace s17  }
0x93: {  	s2 =	sld [smem:$0x3FFC];
	_ =	sdelay $0x3  }
0x94: {  	_ =	strace s2  }
0x95: {  	s2 =	sld [smem:$0x3FFD];
	_ =	sdelay $0x3  }
0x96: {  	_ =	strace s2  }
0x97: {  	_ =	strace $0x8FFFFFFF  }
0x98: {  	s18 =	sld [smem:$0x3FDB];
	_ =	sdelay $0x1  }
0x99: {  	s19 =	simm.s32 $_scs_section_size  }
0x9a: {  	s4 =	simm.s32 $_size__tile_overlayer_lowered;
	s5 =	simm.s32 $_tile_overlayer_lowered  }
0x9b: {  	s22 =	simm.s32 $0x1BFF;
	s21 =	sshll.u32 s5, $0x1;
	s2 =	sadd.s32 s19, s18  }
0x9c: {  	s6 =	simm.s32 $0x0;
	s20 =	sshll.u32 s4, $0x1;
	s4 =	sadd.s32 s21, s2  }
0x9d: {  	[timem:s6], [sflag:s22] =	dma.local [hbm:s4], s20  }
0x9e: {  	_ =	swait.ge [sflag:s22], s20  }
0x9f: {  	s3 =	ssub.s32 $0x0, s20;
	[sflag:s22] =	ssyncset.done $0x0  }
0xa0: {  	[sflag:s22] =	ssyncadd.s32 s3;
	_ =	sdelay $0x1  }
0xa1: {  	s23 =	simm.s32 $0x1B8B  }
0xa2: {  	_ =	swait.ge [sflag:s23], $0x1  }
0xa3: {  	[sflag:s23] =	ssyncset.done $0x0  }
0xa4: {  	s25 =	simm.s32 $0x1B8E;
	s24 =	sld [smem:$0x3FFE];
	[sflag:s23] =	ssyncadd.s32 $0xFFFFFFFF  }
0xa5: {  	s26 =	simm.s32 $execute0_lowered;
	[smem:$0x3FD2] =	sst s25  }
0xa6: {  	s4 =	sshll.u32 s26, $0x1;
	_ =	strace $0x80000049;
	[dreg:$0x1] =	wrdreg $0xFFFFFFFF  }
0xa7: {  	s28 =	simm.s32 $_size_execute0_lowered;
	s2 =	sadd.s32 s2, s4;
	[dreg:$0x0] =	wrdreg $0x0  }
0xa8: {  	s4 =	sshll.u32 s28, $0x1;
	[dreg:$0x2] =	wrdreg s2  }
0xa9: {  	[dreg:$0x3] =	wrdreg s4  }
0xaa: {  	[dreg:$0x4] =	wrdreg $0xC0  }
0xab: {  	_ =	task [dreg:s6], $0x5FFFF  }
0xac: {  	[dreg:$0x1] =	wrdreg $0xFFFFFFFF  }
0xad: {  	[dreg:$0x0] =	wrdreg $0x60  }
0xae: {  	[dreg:$0x2] =	wrdreg s24  }
0xaf: {  	[dreg:$0x3] =	wrdreg $0x9  }
0xb0: {  	_ =	task.clear_ibuf [dreg:s6], $0x4FFFF;
	_ =	strace $0x90000049  }
0xb1: {  	s29 =	simm.s32 $0x9;
	_ =	strace $0x8000004B  }
0xb2: {  	_ =	swait.ge [sflag:s29], $0x1  }
0xb3: {  	[sflag:s29] =	ssyncadd.s32 $0xFFFFFFFF  }
0xb4: {  	_ =	strace $0x9000004B  }
0xb5: {  	_ =	sfence  }
0xb6: {  	s30 =	sld [smem:$0x0];
	_ =	sdelay $0x2  }
0xb7: {  	s31 =	sshll.u32 s1, $0xD;
	s1 =	sshrl.u32 s1, $0x2  }
0xb8: {  	s3 =	sand.u32 $0x4000, s31;
	s1 =	sadd.s32 s1, s30  }
0xb9: {  	s0 =	sor.u32 s3, s0;
	s1 =	sshll.u32 s1, $0x11  }
0xba: {  	s0 =	sor.u32 s1, s0  }
0xbb: {  	s0 =	sadd.s32 $0x8F2B, s0  }
0xbc: {  	[sflag:s0] =	ssyncadd.remote.s32 $0x1  }
0xbd: {  	_ =	sfence.sel $0xFFFF  }
0xbe: {  	[dreg:$0x0] =	wrdreg $0xFFFFFFFF;
	(pc) =	sbr.abs _section_cstart, $3  }
0xbf: {  	[dreg:$0x1] =	wrdreg $0xFFFFFFFF  }
0xc0: {  	_ =	task.clear_ibuf [dreg:s6], $0x2FFFF;
	_ =	strace $0x9FFFFFFF  }
0xc1: {  	(tm) =	ssettm $0x7FFFFFFF  }
tec
execute0_lowered:
.L_overlay_start_1:
0x0: {  	(tag) =	ssettag $0x1  }
0x1: {  	s1 =	srdreg.scid;
	s0 =	stileid.u32  }
0x2: {  	s4 =	rddreg [dreg:$0x0];
	s2 =	simm.s32 $0x0;
	s10 =	simm.s32 $0x3C00  }
0x3: {  	s11 =	simm.s32 $0xA0;
	s12 =	simm.s32 $0x6400;
	s13 =	simm.s32 $0xF0  }
0x4: {  	s14 =	simm.s32 $0x8C00;
	s15 =	simm.s32 $0x1;
	s16 =	simm.s32 $0x2  }
0x5: {  	s17 =	simm.s32 $0x3;
	s18 =	simm.s32 $0x4;
	s19 =	simm.s32 $0x5  }
0x6: {  	s20 =	simm.s32 $0x6;
	s21 =	simm.s32 $0x7;
	s22 =	simm.s32 $0x8  }
0x7: {  	s23 =	simm.s32 $0x0;
	s3 =	sand.u32 $0x1, s1;
	s1 =	rddreg [dreg:$0x1]  }
0x8: {  	s5 =	sshll.u32 s0, $0x1;
	[smem:$0x7FF] =	sst s2;
	s6 =	smul.u32 $0x28000, s0  }
0x9: {  	s5 =	sor.u32 s3, s5;
	_ =	strace $0x8000004A;
	s9 =	smul.u32 $0x14000, s3  }
.Ltmp0:
0xa: {  	s7 =	ssub.s32 $0x2, s3;
	s3 =	sadd.s32 $0x7000, s4;
	(pc) =	sbr.rel .LBB2_1-.Ltmp0, $4  }
0xb: {  	s5 =	smul.u32 $0x280, s5;
	s8 =	sshrl.u32 s7, $0x1;
	s6 =	sadd.s32 s6, s4  }
0xc: {  	s7 =	ssub.s32 s7, s8;
	s6 =	sadd.s32 s9, s6;
	s8 =	simm.s32 $0x50  }
0xd: {  	s9 =	simm.s32 $0x1400;
	s5 =	sadd.s32 s5, s4;
	s6 =	sadd.s32 $0x4C000, s6  }
0xe: {  	s4 =	sadd.s32 $0x47000, s5;
	s5 =	smax.u32 s7, $0x1;
	s7 =	simm.s32 $0x9  }
.LBB2_4:
0xf: {  	_ =	swait.ge [sflag:s19], $0x2800  }
0x10: {  	[sflag:s19] =	ssyncset.done $0x0  }
0x11: {  	[sflag:s19] =	ssyncadd.s32 $0xFFFFD800  }
0x12: {  	_ =	swait.ge [sflag:s20], $0x2800  }
0x13: {  	[sflag:s20] =	ssyncset.done $0x0  }
0x14: {  	s23 =	sadd.s32 $0x1, s23;
	[sflag:s20] =	ssyncadd.s32 $0xFFFFD800  }
0x15: {  	p0 =	sne.s32 s23, s5;
	_ =	swait.ge [sflag:s21], $0x2800  }
.Ltmp1:
0x16: {  	[sflag:s21] =	ssyncset.done $0x0;
	(pc) =	sbr.rel @!p0 .LBB2_5-.Ltmp1, $4  }
0x17: {  	[sflag:s21] =	ssyncadd.s32 $0xFFFFD800  }
0x18: {  	_ =	swait.ge [sflag:s22], $0x2800  }
0x19: {  	[sflag:s22] =	ssyncset.done $0x0  }
0x1a: {  	[sflag:s22] =	ssyncadd.s32 $0xFFFFD800  }
.LBB2_1:
0x1b: {  	[tilespmem:s2], [sflag:$0x9] =	stream.linear.gather [hbm4b:s4+s2], $0x1400, $0x38;
	[tilespmem:$0xB400] =	vst v63  }
0x1c: {  	_ =	swait.ge [sflag:s7], $0x1400  }
0x1d: {  	[sflag:s7] =	ssyncset.done $0x0  }
0x1e: {  	[sflag:s7] =	ssyncadd.s32 $0xFFFFEC00  }
0x1f: {  	[tilespmem:s9], [sflag:$0x1] =	stream.indirect.gather [hbm4b:s3+s8], $0x80, s2, s8, $0xb8;
	[tilespmem:$0xB400] =	vst v63  }
0x20: {  	_ = 	snop  }
0x21: {  	[tilespmem:s10], [sflag:$0x2] =	stream.indirect.gather [hbm4b:s3+s8], $0x80, s8, s8, $0xb8;
	[tilespmem:$0xB400] =	vst v63  }
0x22: {  	_ = 	snop  }
0x23: {  	[tilespmem:s12], [sflag:$0x3] =	stream.indirect.gather [hbm4b:s3+s8], $0x80, s11, s8, $0xb8;
	[tilespmem:$0xB400] =	vst v63  }
0x24: {  	s24 =	smov.u32 s6;
	s25 =	simm.s32 $0x0  }
0x25: {  	[tilespmem:s14], [sflag:$0x4] =	stream.indirect.gather [hbm4b:s3+s8], $0x80, s13, s8, $0xb8;
	[tilespmem:$0xB400] =	vst v63  }
.LBB2_2:
0x26: {  	_ =	swait.ge [sflag:s15], $0x2800  }
0x27: {  	p0 =	seq.s32 s25, $0x4B00;
	[sflag:s15] =	ssyncset.done $0x0  }
0x28: {  	s26 =	simm.s32 @!p0 $0x5;
	[sflag:s15] =	ssyncadd.s32 $0xFFFFD800  }
0x29: {  	[hbm4b:s24+s2] =	stream.linear.scatter [tilespmem:s9], [sflag:$0x5], $0x2800, $0x38;
	[tilespmem:$0xB400] =	vst v63  }
0x2a: {  	_ =	swait.ge @!p0 [sflag:s26], $0x2800  }
0x2b: {  	[sflag:s26] =	ssyncset.done @!p0 $0x0  }
0x2c: {  	[sflag:s26] =	ssyncadd.s32 @!p0 $0xFFFFD800;
	s26 =	sshra.s32 @!p0 s25, $0x2  }
0x2d: {  	s29 =	simm.s32 @!p0 $0x50;
	s30 =	simm.s32 @!p0 $0x1400;
	s28 =	sadd.s32 @!p0 $0x140, s26  }
0x2e: {  	[tilespmem:s30], [sflag:$0x1] =	stream.indirect.gather @!p0 [hbm4b:s3+s29], $0x80, s28, s29, $0xb8;
	[tilespmem:$0xB400] =	vst v63  }
0x2f: {  	_ =	swait.ge [sflag:s16], $0x2800  }
0x30: {  	[sflag:s16] =	ssyncset.done $0x0  }
0x31: {  	s31 =	sadd.s32 $0x500, s24;
	s28 =	simm.s32 @!p0 $0x6;
	[sflag:s16] =	ssyncadd.s32 $0xFFFFD800  }
0x32: {  	[hbm4b:s31+s2] =	stream.linear.scatter [tilespmem:s10], [sflag:$0x6], $0x2800, $0x38;
	[tilespmem:$0xB400] =	vst v63  }
0x33: {  	_ =	swait.ge @!p0 [sflag:s28], $0x2800  }
0x34: {  	[sflag:s28] =	ssyncset.done @!p0 $0x0  }
0x35: {  	s30 =	simm.s32 @!p0 $0x3C00;
	[sflag:s28] =	ssyncadd.s32 @!p0 $0xFFFFD800;
	s28 =	sadd.s32 @!p0 $0x190, s26  }
0x36: {  	[tilespmem:s30], [sflag:$0x2] =	stream.indirect.gather @!p0 [hbm4b:s3+s29], $0x80, s28, s29, $0xb8;
	[tilespmem:$0xB400] =	vst v63  }
0x37: {  	_ =	swait.ge [sflag:s17], $0x2800  }
0x38: {  	[sflag:s17] =	ssyncset.done $0x0  }
0x39: {  	s30 =	sadd.s32 $0xA00, s24;
	s28 =	simm.s32 @!p0 $0x7;
	[sflag:s17] =	ssyncadd.s32 $0xFFFFD800  }
0x3a: {  	[hbm4b:s30+s2] =	stream.linear.scatter [tilespmem:s12], [sflag:$0x7], $0x2800, $0x38;
	[tilespmem:$0xB400] =	vst v63  }
0x3b: {  	_ =	swait.ge @!p0 [sflag:s28], $0x2800  }
0x3c: {  	[sflag:s28] =	ssyncset.done @!p0 $0x0  }
0x3d: {  	s26 =	sadd.s32 @!p0 $0x1E0, s26;
	[sflag:s28] =	ssyncadd.s32 @!p0 $0xFFFFD800;
	s28 =	simm.s32 @!p0 $0x6400  }
0x3e: {  	[tilespmem:s28], [sflag:$0x3] =	stream.indirect.gather @!p0 [hbm4b:s3+s29], $0x80, s26, s29, $0xb8;
	[tilespmem:$0xB400] =	vst v63  }
.Ltmp2:
0x3f: {  	_ = 	snop;
	(pc) =	sbr.rel @p0 .LBB2_4-.Ltmp2, $4  }
0x40: {  	_ =	swait.ge [sflag:s18], $0x2800  }
0x41: {  	[sflag:s18] =	ssyncset.done $0x0  }
0x42: {  	s31 =	sadd.s32 $0xF00, s24;
	[sflag:s18] =	ssyncadd.s32 $0xFFFFD800  }
0x43: {  	[hbm4b:s31+s2] =	stream.linear.scatter [tilespmem:s14], [sflag:$0x8], $0x2800, $0x38;
	[tilespmem:$0xB400] =	vst v63  }
.Ltmp3:
0x44: {  	(pc) =	sbr.rel .LBB2_2-.Ltmp3, $4  }
0x45: {  	_ =	swait.ge [sflag:s22], $0x2800  }
0x46: {  	s26 =	sshra.s32 s25, $0x2;
	s25 =	sadd.s32 $0x500, s25;
	[sflag:s22] =	ssyncset.done $0x0  }
0x47: {  	s24 =	sadd.s32 $0x1400, s24;
	s26 =	sadd.s32 $0x230, s26;
	[sflag:s22] =	ssyncadd.s32 $0xFFFFD800  }
0x48: {  	[tilespmem:s14], [sflag:$0x4] =	stream.indirect.gather [hbm4b:s3+s8], $0x80, s26, s8, $0xb8;
	[tilespmem:$0xB400] =	vst v63  }
.LBB2_5:
0x49: {  	_ =	sfence.sel $0x180000  }
0x4a: {  	[bflag:$0x0] =	sbarrier.arrive $0xFFFF  }
0x4b: {  	p0 =	sne.s32 s0, $0x0;
	_ =	strace $0x9000004A  }
0x4c: {  	s0 =	sadd.s32 @!p0 $0x100000, s1;
	[bflag:$0x2] =	sbarrier.arrive $0xFFFF  }
0x4d: {  	[sflag:s0] =	ssyncadd.tile.s32 @!p0 $0x1;
	_ =	shalt  }
.Lfunc_end2:
_tile_overlayer_lowered:
.L_overlay_start_2:
0x4e: {  	(tag) =	ssettag $0x2  }
0x4f: {  	s0 =	rddreg [dreg:$0x0];
	s2 =	stileid.u32  }
0x50: {  	s1 =	rddreg [dreg:$0x1];
	p0 =	sne.s32 s2, $0x0  }
0x51: {  	s3 =	rddreg [dreg:$0x2];
	[bflag:$0x3] =	sbarrier.arrive $0xFFFF;
	s2 =	simm.s32 @!p0 $0x1C09  }
0x52: {  	[timem:s3], [sflag:s2] =	dma.local @!p0 [hbm:s0], s1  }
0x53: {  	s0 =	simm.s32 @!p0 $0x9  }
0x54: {  	_ =	swait.ge @!p0 [sflag:s0], s1  }
0x55: {  	s1 =	ssub.s32 @!p0 $0x0, s1;
	[sflag:s0] =	ssyncset.done @!p0 $0x0  }
0x56: {  	[sflag:s0] =	ssyncadd.s32 @!p0 s1  }
0x57: {  	[bflag:$0x3] =	sbarrier.arrive $0xFFFF  }
0x58: {  	_ =	shalt  }

// kernel: kernel.21.cloned.1.call-start
scs
__scs_entry_jumppad:
0x0: {  	(pc) =	sbr.rel $0x88, $3  }
0x1: {  	(tag) =	ssettag $0x0;
	lr =	simm.s32 $0x1  }
0x2: {  	[smem:$0x3F7F] =	sst lr;
	_ =	strace $0xD0000000  }
0x3: {  	_ = 	snop  }
0x4: {  	_ = 	snop  }
0x5: {  	_ = 	snop  }
0x6: {  	_ = 	snop  }
0x7: {  	_ = 	snop  }
__scs_overlays_trampoline_lowered:
0x8: {  	[smem:$0x3F8E] =	sst s0  }
0x9: {  	[smem:$0x3F8F] =	sst s1  }
0xa: {  	[smem:$0x3F90] =	sst s2  }
0xb: {  	[smem:$0x3F91] =	sst s3  }
0xc: {  	[smem:$0x3F92] =	sst s4  }
0xd: {  	[smem:$0x3F93] =	sst s5  }
0xe: {  	[smem:$0x3F94] =	sst s6  }
0xf: {  	[smem:$0x3F95] =	sst s7  }
0x10: {  	[smem:$0x3F96] =	sst s8  }
0x11: {  	[smem:$0x3F97] =	sst s9;
	s0 =	simm.s32 @!p0 $0x0  }
0x12: {  	s1 =	sld [smem:$0x3F7D];
	s0 =	simm.s32 @p0 $0x1  }
0x13: {  	[smem:$0x3F98] =	sst s0;
	s0 =	simm.s32 @!p1 $0x0  }
0x14: {  	s2 =	sld [smem:$0x3F7C];
	s0 =	simm.s32 @p1 $0x1  }
0x15: {  	[smem:$0x3F99] =	sst s0;
	s0 =	simm.s32 @!p2 $0x0  }
0x16: {  	s3 =	sld [smem:$0x3FDB];
	s0 =	simm.s32 @p2 $0x1  }
0x17: {  	s4 =	simm.s32 $0x1BF5;
	[smem:$0x3F9B] =	sst s0  }
0x18: {  	s0 =	sld [smem:$0x3F7E];
	_ =	swait.ge [sflag:s4], $0x0  }
0x19: {  	s7 =	sld [smem:$0x3F7F]  }
0x1a: {  	s8 =	sadd.s32 $0xFFFFE003, lr  }
0x1b: {  	s9 =	sadd.s32 $0xFFFFFEF7, lr;
	s5 =	simm.s32 $0xFFFFFFFF;
	p2 =	slt.u32 s8, $0xFFFFF086  }
0x1c: {  	p1 =	slt.u32 s9, $0xF7A;
	s5 =	simm.s32 @!p2 $0x0  }
0x1d: {  	s5 =	simm.s32 @p1 $0x1;
	p0 =	seq.s32 s7, s2  }
0x1e: {  	s7 =	smul.u32 @!p0 $0xF7A, s2;
	p2 =	seq.s32 @!p0 s5, $0x0  }
0x1f: {  	s9 =	smul.u32 $0xF7A, s1;
	s8 =	simm.s32 @!p0 $0x1BF5;
	p2 =	por !p2, p0  }
0x20: {  	[sflag:s8] =	ssyncset.s32 @!p0 $0xFFFFF086;
	s6 =	sadd.s32 @!p0 s3, s7;
	s7 =	simm.s32 @!p0 $0x108  }
0x21: {  	s3 =	sadd.s32 s3, s9;
	s6 =	sadd.s32 @!p0 $0x88, s6;
	s7 =	simm.s32 @p2 $0x1082  }
0x22: {  	[simem:s7], [sflag:s8] =	dma.local @!p0 [hbm:s6], $0xF7A  }
0x23: {  	s9 =	sor.u32 $0xD0000000, s2;
	s6 =	simm.s32 $0x108;
	_ =	swait.ge @!p0 [sflag:s8], $0x0  }
0x24: {  	s3 =	sadd.s32 $0x88, s3;
	s6 =	simm.s32 @!p1 $0x1082;
	[sflag:s4] =	ssyncset.s32 $0xFFFFF086  }
0x25: {  	[simem:s6], [sflag:s4] =	dma.local [hbm:s3], $0xF7A  }
0x26: {  	[smem:$0x3F7F] =	sst s1;
	(tag) =	ssettag s2;
	_ =	strace s9  }
0x27: {  	s1 =	sld [smem:$0x3F8F]  }
0x28: {  	s2 =	sld [smem:$0x3F90]  }
0x29: {  	s4 =	sld [smem:$0x3F92]  }
0x2a: {  	p0 =	seq.s32 s5, $0x0;
	s5 =	sld [smem:$0x3F93]  }
0x2b: {  	s6 =	sld [smem:$0x3F94]  }
0x2c: {  	s7 =	sld [smem:$0x3F95]  }
0x2d: {  	s3 =	simm.s32 $0x108;
	s8 =	sld [smem:$0x3F96]  }
0x2e: {  	s3 =	simm.s32 @!p0 $0x1082;
	s9 =	sld [smem:$0x3F97]  }
0x2f: {  	lr =	sadd.s32 s0, s3;
	s0 =	sld [smem:$0x3F8E]  }
0x30: {  	s3 =	sld [smem:$0x3F91]  }
0x31: {  	[smem:$0x3F9A] =	sst s10  }
0x32: {  	s10 =	sld [smem:$0x3F98];
	_ =	sdelay $0x3  }
0x33: {  	p0 =	seq.s32 s10, $0x1;
	s10 =	sld [smem:$0x3F9A];
	_ =	sdelay $0x3  }
0x34: {  	[smem:$0x3F9A] =	sst s10  }
0x35: {  	s10 =	sld [smem:$0x3F99];
	_ =	sdelay $0x3  }
0x36: {  	p1 =	seq.s32 s10, $0x1;
	s10 =	sld [smem:$0x3F9A];
	_ =	sdelay $0x3  }
0x37: {  	[smem:$0x3F9A] =	sst s10  }
0x38: {  	s10 =	sld [smem:$0x3F9B]  }
0x39: {  	_ = 	snop;
	(pc) =	sbr.ind lr, $3  }
0x3a: {  	_ = 	snop  }
0x3b: {  	_ = 	snop  }
0x3c: {  	p2 =	seq.s32 s10, $0x1;
	s10 =	sld [smem:$0x3F9A]  }
0x3d: {  	_ =	shalt  }
0x3e: {  	_ =	shalt  }
0x3f: {  	_ =	shalt  }
0x40: {  	_ =	shalt  }
0x41: {  	_ =	shalt  }
0x42: {  	_ =	shalt  }
0x43: {  	_ =	shalt  }
0x44: {  	_ =	shalt  }
0x45: {  	_ =	shalt  }
0x46: {  	_ =	shalt  }
0x47: {  	_ =	shalt  }
0x48: {  	_ =	shalt  }
0x49: {  	_ =	shalt  }
0x4a: {  	_ =	shalt  }
0x4b: {  	_ =	shalt  }
0x4c: {  	_ =	shalt  }
0x4d: {  	_ =	shalt  }
0x4e: {  	_ =	shalt  }
0x4f: {  	_ =	shalt  }
0x50: {  	_ =	shalt  }
0x51: {  	_ =	shalt  }
0x52: {  	_ =	shalt  }
0x53: {  	_ =	shalt  }
0x54: {  	_ =	shalt  }
0x55: {  	_ =	shalt  }
0x56: {  	_ =	shalt  }
0x57: {  	_ =	shalt  }
0x58: {  	_ =	shalt  }
0x59: {  	_ =	shalt  }
0x5a: {  	_ =	shalt  }
0x5b: {  	_ =	shalt  }
0x5c: {  	_ =	shalt  }
0x5d: {  	_ =	shalt  }
0x5e: {  	_ =	shalt  }
0x5f: {  	_ =	shalt  }
0x60: {  	_ =	shalt  }
0x61: {  	_ =	shalt  }
0x62: {  	_ =	shalt  }
0x63: {  	_ =	shalt  }
0x64: {  	_ =	shalt  }
0x65: {  	_ =	shalt  }
0x66: {  	_ =	shalt  }
0x67: {  	_ =	shalt  }
0x68: {  	_ =	shalt  }
0x69: {  	_ =	shalt  }
0x6a: {  	_ =	shalt  }
0x6b: {  	_ =	shalt  }
0x6c: {  	_ =	shalt  }
0x6d: {  	_ =	shalt  }
0x6e: {  	_ =	shalt  }
0x6f: {  	_ =	shalt  }
0x70: {  	_ =	shalt  }
0x71: {  	_ =	shalt  }
0x72: {  	_ =	shalt  }
0x73: {  	_ =	shalt  }
0x74: {  	_ =	shalt  }
0x75: {  	_ =	shalt  }
0x76: {  	_ =	shalt  }
0x77: {  	_ =	shalt  }
0x78: {  	_ =	shalt  }
0x79: {  	_ =	shalt  }
0x7a: {  	_ =	shalt  }
0x7b: {  	_ =	shalt  }
0x7c: {  	_ =	shalt  }
0x7d: {  	_ =	shalt  }
0x7e: {  	_ =	shalt  }
0x7f: {  	_ =	shalt  }
0x80: {  	_ =	shalt  }
0x81: {  	_ =	shalt  }
0x82: {  	_ =	shalt  }
0x83: {  	_ =	shalt  }
0x84: {  	_ =	shalt  }
0x85: {  	_ =	shalt  }
0x86: {  	_ =	shalt  }
0x87: {  	_ =	shalt  }
.Lfunc_end0:
.L_simem_size_0:
called_computation.2_lowered:
.L_overlay_start_0:
0x88: {  	s2 =	sld [smem:$0x3FD9]  }
0x89: {  	s3 =	sld [smem:$0x3FFE];
	_ =	sdelay $0x1  }
0x8a: {  	s1 =	srdreg.scid  }
0x8b: {  	s0 =	sand.u32 $0x1, s1  }
0x8c: {  	s16 =	sshll.u32 s0, $0xA;
	s2 =	sadd.s32 s3, s2  }
0x8d: {  	s2 =	sadd.s32 s2, s16  }
0x8e: {  	[smem:$0x3FA6] =	sst s2  }
0x8f: {  	_ = 	snop  }
0x90: {  	(tm) =	ssettm $0x1  }
0x91: {  	s17 =	sld [smem:$0x3FFB];
	_ =	sdelay $0x3  }
0x92: {  	_ =	strace s17  }
0x93: {  	s2 =	sld [smem:$0x3FFC];
	_ =	sdelay $0x3  }
0x94: {  	_ =	strace s2  }
0x95: {  	s2 =	sld [smem:$0x3FFD];
	_ =	sdelay $0x3  }
0x96: {  	_ =	strace s2  }
0x97: {  	_ =	strace $0x8FFFFFFF  }
0x98: {  	s18 =	sld [smem:$0x3FDB];
	_ =	sdelay $0x1  }
0x99: {  	s19 =	simm.s32 $_scs_section_size  }
0x9a: {  	s4 =	simm.s32 $_size__tile_overlayer_lowered;
	s5 =	simm.s32 $_tile_overlayer_lowered  }
0x9b: {  	s22 =	simm.s32 $0x1BFF;
	s21 =	sshll.u32 s5, $0x1;
	s2 =	sadd.s32 s19, s18  }
0x9c: {  	s6 =	simm.s32 $0x0;
	s20 =	sshll.u32 s4, $0x1;
	s4 =	sadd.s32 s21, s2  }
0x9d: {  	[timem:s6], [sflag:s22] =	dma.local [hbm:s4], s20  }
0x9e: {  	_ =	swait.ge [sflag:s22], s20  }
0x9f: {  	s3 =	ssub.s32 $0x0, s20;
	[sflag:s22] =	ssyncset.done $0x0  }
0xa0: {  	[sflag:s22] =	ssyncadd.s32 s3;
	_ =	sdelay $0x1  }
0xa1: {  	s23 =	simm.s32 $0x1B8B  }
0xa2: {  	_ =	swait.ge [sflag:s23], $0x1  }
0xa3: {  	[sflag:s23] =	ssyncset.done $0x0  }
0xa4: {  	s25 =	simm.s32 $0x1B8E;
	s24 =	sld [smem:$0x3FFE];
	[sflag:s23] =	ssyncadd.s32 $0xFFFFFFFF  }
0xa5: {  	s26 =	simm.s32 $execute0_lowered;
	[smem:$0x3FD2] =	sst s25  }
0xa6: {  	s4 =	sshll.u32 s26, $0x1;
	_ =	strace $0x8000004C;
	[dreg:$0x1] =	wrdreg $0xFFFFFFFF  }
0xa7: {  	s28 =	simm.s32 $_size_execute0_lowered;
	s2 =	sadd.s32 s2, s4;
	[dreg:$0x0] =	wrdreg $0x0  }
0xa8: {  	s4 =	sshll.u32 s28, $0x1;
	[dreg:$0x2] =	wrdreg s2  }
0xa9: {  	[dreg:$0x3] =	wrdreg s4  }
0xaa: {  	[dreg:$0x4] =	wrdreg $0xC0  }
0xab: {  	_ =	task [dreg:s6], $0x5FFFF  }
0xac: {  	[dreg:$0x1] =	wrdreg $0xFFFFFFFF  }
0xad: {  	[dreg:$0x0] =	wrdreg $0x60  }
0xae: {  	[dreg:$0x2] =	wrdreg s24  }
0xaf: {  	[dreg:$0x3] =	wrdreg $0x9  }
0xb0: {  	_ =	task.clear_ibuf [dreg:s6], $0x4FFFF;
	_ =	strace $0x9000004C  }
0xb1: {  	s29 =	simm.s32 $0x9;
	_ =	strace $0x8000004E  }
0xb2: {  	_ =	swait.ge [sflag:s29], $0x1  }
0xb3: {  	[sflag:s29] =	ssyncadd.s32 $0xFFFFFFFF  }
0xb4: {  	_ =	strace $0x9000004E  }
0xb5: {  	_ =	sfence  }
0xb6: {  	s30 =	sld [smem:$0x0];
	_ =	sdelay $0x2  }
0xb7: {  	s31 =	sshll.u32 s1, $0xD;
	s1 =	sshrl.u32 s1, $0x2  }
0xb8: {  	s3 =	sand.u32 $0x4000, s31;
	s1 =	sadd.s32 s1, s30  }
0xb9: {  	s0 =	sor.u32 s3, s0;
	s1 =	sshll.u32 s1, $0x11  }
0xba: {  	s0 =	sor.u32 s1, s0  }
0xbb: {  	s0 =	sadd.s32 $0x8F2B, s0  }
0xbc: {  	[sflag:s0] =	ssyncadd.remote.s32 $0x1  }
0xbd: {  	_ =	sfence.sel $0xFFFF  }
0xbe: {  	[dreg:$0x0] =	wrdreg $0xFFFFFFFF;
	(pc) =	sbr.abs _section_cstart, $3  }
0xbf: {  	[dreg:$0x1] =	wrdreg $0xFFFFFFFF  }
0xc0: {  	_ =	task.clear_ibuf [dreg:s6], $0x2FFFF;
	_ =	strace $0x9FFFFFFF  }
0xc1: {  	(tm) =	ssettm $0x7FFFFFFF  }
tec
execute0_lowered:
.L_overlay_start_1:
0x0: {  	(tag) =	ssettag $0x1  }
0x1: {  	s1 =	srdreg.scid;
	s0 =	stileid.u32  }
0x2: {  	s4 =	rddreg [dreg:$0x0];
	s2 =	simm.s32 $0x0;
	s10 =	simm.s32 $0x3C00  }
0x3: {  	s11 =	simm.s32 $0xA0;
	s12 =	simm.s32 $0x6400;
	s13 =	simm.s32 $0xF0  }
0x4: {  	s14 =	simm.s32 $0x8C00;
	s15 =	simm.s32 $0x1;
	s16 =	simm.s32 $0x2  }
0x5: {  	s17 =	simm.s32 $0x3;
	s18 =	simm.s32 $0x4;
	s19 =	simm.s32 $0x5  }
0x6: {  	s20 =	simm.s32 $0x6;
	s21 =	simm.s32 $0x7;
	s22 =	simm.s32 $0x8  }
0x7: {  	s23 =	simm.s32 $0x0;
	s3 =	sand.u32 $0x1, s1;
	s1 =	rddreg [dreg:$0x1]  }
0x8: {  	s5 =	sshll.u32 s0, $0x1;
	[smem:$0x7FF] =	sst s2;
	s6 =	smul.u32 $0x28000, s0  }
0x9: {  	s5 =	sor.u32 s3, s5;
	_ =	strace $0x8000004D;
	s9 =	smul.u32 $0x14000, s3  }
.Ltmp0:
0xa: {  	s7 =	ssub.s32 $0x2, s3;
	s3 =	sadd.s32 $0x7000, s4;
	(pc) =	sbr.rel .LBB2_1-.Ltmp0, $4  }
0xb: {  	s5 =	smul.u32 $0x280, s5;
	s8 =	sshrl.u32 s7, $0x1;
	s6 =	sadd.s32 s6, s4  }
0xc: {  	s7 =	ssub.s32 s7, s8;
	s6 =	sadd.s32 s9, s6;
	s8 =	simm.s32 $0x50  }
0xd: {  	s9 =	simm.s32 $0x1400;
	s5 =	sadd.s32 s5, s4;
	s6 =	sadd.s32 $0x4C000, s6  }
0xe: {  	s4 =	sadd.s32 $0x47000, s5;
	s5 =	smax.u32 s7, $0x1;
	s7 =	simm.s32 $0x9  }
.LBB2_4:
0xf: {  	_ =	swait.ge [sflag:s19], $0x2800  }
0x10: {  	[sflag:s19] =	ssyncset.done $0x0  }
0x11: {  	[sflag:s19] =	ssyncadd.s32 $0xFFFFD800  }
0x12: {  	_ =	swait.ge [sflag:s20], $0x2800  }
0x13: {  	[sflag:s20] =	ssyncset.done $0x0  }
0x14: {  	s23 =	sadd.s32 $0x1, s23;
	[sflag:s20] =	ssyncadd.s32 $0xFFFFD800  }
0x15: {  	p0 =	sne.s32 s23, s5;
	_ =	swait.ge [sflag:s21], $0x2800  }
.Ltmp1:
0x16: {  	[sflag:s21] =	ssyncset.done $0x0;
	(pc) =	sbr.rel @!p0 .LBB2_5-.Ltmp1, $4  }
0x17: {  	[sflag:s21] =	ssyncadd.s32 $0xFFFFD800  }
0x18: {  	_ =	swait.ge [sflag:s22], $0x2800  }
0x19: {  	[sflag:s22] =	ssyncset.done $0x0  }
0x1a: {  	[sflag:s22] =	ssyncadd.s32 $0xFFFFD800  }
.LBB2_1:
0x1b: {  	[tilespmem:s2], [sflag:$0x9] =	stream.linear.gather [hbm4b:s4+s2], $0x1400, $0x38;
	[tilespmem:$0xB400] =	vst v63  }
0x1c: {  	_ =	swait.ge [sflag:s7], $0x1400  }
0x1d: {  	[sflag:s7] =	ssyncset.done $0x0  }
0x1e: {  	[sflag:s7] =	ssyncadd.s32 $0xFFFFEC00  }
0x1f: {  	[tilespmem:s9], [sflag:$0x1] =	stream.indirect.gather [hbm4b:s3+s8], $0x80, s2, s8, $0xb8;
	[tilespmem:$0xB400] =	vst v63  }
0x20: {  	_ = 	snop  }
0x21: {  	[tilespmem:s10], [sflag:$0x2] =	stream.indirect.gather [hbm4b:s3+s8], $0x80, s8, s8, $0xb8;
	[tilespmem:$0xB400] =	vst v63  }
0x22: {  	_ = 	snop  }
0x23: {  	[tilespmem:s12], [sflag:$0x3] =	stream.indirect.gather [hbm4b:s3+s8], $0x80, s11, s8, $0xb8;
	[tilespmem:$0xB400] =	vst v63  }
0x24: {  	s24 =	smov.u32 s6;
	s25 =	simm.s32 $0x0  }
0x25: {  	[tilespmem:s14], [sflag:$0x4] =	stream.indirect.gather [hbm4b:s3+s8], $0x80, s13, s8, $0xb8;
	[tilespmem:$0xB400] =	vst v63  }
.LBB2_2:
0x26: {  	_ =	swait.ge [sflag:s15], $0x2800  }
0x27: {  	p0 =	seq.s32 s25, $0x4B00;
	[sflag:s15] =	ssyncset.done $0x0  }
0x28: {  	s26 =	simm.s32 @!p0 $0x5;
	[sflag:s15] =	ssyncadd.s32 $0xFFFFD800  }
0x29: {  	[hbm4b:s24+s2] =	stream.linear.scatter [tilespmem:s9], [sflag:$0x5], $0x2800, $0x38;
	[tilespmem:$0xB400] =	vst v63  }
0x2a: {  	_ =	swait.ge @!p0 [sflag:s26], $0x2800  }
0x2b: {  	[sflag:s26] =	ssyncset.done @!p0 $0x0  }
0x2c: {  	[sflag:s26] =	ssyncadd.s32 @!p0 $0xFFFFD800;
	s26 =	sshra.s32 @!p0 s25, $0x2  }
0x2d: {  	s29 =	simm.s32 @!p0 $0x50;
	s30 =	simm.s32 @!p0 $0x1400;
	s28 =	sadd.s32 @!p0 $0x140, s26  }
0x2e: {  	[tilespmem:s30], [sflag:$0x1] =	stream.indirect.gather @!p0 [hbm4b:s3+s29], $0x80, s28, s29, $0xb8;
	[tilespmem:$0xB400] =	vst v63  }
0x2f: {  	_ =	swait.ge [sflag:s16], $0x2800  }
0x30: {  	[sflag:s16] =	ssyncset.done $0x0  }
0x31: {  	s31 =	sadd.s32 $0x500, s24;
	s28 =	simm.s32 @!p0 $0x6;
	[sflag:s16] =	ssyncadd.s32 $0xFFFFD800  }
0x32: {  	[hbm4b:s31+s2] =	stream.linear.scatter [tilespmem:s10], [sflag:$0x6], $0x2800, $0x38;
	[tilespmem:$0xB400] =	vst v63  }
0x33: {  	_ =	swait.ge @!p0 [sflag:s28], $0x2800  }
0x34: {  	[sflag:s28] =	ssyncset.done @!p0 $0x0  }
0x35: {  	s30 =	simm.s32 @!p0 $0x3C00;
	[sflag:s28] =	ssyncadd.s32 @!p0 $0xFFFFD800;
	s28 =	sadd.s32 @!p0 $0x190, s26  }
0x36: {  	[tilespmem:s30], [sflag:$0x2] =	stream.indirect.gather @!p0 [hbm4b:s3+s29], $0x80, s28, s29, $0xb8;
	[tilespmem:$0xB400] =	vst v63  }
0x37: {  	_ =	swait.ge [sflag:s17], $0x2800  }
0x38: {  	[sflag:s17] =	ssyncset.done $0x0  }
0x39: {  	s30 =	sadd.s32 $0xA00, s24;
	s28 =	simm.s32 @!p0 $0x7;
	[sflag:s17] =	ssyncadd.s32 $0xFFFFD800  }
0x3a: {  	[hbm4b:s30+s2] =	stream.linear.scatter [tilespmem:s12], [sflag:$0x7], $0x2800, $0x38;
	[tilespmem:$0xB400] =	vst v63  }
0x3b: {  	_ =	swait.ge @!p0 [sflag:s28], $0x2800  }
0x3c: {  	[sflag:s28] =	ssyncset.done @!p0 $0x0  }
0x3d: {  	s26 =	sadd.s32 @!p0 $0x1E0, s26;
	[sflag:s28] =	ssyncadd.s32 @!p0 $0xFFFFD800;
	s28 =	simm.s32 @!p0 $0x6400  }
0x3e: {  	[tilespmem:s28], [sflag:$0x3] =	stream.indirect.gather @!p0 [hbm4b:s3+s29], $0x80, s26, s29, $0xb8;
	[tilespmem:$0xB400] =	vst v63  }
.Ltmp2:
0x3f: {  	_ = 	snop;
	(pc) =	sbr.rel @p0 .LBB2_4-.Ltmp2, $4  }
0x40: {  	_ =	swait.ge [sflag:s18], $0x2800  }
0x41: {  	[sflag:s18] =	ssyncset.done $0x0  }
0x42: {  	s31 =	sadd.s32 $0xF00, s24;
	[sflag:s18] =	ssyncadd.s32 $0xFFFFD800  }
0x43: {  	[hbm4b:s31+s2] =	stream.linear.scatter [tilespmem:s14], [sflag:$0x8], $0x2800, $0x38;
	[tilespmem:$0xB400] =	vst v63  }
.Ltmp3:
0x44: {  	(pc) =	sbr.rel .LBB2_2-.Ltmp3, $4  }
0x45: {  	_ =	swait.ge [sflag:s22], $0x2800  }
0x46: {  	s26 =	sshra.s32 s25, $0x2;
	s25 =	sadd.s32 $0x500, s25;
	[sflag:s22] =	ssyncset.done $0x0  }
0x47: {  	s24 =	sadd.s32 $0x1400, s24;
	s26 =	sadd.s32 $0x230, s26;
	[sflag:s22] =	ssyncadd.s32 $0xFFFFD800  }
0x48: {  	[tilespmem:s14], [sflag:$0x4] =	stream.indirect.gather [hbm4b:s3+s8], $0x80, s26, s8, $0xb8;
	[tilespmem:$0xB400] =	vst v63  }
.LBB2_5:
0x49: {  	_ =	sfence.sel $0x180000  }
0x4a: {  	[bflag:$0x0] =	sbarrier.arrive $0xFFFF  }
0x4b: {  	p0 =	sne.s32 s0, $0x0;
	_ =	strace $0x9000004D  }
0x4c: {  	s0 =	sadd.s32 @!p0 $0x100000, s1;
	[bflag:$0x2] =	sbarrier.arrive $0xFFFF  }
0x4d: {  	[sflag:s0] =	ssyncadd.tile.s32 @!p0 $0x1;
	_ =	shalt  }
.Lfunc_end2:
_tile_overlayer_lowered:
.L_overlay_start_2:
0x4e: {  	(tag) =	ssettag $0x2  }
0x4f: {  	s0 =	rddreg [dreg:$0x0];
	s2 =	stileid.u32  }
0x50: {  	s1 =	rddreg [dreg:$0x1];
	p0 =	sne.s32 s2, $0x0  }
0x51: {  	s3 =	rddreg [dreg:$0x2];
	[bflag:$0x3] =	sbarrier.arrive $0xFFFF;
	s2 =	simm.s32 @!p0 $0x1C09  }
0x52: {  	[timem:s3], [sflag:s2] =	dma.local @!p0 [hbm:s0], s1  }
0x53: {  	s0 =	simm.s32 @!p0 $0x9  }
0x54: {  	_ =	swait.ge @!p0 [sflag:s0], s1  }
0x55: {  	s1 =	ssub.s32 @!p0 $0x0, s1;
	[sflag:s0] =	ssyncset.done @!p0 $0x0  }
0x56: {  	[sflag:s0] =	ssyncadd.s32 @!p0 s1  }
0x57: {  	[bflag:$0x3] =	sbarrier.arrive $0xFFFF  }
0x58: {  	_ =	shalt  }

// kernel: kernel.24.cloned.1.call-start
scs
__scs_entry_jumppad:
0x0: {  	(pc) =	sbr.rel $0x88, $3  }
0x1: {  	(tag) =	ssettag $0x0;
	lr =	simm.s32 $0x1  }
0x2: {  	[smem:$0x3F7F] =	sst lr;
	_ =	strace $0xD0000000  }
0x3: {  	_ = 	snop  }
0x4: {  	_ = 	snop  }
0x5: {  	_ = 	snop  }
0x6: {  	_ = 	snop  }
0x7: {  	_ = 	snop  }
__scs_overlays_trampoline_lowered:
0x8: {  	[smem:$0x3F8E] =	sst s0  }
0x9: {  	[smem:$0x3F8F] =	sst s1  }
0xa: {  	[smem:$0x3F90] =	sst s2  }
0xb: {  	[smem:$0x3F91] =	sst s3  }
0xc: {  	[smem:$0x3F92] =	sst s4  }
0xd: {  	[smem:$0x3F93] =	sst s5  }
0xe: {  	[smem:$0x3F94] =	sst s6  }
0xf: {  	[smem:$0x3F95] =	sst s7  }
0x10: {  	[smem:$0x3F96] =	sst s8  }
0x11: {  	[smem:$0x3F97] =	sst s9;
	s0 =	simm.s32 @!p0 $0x0  }
0x12: {  	s1 =	sld [smem:$0x3F7D];
	s0 =	simm.s32 @p0 $0x1  }
0x13: {  	[smem:$0x3F98] =	sst s0;
	s0 =	simm.s32 @!p1 $0x0  }
0x14: {  	s2 =	sld [smem:$0x3F7C];
	s0 =	simm.s32 @p1 $0x1  }
0x15: {  	[smem:$0x3F99] =	sst s0;
	s0 =	simm.s32 @!p2 $0x0  }
0x16: {  	s3 =	sld [smem:$0x3FDB];
	s0 =	simm.s32 @p2 $0x1  }
0x17: {  	s4 =	simm.s32 $0x1BF5;
	[smem:$0x3F9B] =	sst s0  }
0x18: {  	s0 =	sld [smem:$0x3F7E];
	_ =	swait.ge [sflag:s4], $0x0  }
0x19: {  	s7 =	sld [smem:$0x3F7F]  }
0x1a: {  	s8 =	sadd.s32 $0xFFFFE003, lr  }
0x1b: {  	s9 =	sadd.s32 $0xFFFFFEF7, lr;
	s5 =	simm.s32 $0xFFFFFFFF;
	p2 =	slt.u32 s8, $0xFFFFF086  }
0x1c: {  	p1 =	slt.u32 s9, $0xF7A;
	s5 =	simm.s32 @!p2 $0x0  }
0x1d: {  	s5 =	simm.s32 @p1 $0x1;
	p0 =	seq.s32 s7, s2  }
0x1e: {  	s7 =	smul.u32 @!p0 $0xF7A, s2;
	p2 =	seq.s32 @!p0 s5, $0x0  }
0x1f: {  	s9 =	smul.u32 $0xF7A, s1;
	s8 =	simm.s32 @!p0 $0x1BF5;
	p2 =	por !p2, p0  }
0x20: {  	[sflag:s8] =	ssyncset.s32 @!p0 $0xFFFFF086;
	s6 =	sadd.s32 @!p0 s3, s7;
	s7 =	simm.s32 @!p0 $0x108  }
0x21: {  	s3 =	sadd.s32 s3, s9;
	s6 =	sadd.s32 @!p0 $0x88, s6;
	s7 =	simm.s32 @p2 $0x1082  }
0x22: {  	[simem:s7], [sflag:s8] =	dma.local @!p0 [hbm:s6], $0xF7A  }
0x23: {  	s9 =	sor.u32 $0xD0000000, s2;
	s6 =	simm.s32 $0x108;
	_ =	swait.ge @!p0 [sflag:s8], $0x0  }
0x24: {  	s3 =	sadd.s32 $0x88, s3;
	s6 =	simm.s32 @!p1 $0x1082;
	[sflag:s4] =	ssyncset.s32 $0xFFFFF086  }
0x25: {  	[simem:s6], [sflag:s4] =	dma.local [hbm:s3], $0xF7A  }
0x26: {  	[smem:$0x3F7F] =	sst s1;
	(tag) =	ssettag s2;
	_ =	strace s9  }
0x27: {  	s1 =	sld [smem:$0x3F8F]  }
0x28: {  	s2 =	sld [smem:$0x3F90]  }
0x29: {  	s4 =	sld [smem:$0x3F92]  }
0x2a: {  	p0 =	seq.s32 s5, $0x0;
	s5 =	sld [smem:$0x3F93]  }
0x2b: {  	s6 =	sld [smem:$0x3F94]  }
0x2c: {  	s7 =	sld [smem:$0x3F95]  }
0x2d: {  	s3 =	simm.s32 $0x108;
	s8 =	sld [smem:$0x3F96]  }
0x2e: {  	s3 =	simm.s32 @!p0 $0x1082;
	s9 =	sld [smem:$0x3F97]  }
0x2f: {  	lr =	sadd.s32 s0, s3;
	s0 =	sld [smem:$0x3F8E]  }
0x30: {  	s3 =	sld [smem:$0x3F91]  }
0x31: {  	[smem:$0x3F9A] =	sst s10  }
0x32: {  	s10 =	sld [smem:$0x3F98];
	_ =	sdelay $0x3  }
0x33: {  	p0 =	seq.s32 s10, $0x1;
	s10 =	sld [smem:$0x3F9A];
	_ =	sdelay $0x3  }
0x34: {  	[smem:$0x3F9A] =	sst s10  }
0x35: {  	s10 =	sld [smem:$0x3F99];
	_ =	sdelay $0x3  }
0x36: {  	p1 =	seq.s32 s10, $0x1;
	s10 =	sld [smem:$0x3F9A];
	_ =	sdelay $0x3  }
0x37: {  	[smem:$0x3F9A] =	sst s10  }
0x38: {  	s10 =	sld [smem:$0x3F9B]  }
0x39: {  	_ = 	snop;
	(pc) =	sbr.ind lr, $3  }
0x3a: {  	_ = 	snop  }
0x3b: {  	_ = 	snop  }
0x3c: {  	p2 =	seq.s32 s10, $0x1;
	s10 =	sld [smem:$0x3F9A]  }
0x3d: {  	_ =	shalt  }
0x3e: {  	_ =	shalt  }
0x3f: {  	_ =	shalt  }
0x40: {  	_ =	shalt  }
0x41: {  	_ =	shalt  }
0x42: {  	_ =	shalt  }
0x43: {  	_ =	shalt  }
0x44: {  	_ =	shalt  }
0x45: {  	_ =	shalt  }
0x46: {  	_ =	shalt  }
0x47: {  	_ =	shalt  }
0x48: {  	_ =	shalt  }
0x49: {  	_ =	shalt  }
0x4a: {  	_ =	shalt  }
0x4b: {  	_ =	shalt  }
0x4c: {  	_ =	shalt  }
0x4d: {  	_ =	shalt  }
0x4e: {  	_ =	shalt  }
0x4f: {  	_ =	shalt  }
0x50: {  	_ =	shalt  }
0x51: {  	_ =	shalt  }
0x52: {  	_ =	shalt  }
0x53: {  	_ =	shalt  }
0x54: {  	_ =	shalt  }
0x55: {  	_ =	shalt  }
0x56: {  	_ =	shalt  }
0x57: {  	_ =	shalt  }
0x58: {  	_ =	shalt  }
0x59: {  	_ =	shalt  }
0x5a: {  	_ =	shalt  }
0x5b: {  	_ =	shalt  }
0x5c: {  	_ =	shalt  }
0x5d: {  	_ =	shalt  }
0x5e: {  	_ =	shalt  }
0x5f: {  	_ =	shalt  }
0x60: {  	_ =	shalt  }
0x61: {  	_ =	shalt  }
0x62: {  	_ =	shalt  }
0x63: {  	_ =	shalt  }
0x64: {  	_ =	shalt  }
0x65: {  	_ =	shalt  }
0x66: {  	_ =	shalt  }
0x67: {  	_ =	shalt  }
0x68: {  	_ =	shalt  }
0x69: {  	_ =	shalt  }
0x6a: {  	_ =	shalt  }
0x6b: {  	_ =	shalt  }
0x6c: {  	_ =	shalt  }
0x6d: {  	_ =	shalt  }
0x6e: {  	_ =	shalt  }
0x6f: {  	_ =	shalt  }
0x70: {  	_ =	shalt  }
0x71: {  	_ =	shalt  }
0x72: {  	_ =	shalt  }
0x73: {  	_ =	shalt  }
0x74: {  	_ =	shalt  }
0x75: {  	_ =	shalt  }
0x76: {  	_ =	shalt  }
0x77: {  	_ =	shalt  }
0x78: {  	_ =	shalt  }
0x79: {  	_ =	shalt  }
0x7a: {  	_ =	shalt  }
0x7b: {  	_ =	shalt  }
0x7c: {  	_ =	shalt  }
0x7d: {  	_ =	shalt  }
0x7e: {  	_ =	shalt  }
0x7f: {  	_ =	shalt  }
0x80: {  	_ =	shalt  }
0x81: {  	_ =	shalt  }
0x82: {  	_ =	shalt  }
0x83: {  	_ =	shalt  }
0x84: {  	_ =	shalt  }
0x85: {  	_ =	shalt  }
0x86: {  	_ =	shalt  }
0x87: {  	_ =	shalt  }
.Lfunc_end0:
.L_simem_size_0:
called_computation.3_lowered:
.L_overlay_start_0:
0x88: {  	s2 =	sld [smem:$0x3FD9]  }
0x89: {  	s3 =	sld [smem:$0x3FFE];
	_ =	sdelay $0x1  }
0x8a: {  	s1 =	srdreg.scid  }
0x8b: {  	s0 =	sand.u32 $0x1, s1  }
0x8c: {  	s16 =	sshll.u32 s0, $0xA;
	s2 =	sadd.s32 s3, s2  }
0x8d: {  	s2 =	sadd.s32 s2, s16  }
0x8e: {  	[smem:$0x3FA6] =	sst s2  }
0x8f: {  	_ = 	snop  }
0x90: {  	(tm) =	ssettm $0x1  }
0x91: {  	s17 =	sld [smem:$0x3FFB];
	_ =	sdelay $0x3  }
0x92: {  	_ =	strace s17  }
0x93: {  	s2 =	sld [smem:$0x3FFC];
	_ =	sdelay $0x3  }
0x94: {  	_ =	strace s2  }
0x95: {  	s2 =	sld [smem:$0x3FFD];
	_ =	sdelay $0x3  }
0x96: {  	_ =	strace s2  }
0x97: {  	_ =	strace $0x8FFFFFFF  }
0x98: {  	s18 =	sld [smem:$0x3FDB];
	_ =	sdelay $0x1  }
0x99: {  	s19 =	simm.s32 $_scs_section_size  }
0x9a: {  	s4 =	simm.s32 $_size__tile_overlayer_lowered;
	s5 =	simm.s32 $_tile_overlayer_lowered  }
0x9b: {  	s22 =	simm.s32 $0x1BFF;
	s21 =	sshll.u32 s5, $0x1;
	s2 =	sadd.s32 s19, s18  }
0x9c: {  	s6 =	simm.s32 $0x0;
	s20 =	sshll.u32 s4, $0x1;
	s4 =	sadd.s32 s21, s2  }
0x9d: {  	[timem:s6], [sflag:s22] =	dma.local [hbm:s4], s20  }
0x9e: {  	_ =	swait.ge [sflag:s22], s20  }
0x9f: {  	s3 =	ssub.s32 $0x0, s20;
	[sflag:s22] =	ssyncset.done $0x0  }
0xa0: {  	[sflag:s22] =	ssyncadd.s32 s3;
	_ =	sdelay $0x1  }
0xa1: {  	s23 =	simm.s32 $0x1B8B  }
0xa2: {  	_ =	swait.ge [sflag:s23], $0x1  }
0xa3: {  	[sflag:s23] =	ssyncset.done $0x0  }
0xa4: {  	s25 =	simm.s32 $0x1B8E;
	s24 =	sld [smem:$0x3FFE];
	[sflag:s23] =	ssyncadd.s32 $0xFFFFFFFF  }
0xa5: {  	s26 =	simm.s32 $execute0_lowered;
	[smem:$0x3FD2] =	sst s25  }
0xa6: {  	s4 =	sshll.u32 s26, $0x1;
	_ =	strace $0x8000004F;
	[dreg:$0x1] =	wrdreg $0xFFFFFFFF  }
0xa7: {  	s28 =	simm.s32 $_size_execute0_lowered;
	s2 =	sadd.s32 s2, s4;
	[dreg:$0x0] =	wrdreg $0x0  }
0xa8: {  	s4 =	sshll.u32 s28, $0x1;
	[dreg:$0x2] =	wrdreg s2  }
0xa9: {  	[dreg:$0x3] =	wrdreg s4  }
0xaa: {  	[dreg:$0x4] =	wrdreg $0xC0  }
0xab: {  	_ =	task [dreg:s6], $0x5FFFF  }
0xac: {  	[dreg:$0x1] =	wrdreg $0xFFFFFFFF  }
0xad: {  	[dreg:$0x0] =	wrdreg $0x60  }
0xae: {  	[dreg:$0x2] =	wrdreg s24  }
0xaf: {  	[dreg:$0x3] =	wrdreg $0x9  }
0xb0: {  	_ =	task.clear_ibuf [dreg:s6], $0x4FFFF;
	_ =	strace $0x9000004F  }
0xb1: {  	s29 =	simm.s32 $0x9;
	_ =	strace $0x80000051  }
0xb2: {  	_ =	swait.ge [sflag:s29], $0x1  }
0xb3: {  	[sflag:s29] =	ssyncadd.s32 $0xFFFFFFFF  }
0xb4: {  	_ =	strace $0x90000051  }
0xb5: {  	_ =	sfence  }
0xb6: {  	s30 =	sld [smem:$0x0];
	_ =	sdelay $0x2  }
0xb7: {  	s31 =	sshll.u32 s1, $0xD;
	s1 =	sshrl.u32 s1, $0x2  }
0xb8: {  	s3 =	sand.u32 $0x4000, s31;
	s1 =	sadd.s32 s1, s30  }
0xb9: {  	s0 =	sor.u32 s3, s0;
	s1 =	sshll.u32 s1, $0x11  }
0xba: {  	s0 =	sor.u32 s1, s0  }
0xbb: {  	s0 =	sadd.s32 $0x8F2B, s0  }
0xbc: {  	[sflag:s0] =	ssyncadd.remote.s32 $0x1  }
0xbd: {  	_ =	sfence.sel $0xFFFF  }
0xbe: {  	[dreg:$0x0] =	wrdreg $0xFFFFFFFF;
	(pc) =	sbr.abs _section_cstart, $3  }
0xbf: {  	[dreg:$0x1] =	wrdreg $0xFFFFFFFF  }
0xc0: {  	_ =	task.clear_ibuf [dreg:s6], $0x2FFFF;
	_ =	strace $0x9FFFFFFF  }
0xc1: {  	(tm) =	ssettm $0x7FFFFFFF  }
tec
execute0_lowered:
.L_overlay_start_1:
0x0: {  	(tag) =	ssettag $0x1  }
0x1: {  	s1 =	srdreg.scid;
	s0 =	stileid.u32  }
0x2: {  	s4 =	rddreg [dreg:$0x0];
	s2 =	simm.s32 $0x0;
	s10 =	simm.s32 $0x3C00  }
0x3: {  	s11 =	simm.s32 $0xA0;
	s12 =	simm.s32 $0x6400;
	s13 =	simm.s32 $0xF0  }
0x4: {  	s14 =	simm.s32 $0x8C00;
	s15 =	simm.s32 $0x1;
	s16 =	simm.s32 $0x2  }
0x5: {  	s17 =	simm.s32 $0x3;
	s18 =	simm.s32 $0x4;
	s19 =	simm.s32 $0x5  }
0x6: {  	s20 =	simm.s32 $0x6;
	s21 =	simm.s32 $0x7;
	s22 =	simm.s32 $0x8  }
0x7: {  	s23 =	simm.s32 $0x0;
	s3 =	sand.u32 $0x1, s1;
	s1 =	rddreg [dreg:$0x1]  }
0x8: {  	s5 =	sshll.u32 s0, $0x1;
	[smem:$0x7FF] =	sst s2;
	s6 =	smul.u32 $0x28000, s0  }
0x9: {  	s5 =	sor.u32 s3, s5;
	_ =	strace $0x80000050;
	s9 =	smul.u32 $0x14000, s3  }
.Ltmp0:
0xa: {  	s7 =	ssub.s32 $0x2, s3;
	s3 =	sadd.s32 $0x7000, s4;
	(pc) =	sbr.rel .LBB2_1-.Ltmp0, $4  }
0xb: {  	s5 =	smul.u32 $0x280, s5;
	s8 =	sshrl.u32 s7, $0x1;
	s6 =	sadd.s32 s6, s4  }
0xc: {  	s7 =	ssub.s32 s7, s8;
	s6 =	sadd.s32 s9, s6;
	s8 =	simm.s32 $0x50  }
0xd: {  	s9 =	simm.s32 $0x1400;
	s5 =	sadd.s32 s5, s4;
	s6 =	sadd.s32 $0x4C000, s6  }
0xe: {  	s4 =	sadd.s32 $0x47000, s5;
	s5 =	smax.u32 s7, $0x1;
	s7 =	simm.s32 $0x9  }
.LBB2_4:
0xf: {  	_ =	swait.ge [sflag:s19], $0x2800  }
0x10: {  	[sflag:s19] =	ssyncset.done $0x0  }
0x11: {  	[sflag:s19] =	ssyncadd.s32 $0xFFFFD800  }
0x12: {  	_ =	swait.ge [sflag:s20], $0x2800  }
0x13: {  	[sflag:s20] =	ssyncset.done $0x0  }
0x14: {  	s23 =	sadd.s32 $0x1, s23;
	[sflag:s20] =	ssyncadd.s32 $0xFFFFD800  }
0x15: {  	p0 =	sne.s32 s23, s5;
	_ =	swait.ge [sflag:s21], $0x2800  }
.Ltmp1:
0x16: {  	[sflag:s21] =	ssyncset.done $0x0;
	(pc) =	sbr.rel @!p0 .LBB2_5-.Ltmp1, $4  }
0x17: {  	[sflag:s21] =	ssyncadd.s32 $0xFFFFD800  }
0x18: {  	_ =	swait.ge [sflag:s22], $0x2800  }
0x19: {  	[sflag:s22] =	ssyncset.done $0x0  }
0x1a: {  	[sflag:s22] =	ssyncadd.s32 $0xFFFFD800  }
.LBB2_1:
0x1b: {  	[tilespmem:s2], [sflag:$0x9] =	stream.linear.gather [hbm4b:s4+s2], $0x1400, $0x38;
	[tilespmem:$0xB400] =	vst v63  }
0x1c: {  	_ =	swait.ge [sflag:s7], $0x1400  }
0x1d: {  	[sflag:s7] =	ssyncset.done $0x0  }
0x1e: {  	[sflag:s7] =	ssyncadd.s32 $0xFFFFEC00  }
0x1f: {  	[tilespmem:s9], [sflag:$0x1] =	stream.indirect.gather [hbm4b:s3+s8], $0x80, s2, s8, $0xb8;
	[tilespmem:$0xB400] =	vst v63  }
0x20: {  	_ = 	snop  }
0x21: {  	[tilespmem:s10], [sflag:$0x2] =	stream.indirect.gather [hbm4b:s3+s8], $0x80, s8, s8, $0xb8;
	[tilespmem:$0xB400] =	vst v63  }
0x22: {  	_ = 	snop  }
0x23: {  	[tilespmem:s12], [sflag:$0x3] =	stream.indirect.gather [hbm4b:s3+s8], $0x80, s11, s8, $0xb8;
	[tilespmem:$0xB400] =	vst v63  }
0x24: {  	s24 =	smov.u32 s6;
	s25 =	simm.s32 $0x0  }
0x25: {  	[tilespmem:s14], [sflag:$0x4] =	stream.indirect.gather [hbm4b:s3+s8], $0x80, s13, s8, $0xb8;
	[tilespmem:$0xB400] =	vst v63  }
.LBB2_2:
0x26: {  	_ =	swait.ge [sflag:s15], $0x2800  }
0x27: {  	p0 =	seq.s32 s25, $0x4B00;
	[sflag:s15] =	ssyncset.done $0x0  }
0x28: {  	s26 =	simm.s32 @!p0 $0x5;
	[sflag:s15] =	ssyncadd.s32 $0xFFFFD800  }
0x29: {  	[hbm4b:s24+s2] =	stream.linear.scatter [tilespmem:s9], [sflag:$0x5], $0x2800, $0x38;
	[tilespmem:$0xB400] =	vst v63  }
0x2a: {  	_ =	swait.ge @!p0 [sflag:s26], $0x2800  }
0x2b: {  	[sflag:s26] =	ssyncset.done @!p0 $0x0  }
0x2c: {  	[sflag:s26] =	ssyncadd.s32 @!p0 $0xFFFFD800;
	s26 =	sshra.s32 @!p0 s25, $0x2  }
0x2d: {  	s29 =	simm.s32 @!p0 $0x50;
	s30 =	simm.s32 @!p0 $0x1400;
	s28 =	sadd.s32 @!p0 $0x140, s26  }
0x2e: {  	[tilespmem:s30], [sflag:$0x1] =	stream.indirect.gather @!p0 [hbm4b:s3+s29], $0x80, s28, s29, $0xb8;
	[tilespmem:$0xB400] =	vst v63  }
0x2f: {  	_ =	swait.ge [sflag:s16], $0x2800  }
0x30: {  	[sflag:s16] =	ssyncset.done $0x0  }
0x31: {  	s31 =	sadd.s32 $0x500, s24;
	s28 =	simm.s32 @!p0 $0x6;
	[sflag:s16] =	ssyncadd.s32 $0xFFFFD800  }
0x32: {  	[hbm4b:s31+s2] =	stream.linear.scatter [tilespmem:s10], [sflag:$0x6], $0x2800, $0x38;
	[tilespmem:$0xB400] =	vst v63  }
0x33: {  	_ =	swait.ge @!p0 [sflag:s28], $0x2800  }
0x34: {  	[sflag:s28] =	ssyncset.done @!p0 $0x0  }
0x35: {  	s30 =	simm.s32 @!p0 $0x3C00;
	[sflag:s28] =	ssyncadd.s32 @!p0 $0xFFFFD800;
	s28 =	sadd.s32 @!p0 $0x190, s26  }
0x36: {  	[tilespmem:s30], [sflag:$0x2] =	stream.indirect.gather @!p0 [hbm4b:s3+s29], $0x80, s28, s29, $0xb8;
	[tilespmem:$0xB400] =	vst v63  }
0x37: {  	_ =	swait.ge [sflag:s17], $0x2800  }
0x38: {  	[sflag:s17] =	ssyncset.done $0x0  }
0x39: {  	s30 =	sadd.s32 $0xA00, s24;
	s28 =	simm.s32 @!p0 $0x7;
	[sflag:s17] =	ssyncadd.s32 $0xFFFFD800  }
0x3a: {  	[hbm4b:s30+s2] =	stream.linear.scatter [tilespmem:s12], [sflag:$0x7], $0x2800, $0x38;
	[tilespmem:$0xB400] =	vst v63  }
0x3b: {  	_ =	swait.ge @!p0 [sflag:s28], $0x2800  }
0x3c: {  	[sflag:s28] =	ssyncset.done @!p0 $0x0  }
0x3d: {  	s26 =	sadd.s32 @!p0 $0x1E0, s26;
	[sflag:s28] =	ssyncadd.s32 @!p0 $0xFFFFD800;
	s28 =	simm.s32 @!p0 $0x6400  }
0x3e: {  	[tilespmem:s28], [sflag:$0x3] =	stream.indirect.gather @!p0 [hbm4b:s3+s29], $0x80, s26, s29, $0xb8;
	[tilespmem:$0xB400] =	vst v63  }
.Ltmp2:
0x3f: {  	_ = 	snop;
	(pc) =	sbr.rel @p0 .LBB2_4-.Ltmp2, $4  }
0x40: {  	_ =	swait.ge [sflag:s18], $0x2800  }
0x41: {  	[sflag:s18] =	ssyncset.done $0x0  }
0x42: {  	s31 =	sadd.s32 $0xF00, s24;
	[sflag:s18] =	ssyncadd.s32 $0xFFFFD800  }
0x43: {  	[hbm4b:s31+s2] =	stream.linear.scatter [tilespmem:s14], [sflag:$0x8], $0x2800, $0x38;
	[tilespmem:$0xB400] =	vst v63  }
.Ltmp3:
0x44: {  	(pc) =	sbr.rel .LBB2_2-.Ltmp3, $4  }
0x45: {  	_ =	swait.ge [sflag:s22], $0x2800  }
0x46: {  	s26 =	sshra.s32 s25, $0x2;
	s25 =	sadd.s32 $0x500, s25;
	[sflag:s22] =	ssyncset.done $0x0  }
0x47: {  	s24 =	sadd.s32 $0x1400, s24;
	s26 =	sadd.s32 $0x230, s26;
	[sflag:s22] =	ssyncadd.s32 $0xFFFFD800  }
0x48: {  	[tilespmem:s14], [sflag:$0x4] =	stream.indirect.gather [hbm4b:s3+s8], $0x80, s26, s8, $0xb8;
	[tilespmem:$0xB400] =	vst v63  }
.LBB2_5:
0x49: {  	_ =	sfence.sel $0x180000  }
0x4a: {  	[bflag:$0x0] =	sbarrier.arrive $0xFFFF  }
0x4b: {  	p0 =	sne.s32 s0, $0x0;
	_ =	strace $0x90000050  }
0x4c: {  	s0 =	sadd.s32 @!p0 $0x100000, s1;
	[bflag:$0x2] =	sbarrier.arrive $0xFFFF  }
0x4d: {  	[sflag:s0] =	ssyncadd.tile.s32 @!p0 $0x1;
	_ =	shalt  }
.Lfunc_end2:
_tile_overlayer_lowered:
.L_overlay_start_2:
0x4e: {  	(tag) =	ssettag $0x2  }
0x4f: {  	s0 =	rddreg [dreg:$0x0];
	s2 =	stileid.u32  }
0x50: {  	s1 =	rddreg [dreg:$0x1];
	p0 =	sne.s32 s2, $0x0  }
0x51: {  	s3 =	rddreg [dreg:$0x2];
	[bflag:$0x3] =	sbarrier.arrive $0xFFFF;
	s2 =	simm.s32 @!p0 $0x1C09  }
0x52: {  	[timem:s3], [sflag:s2] =	dma.local @!p0 [hbm:s0], s1  }
0x53: {  	s0 =	simm.s32 @!p0 $0x9  }
0x54: {  	_ =	swait.ge @!p0 [sflag:s0], s1  }
0x55: {  	s1 =	ssub.s32 @!p0 $0x0, s1;
	[sflag:s0] =	ssyncset.done @!p0 $0x0  }
0x56: {  	[sflag:s0] =	ssyncadd.s32 @!p0 s1  }
0x57: {  	[bflag:$0x3] =	sbarrier.arrive $0xFFFF  }
0x58: {  	_ =	shalt  }

</sc_bundles>
